<compile_context>
chip_gen: v7x
topology: tpu7x:2x2x1
jax: 0.10.2.dev20260603
libtpu: 0.0.44.dev20260713+nightly
codegen_flags: <defaults>
</compile_context>

<pallas_src>
import functools

import jax
import jax.numpy as jnp
from jax import lax
from jax.experimental import pallas as pl
from jax.experimental.pallas import tpu as pltpu
from jax.experimental.pallas import tpu_sc as plsc

N = 10000
PER = 2500
EPER = 106666
HID = 128

NC = 2
NS = 16
NW = NC * NS

B = 96
NBUF = 6
NB = 36
NGROUP = NB // NBUF
EPAD = NW * NB * B
SLAB = 160
ACC_ROWS = NS * SLAB

_sc_mesh = plsc.VectorSubcoreMesh(
    core_axis_name="c", subcore_axis_name="s", num_cores=NC, num_subcores=NS
)


@functools.partial(
    pl.kernel,
    out_type=jax.ShapeDtypeStruct((NC, ACC_ROWS, HID), jnp.float32),
    mesh=_sc_mesh,
    scratch_types=[
        pltpu.VMEM((NB, B), jnp.int32),
        pltpu.VMEM((NB, B), jnp.int32),
    ]
    + [pltpu.VMEM((B, HID), jnp.float32) for _ in range(NBUF)]
    + [pltpu.SemaphoreType.DMA for _ in range(2 * NBUF)]
    + [pltpu.VMEM_SHARED((ACC_ROWS, HID), jnp.float32)],
)
def _segment_sum_sc(table, sidx, didx, zeros, out, sidx_v, didx_v, *rest):
    rows = rest[:NBUF]
    gsem = rest[NBUF : 2 * NBUF]
    ssem = rest[2 * NBUF : 3 * NBUF]
    acc = rest[3 * NBUF]
    c = lax.axis_index("c")
    s = lax.axis_index("s")
    wid = c * NS + s
    pltpu.sync_copy(sidx.at[wid], sidx_v)
    for b in range(NBUF):
        pltpu.async_copy(table.at[sidx_v.at[b]], rows[b], gsem[b])
    pltpu.sync_copy(zeros.at[pl.ds(s * SLAB, SLAB)], acc.at[pl.ds(s * SLAB, SLAB)])
    pltpu.sync_copy(didx.at[wid], didx_v)
    plsc.subcore_barrier()


    def group(g, carry):
        base = g * NBUF
        for b in range(NBUF):
            j = base + b
            pltpu.make_async_copy(table.at[sidx_v.at[j]], rows[b], gsem[b]).wait()
            pltpu.async_copy(rows[b], acc.at[didx_v.at[j]], ssem[b], add=True)
        for b in range(NBUF):
            j = base + b
            jn = jnp.minimum(j + NBUF, NB - 1)
            pltpu.make_async_copy(rows[b], acc.at[didx_v.at[j]], ssem[b]).wait()
            pltpu.async_copy(table.at[sidx_v.at[jn]], rows[b], gsem[b])
        return carry

    lax.fori_loop(0, NGROUP, group, 0)
    for b in range(NBUF):
        pltpu.make_async_copy(table.at[sidx_v.at[NB - 1]], rows[b], gsem[b]).wait()
    plsc.subcore_barrier()
    pltpu.sync_copy(acc.at[pl.ds(s * SLAB, SLAB)], out.at[c, pl.ds(s * SLAB, SLAB)])


def _embed_body(x_ref, w_ref, b_ref, o_ref):
    o_ref[...] = jnp.tanh(
        jnp.dot(x_ref[...], w_ref[...], preferred_element_type=jnp.float32)
        + b_ref[...]
    )


def _resnet(x, w):
    h1 = jnp.tanh(jnp.dot(x, w[0], preferred_element_type=jnp.float32) + w[1])
    h2 = jnp.tanh(jnp.dot(h1, w[2], preferred_element_type=jnp.float32) + w[3])
    return jnp.dot(h2 + x, w[4], preferred_element_type=jnp.float32) + w[5]


def _level_body(*refs):
    p, ope = refs[0], refs[1]
    w = [r[...] for r in refs[2:26]]
    o = refs[26]
    ms = p[0, :PER, :] + p[1, :PER, :]
    mr = jnp.tanh(_resnet(ms, w[0:6]))
    mr = jnp.tanh(_resnet(mr, w[6:12]))
    cc = jnp.concatenate([ope[...], mr], axis=-1)
    e = jnp.tanh(_resnet(cc, w[12:18]))
    o[...] = jnp.tanh(_resnet(e, w[18:24]))


def _level_mlp(part, ope_l, wlist):
    return pl.pallas_call(
        _level_body,
        out_shape=jax.ShapeDtypeStruct((PER, HID), jnp.float32),
    )(part, ope_l, *wlist)


def kernel(node_feats, edge_index, node_depth, params):
    eW = params["embed_W"]
    eb = params["embed_b"].reshape(1, HID)
    embeds = pl.pallas_call(
        _embed_body,
        out_shape=jax.ShapeDtypeStruct((N, HID), jnp.float32),
    )(node_feats, eW, eb)

    zeros = jnp.zeros((ACC_ROWS, HID), jnp.float32)
    pad_s = jnp.arange(EPAD - EPER, dtype=jnp.int32) % PER
    pad_t = PER + jnp.arange(EPAD - EPER, dtype=jnp.int32) % (ACC_ROWS - PER)

    table = embeds
    out = embeds
    for l in (1, 2, 3):
        d = min(l - 1, 2)
        s_rel = edge_index[0, (l - 1) * EPER : l * EPER] - (l - 1) * PER
        t_rel = edge_index[1, (l - 1) * EPER : l * EPER] - l * PER
        sidx = jnp.concatenate([s_rel, pad_s]).reshape(NW, NB, B)
        didx = jnp.concatenate([t_rel, pad_t]).reshape(NW, NB, B)
        part = _segment_sum_sc(table, sidx, didx, zeros)
        ope_l = lax.slice(embeds, (l * PER, 0), ((l + 1) * PER, HID))
        wlist = []
        for rp in (
            params["mp_bwd"][d],
            params["mp_bwd1"][d],
            params["node_embeds"][d],
            params["node_embeds1"][d],
        ):
            wlist += [
                rp["W1"], rp["b1"].reshape(1, -1),
                rp["W2"], rp["b2"].reshape(1, -1),
                rp["W3"], rp["b3"].reshape(1, -1),
            ]
        e = _level_mlp(part, ope_l, wlist)
        table = e
        out = lax.dynamic_update_slice(out, e, (l * PER, 0))
    return out

# --- scband reference (transcript-rebuilt; emitter-appended) ---
"""Pipeline reference for scband-bid-mpgnn-64793876627816 (READ-ONLY COPY).

The authoritative reference and input builder live on the scoring server;
editing this copy changes nothing except your own understanding.
"""

import jax, jax.numpy as jnp
import numpy as np

N = 10000
PER = 2500
EPER = 106666
FEAT = 128
HID = 128


def _resnet_params(key, in_dim, hid, out_dim):
    k1, k2, k3 = jax.random.split(key, 3)
    def lin(k, i, o):
        return jax.random.normal(k, (i, o), dtype=jnp.float32) / np.sqrt(i)
    return {"W1": lin(k1, in_dim, hid), "b1": jnp.zeros((hid,), jnp.float32),
            "W2": lin(k2, hid, hid), "b2": jnp.zeros((hid,), jnp.float32),
            "W3": lin(k3, hid, out_dim), "b3": jnp.zeros((out_dim,), jnp.float32)}


def _resnet_apply(p, x):
    h1 = jnp.tanh(x @ p["W1"] + p["b1"])
    h2 = jnp.tanh(h1 @ p["W2"] + p["b2"])
    return (h2 + x) @ p["W3"] + p["b3"]


def setup_inputs(seed: int = 0):
    key = jax.random.key(seed)
    node_feats = jax.random.normal(jax.random.fold_in(key, 1), (N, FEAT), dtype=jnp.float32)
    rng = np.random.default_rng(0)
    srcs, dsts = [], []
    for l in range(1, 4):
        srcs.append(rng.integers((l - 1) * PER, l * PER, size=EPER))
        dsts.append(rng.integers(l * PER, (l + 1) * PER, size=EPER))
    edge_index = jnp.asarray(np.stack([np.concatenate(srcs), np.concatenate(dsts)]), dtype=jnp.int32)
    node_depth = jnp.asarray(np.minimum(np.maximum(np.arange(N) // PER - 1, 0), 2), dtype=jnp.int32)
    params = {
        "embed_W": jax.random.normal(jax.random.fold_in(key, 2), (FEAT, HID), dtype=jnp.float32) / np.sqrt(FEAT),
        "embed_b": jnp.zeros((HID,), jnp.float32),
        "mp_bwd": [_resnet_params(jax.random.fold_in(key, 10 + d), HID, HID, HID) for d in range(3)],
        "mp_bwd1": [_resnet_params(jax.random.fold_in(key, 20 + d), HID, HID, HID) for d in range(3)],
        "node_embeds": [_resnet_params(jax.random.fold_in(key, 30 + d), 2 * HID, 2 * HID, HID) for d in range(3)],
        "node_embeds1": [_resnet_params(jax.random.fold_in(key, 40 + d), HID, HID, HID) for d in range(3)],
    }
    return {"node_feats": node_feats, "edge_index": edge_index, "node_depth": node_depth, "params": params}


def reference(node_feats, edge_index, node_depth, params):
    # bwd_mpgnn.forward: topological (level-synchronous) propagation over a layered DAG.
    # Level 0 nodes: embeds = tanh(embed_op(node_feats)) (apply_func, no messages).
    # Level l>=1: msg = src bwd_node_embeds; redux = sum over mailbox -> depth-specific
    # mp_bwd resnets (each wrapped in tanh); apply = concat(tanh(embed_op(feats)), msgs_redux)
    # -> depth-specific node_embeds resnets (each wrapped in tanh).
    op_embeds = jnp.tanh(node_feats @ params["embed_W"] + params["embed_b"])
    embeds = op_embeds
    src = edge_index[0]
    dst = edge_index[1]
    for l in range(1, 4):
        d = min(l - 1, 2)
        e0, e1 = (l - 1) * EPER, l * EPER
        s = src[e0:e1]
        t = dst[e0:e1]
        msgs = jnp.take(embeds, s, axis=0)
        msgs_sum = jax.ops.segment_sum(msgs, t - l * PER, num_segments=PER)
        mr = jnp.tanh(_resnet_apply(params["mp_bwd"][d], msgs_sum))
        mr = jnp.tanh(_resnet_apply(params["mp_bwd1"][d], mr))
        concat = jnp.concatenate([op_embeds[l * PER:(l + 1) * PER], mr], axis=-1)
        e = jnp.tanh(_resnet_apply(params["node_embeds"][d], concat))
        e = jnp.tanh(_resnet_apply(params["node_embeds1"][d], e))
        embeds = embeds.at[l * PER:(l + 1) * PER].set(e)
    return embeds

if __name__ == "__main__":
    import jax
    _d = setup_inputs()
    print(jax.jit(kernel)(*tuple(_d.values())))

</pallas_src>

<mosaic_0001>
#map = affine_map<(d0, d1) -> (0, 0)>
#map1 = affine_map<(d0, d1) -> (0, 0, 0)>
module attributes {stable_mosaic.version = 14 : i64} {
  func.func @_segment_sum_sc(%arg0: i32, %arg1: i32, %arg2: memref<10000x128xf32, #tpu.memory_space<hbm>>, %arg3: memref<32x36x96xi32, #tpu.memory_space<hbm>>, %arg4: memref<32x36x96xi32, #tpu.memory_space<hbm>>, %arg5: memref<2560x128xf32, #tpu.memory_space<hbm>>, %arg6: memref<2x2560x128xf32, #tpu.memory_space<hbm>>, %arg7: memref<36x96xi32, #tpu.memory_space<vmem>>, %arg8: memref<36x96xi32, #tpu.memory_space<vmem>>, %arg9: memref<96x128xf32, #tpu.memory_space<vmem>>, %arg10: memref<96x128xf32, #tpu.memory_space<vmem>>, %arg11: memref<96x128xf32, #tpu.memory_space<vmem>>, %arg12: memref<96x128xf32, #tpu.memory_space<vmem>>, %arg13: memref<96x128xf32, #tpu.memory_space<vmem>>, %arg14: memref<96x128xf32, #tpu.memory_space<vmem>>, %arg15: memref<!tpu.dma_semaphore, #tpu.memory_space<semaphore_mem>>, %arg16: memref<!tpu.dma_semaphore, #tpu.memory_space<semaphore_mem>>, %arg17: memref<!tpu.dma_semaphore, #tpu.memory_space<semaphore_mem>>, %arg18: memref<!tpu.dma_semaphore, #tpu.memory_space<semaphore_mem>>, %arg19: memref<!tpu.dma_semaphore, #tpu.memory_space<semaphore_mem>>, %arg20: memref<!tpu.dma_semaphore, #tpu.memory_space<semaphore_mem>>, %arg21: memref<!tpu.dma_semaphore, #tpu.memory_space<semaphore_mem>>, %arg22: memref<!tpu.dma_semaphore, #tpu.memory_space<semaphore_mem>>, %arg23: memref<!tpu.dma_semaphore, #tpu.memory_space<semaphore_mem>>, %arg24: memref<!tpu.dma_semaphore, #tpu.memory_space<semaphore_mem>>, %arg25: memref<!tpu.dma_semaphore, #tpu.memory_space<semaphore_mem>>, %arg26: memref<!tpu.dma_semaphore, #tpu.memory_space<semaphore_mem>>, %arg27: memref<2560x128xf32, #tpu.memory_space<vmem_shared>>) attributes {dimension_semantics = [#tpu.dimension_semantics<core_parallel>, #tpu.dimension_semantics<subcore_parallel>], iteration_bounds = array<i64: 2, 16>, scalar_prefetch = 0 : i64, scratch_operands = 21 : i64, tpu.core_type = #tpu.core_type<sc_vector_subcore>, window_params = [{transform_indices = #map}, {transform_indices = #map1}, {transform_indices = #map1}, {transform_indices = #map}, {transform_indices = #map1}]} {
    %mul3A = arith.constant 16 : i32
    %mul3A_0 = arith.muli %arg0, %mul3A : i32
    %add3A = arith.addi %mul3A_0, %arg1 : i32
    "tpu.region"() ({
      %run_scoped3A = tpu.sem_alloc : memref<!tpu.dma_semaphore, #tpu.memory_space<semaphore_mem>>
      %dma_start3A_97 = arith.constant 0 : i32
      %dma_start3A_98 = arith.constant 0 : i32
      %dma_start3A_99 = tpu.memref_slice %arg3[%add3A, %dma_start3A_97, %dma_start3A_98] : memref<32x36x96xi32, #tpu.memory_space<hbm>> -> memref<1x36x96xi32, #tpu.memory_space<hbm>>
      %dma_start3A_100 = tpu.memref_squeeze %dma_start3A_99 : memref<1x36x96xi32, #tpu.memory_space<hbm>> -> memref<36x96xi32, #tpu.memory_space<hbm>>
      %dma_start3A_101 = arith.constant 0 : i32
      %dma_start3A_102 = arith.constant 0 : i32
      %dma_start3A_103 = tpu.memref_slice %arg3[%add3A, %dma_start3A_101, %dma_start3A_102] : memref<32x36x96xi32, #tpu.memory_space<hbm>> -> memref<1x36x96xi32, #tpu.memory_space<hbm>>
      %dma_start3A_104 = tpu.memref_squeeze %dma_start3A_103 : memref<1x36x96xi32, #tpu.memory_space<hbm>> -> memref<36x96xi32, #tpu.memory_space<hbm>>
      tpu.enqueue_dma source(%dma_start3A_104 : memref<36x96xi32, #tpu.memory_space<hbm>>) target(%arg7 : memref<36x96xi32, #tpu.memory_space<vmem>>) target_semaphore(%run_scoped3A : memref<!tpu.dma_semaphore, #tpu.memory_space<semaphore_mem>>)
      %dma_wait3A_105 = arith.constant 0 : i32
      %dma_wait3A_106 = arith.constant 0 : i32
      %dma_wait3A_107 = tpu.memref_slice %arg3[%add3A, %dma_wait3A_105, %dma_wait3A_106] : memref<32x36x96xi32, #tpu.memory_space<hbm>> -> memref<1x36x96xi32, #tpu.memory_space<hbm>>
      %dma_wait3A_108 = tpu.memref_squeeze %dma_wait3A_107 : memref<1x36x96xi32, #tpu.memory_space<hbm>> -> memref<36x96xi32, #tpu.memory_space<hbm>>
      %dma_wait3A_109 = arith.constant 0 : i32
      %dma_wait3A_110 = arith.constant 0 : i32
      %dma_wait3A_111 = tpu.memref_slice %arg3[%add3A, %dma_wait3A_109, %dma_wait3A_110] : memref<32x36x96xi32, #tpu.memory_space<hbm>> -> memref<1x36x96xi32, #tpu.memory_space<hbm>>
      %dma_wait3A_112 = tpu.memref_squeeze %dma_wait3A_111 : memref<1x36x96xi32, #tpu.memory_space<hbm>> -> memref<36x96xi32, #tpu.memory_space<hbm>>
      tpu.wait_dma2 semaphore(%run_scoped3A : memref<!tpu.dma_semaphore, #tpu.memory_space<semaphore_mem>>) src(%dma_wait3A_112 : memref<36x96xi32, #tpu.memory_space<hbm>>) dst(%arg7 : memref<36x96xi32, #tpu.memory_space<vmem>>)
      tpu.yield
    }) : () -> ()
    %dma_start3A = arith.constant 0 : i32
    %dma_start3A_1 = arith.constant 0 : i32
    %dma_start3A_2 = tpu.memref_slice %arg7[%dma_start3A, %dma_start3A_1] : memref<36x96xi32, #tpu.memory_space<vmem>> -> memref<1x96xi32, #tpu.memory_space<vmem>>
    %dma_start3A_3 = tpu.memref_squeeze %dma_start3A_2 : memref<1x96xi32, #tpu.memory_space<vmem>> -> memref<96xi32, #tpu.memory_space<vmem>>
    %dma_start3A_4 = arith.constant 0 : i32
    %dma_start3A_5 = arith.constant 0 : i32
    %dma_start3A_6 = tpu.memref_slice %arg2[%dma_start3A_4, %dma_start3A_5] : memref<10000x128xf32, #tpu.memory_space<hbm>> -> memref<10000x128xf32, #tpu.memory_space<hbm>>
    tpu.enqueue_indirect_dma source(%dma_start3A_6 : memref<10000x128xf32, #tpu.memory_space<hbm>>) target(%arg9 : memref<96x128xf32, #tpu.memory_space<vmem>>) offsets(%dma_start3A_3 : memref<96xi32, #tpu.memory_space<vmem>>) semaphore(%arg15 : memref<!tpu.dma_semaphore, #tpu.memory_space<semaphore_mem>>)
    %dma_start3A_7 = arith.constant 1 : i32
    %dma_start3A_8 = arith.constant 0 : i32
    %dma_start3A_9 = tpu.memref_slice %arg7[%dma_start3A_7, %dma_start3A_8] : memref<36x96xi32, #tpu.memory_space<vmem>> -> memref<1x96xi32, #tpu.memory_space<vmem>>
    %dma_start3A_10 = tpu.memref_squeeze %dma_start3A_9 : memref<1x96xi32, #tpu.memory_space<vmem>> -> memref<96xi32, #tpu.memory_space<vmem>>
    %dma_start3A_11 = arith.constant 0 : i32
    %dma_start3A_12 = arith.constant 0 : i32
    %dma_start3A_13 = tpu.memref_slice %arg2[%dma_start3A_11, %dma_start3A_12] : memref<10000x128xf32, #tpu.memory_space<hbm>> -> memref<10000x128xf32, #tpu.memory_space<hbm>>
    tpu.enqueue_indirect_dma source(%dma_start3A_13 : memref<10000x128xf32, #tpu.memory_space<hbm>>) target(%arg10 : memref<96x128xf32, #tpu.memory_space<vmem>>) offsets(%dma_start3A_10 : memref<96xi32, #tpu.memory_space<vmem>>) semaphore(%arg16 : memref<!tpu.dma_semaphore, #tpu.memory_space<semaphore_mem>>)
    %dma_start3A_14 = arith.constant 2 : i32
    %dma_start3A_15 = arith.constant 0 : i32
    %dma_start3A_16 = tpu.memref_slice %arg7[%dma_start3A_14, %dma_start3A_15] : memref<36x96xi32, #tpu.memory_space<vmem>> -> memref<1x96xi32, #tpu.memory_space<vmem>>
    %dma_start3A_17 = tpu.memref_squeeze %dma_start3A_16 : memref<1x96xi32, #tpu.memory_space<vmem>> -> memref<96xi32, #tpu.memory_space<vmem>>
    %dma_start3A_18 = arith.constant 0 : i32
    %dma_start3A_19 = arith.constant 0 : i32
    %dma_start3A_20 = tpu.memref_slice %arg2[%dma_start3A_18, %dma_start3A_19] : memref<10000x128xf32, #tpu.memory_space<hbm>> -> memref<10000x128xf32, #tpu.memory_space<hbm>>
    tpu.enqueue_indirect_dma source(%dma_start3A_20 : memref<10000x128xf32, #tpu.memory_space<hbm>>) target(%arg11 : memref<96x128xf32, #tpu.memory_space<vmem>>) offsets(%dma_start3A_17 : memref<96xi32, #tpu.memory_space<vmem>>) semaphore(%arg17 : memref<!tpu.dma_semaphore, #tpu.memory_space<semaphore_mem>>)
    %dma_start3A_21 = arith.constant 3 : i32
    %dma_start3A_22 = arith.constant 0 : i32
    %dma_start3A_23 = tpu.memref_slice %arg7[%dma_start3A_21, %dma_start3A_22] : memref<36x96xi32, #tpu.memory_space<vmem>> -> memref<1x96xi32, #tpu.memory_space<vmem>>
    %dma_start3A_24 = tpu.memref_squeeze %dma_start3A_23 : memref<1x96xi32, #tpu.memory_space<vmem>> -> memref<96xi32, #tpu.memory_space<vmem>>
    %dma_start3A_25 = arith.constant 0 : i32
    %dma_start3A_26 = arith.constant 0 : i32
    %dma_start3A_27 = tpu.memref_slice %arg2[%dma_start3A_25, %dma_start3A_26] : memref<10000x128xf32, #tpu.memory_space<hbm>> -> memref<10000x128xf32, #tpu.memory_space<hbm>>
    tpu.enqueue_indirect_dma source(%dma_start3A_27 : memref<10000x128xf32, #tpu.memory_space<hbm>>) target(%arg12 : memref<96x128xf32, #tpu.memory_space<vmem>>) offsets(%dma_start3A_24 : memref<96xi32, #tpu.memory_space<vmem>>) semaphore(%arg18 : memref<!tpu.dma_semaphore, #tpu.memory_space<semaphore_mem>>)
    %dma_start3A_28 = arith.constant 4 : i32
    %dma_start3A_29 = arith.constant 0 : i32
    %dma_start3A_30 = tpu.memref_slice %arg7[%dma_start3A_28, %dma_start3A_29] : memref<36x96xi32, #tpu.memory_space<vmem>> -> memref<1x96xi32, #tpu.memory_space<vmem>>
    %dma_start3A_31 = tpu.memref_squeeze %dma_start3A_30 : memref<1x96xi32, #tpu.memory_space<vmem>> -> memref<96xi32, #tpu.memory_space<vmem>>
    %dma_start3A_32 = arith.constant 0 : i32
    %dma_start3A_33 = arith.constant 0 : i32
    %dma_start3A_34 = tpu.memref_slice %arg2[%dma_start3A_32, %dma_start3A_33] : memref<10000x128xf32, #tpu.memory_space<hbm>> -> memref<10000x128xf32, #tpu.memory_space<hbm>>
    tpu.enqueue_indirect_dma source(%dma_start3A_34 : memref<10000x128xf32, #tpu.memory_space<hbm>>) target(%arg13 : memref<96x128xf32, #tpu.memory_space<vmem>>) offsets(%dma_start3A_31 : memref<96xi32, #tpu.memory_space<vmem>>) semaphore(%arg19 : memref<!tpu.dma_semaphore, #tpu.memory_space<semaphore_mem>>)
    %dma_start3A_35 = arith.constant 5 : i32
    %dma_start3A_36 = arith.constant 0 : i32
    %dma_start3A_37 = tpu.memref_slice %arg7[%dma_start3A_35, %dma_start3A_36] : memref<36x96xi32, #tpu.memory_space<vmem>> -> memref<1x96xi32, #tpu.memory_space<vmem>>
    %dma_start3A_38 = tpu.memref_squeeze %dma_start3A_37 : memref<1x96xi32, #tpu.memory_space<vmem>> -> memref<96xi32, #tpu.memory_space<vmem>>
    %dma_start3A_39 = arith.constant 0 : i32
    %dma_start3A_40 = arith.constant 0 : i32
    %dma_start3A_41 = tpu.memref_slice %arg2[%dma_start3A_39, %dma_start3A_40] : memref<10000x128xf32, #tpu.memory_space<hbm>> -> memref<10000x128xf32, #tpu.memory_space<hbm>>
    tpu.enqueue_indirect_dma source(%dma_start3A_41 : memref<10000x128xf32, #tpu.memory_space<hbm>>) target(%arg14 : memref<96x128xf32, #tpu.memory_space<vmem>>) offsets(%dma_start3A_38 : memref<96xi32, #tpu.memory_space<vmem>>) semaphore(%arg20 : memref<!tpu.dma_semaphore, #tpu.memory_space<semaphore_mem>>)
    %mul3A_42 = arith.constant 160 : i32
    %mul3A_43 = arith.muli %arg1, %mul3A_42 : i32
    %mul3A_44 = arith.constant 160 : i32
    %mul3A_45 = arith.muli %arg1, %mul3A_44 : i32
    "tpu.region"() ({
      %run_scoped3A = tpu.sem_alloc : memref<!tpu.dma_semaphore, #tpu.memory_space<semaphore_mem>>
      %dma_start3A_97 = arith.constant 0 : i32
      %dma_start3A_98 = tpu.memref_slice %arg27[%mul3A_45, %dma_start3A_97] : memref<2560x128xf32, #tpu.memory_space<vmem_shared>> -> memref<160x128xf32, #tpu.memory_space<vmem_shared>>
      %dma_start3A_99 = arith.constant 0 : i32
      %dma_start3A_100 = tpu.memref_slice %arg5[%mul3A_43, %dma_start3A_99] : memref<2560x128xf32, #tpu.memory_space<hbm>> -> memref<160x128xf32, #tpu.memory_space<hbm>>
      tpu.enqueue_dma source(%dma_start3A_100 : memref<160x128xf32, #tpu.memory_space<hbm>>) target(%dma_start3A_98 : memref<160x128xf32, #tpu.memory_space<vmem_shared>>) target_semaphore(%run_scoped3A : memref<!tpu.dma_semaphore, #tpu.memory_space<semaphore_mem>>)
      %dma_wait3A_101 = arith.constant 0 : i32
      %dma_wait3A_102 = tpu.memref_slice %arg27[%mul3A_45, %dma_wait3A_101] : memref<2560x128xf32, #tpu.memory_space<vmem_shared>> -> memref<160x128xf32, #tpu.memory_space<vmem_shared>>
      %dma_wait3A_103 = arith.constant 0 : i32
      %dma_wait3A_104 = tpu.memref_slice %arg5[%mul3A_43, %dma_wait3A_103] : memref<2560x128xf32, #tpu.memory_space<hbm>> -> memref<160x128xf32, #tpu.memory_space<hbm>>
      tpu.wait_dma2 semaphore(%run_scoped3A : memref<!tpu.dma_semaphore, #tpu.memory_space<semaphore_mem>>) src(%dma_wait3A_104 : memref<160x128xf32, #tpu.memory_space<hbm>>) dst(%dma_wait3A_102 : memref<160x128xf32, #tpu.memory_space<vmem_shared>>)
      tpu.yield
    }) : () -> ()
    "tpu.region"() ({
      %run_scoped3A = tpu.sem_alloc : memref<!tpu.dma_semaphore, #tpu.memory_space<semaphore_mem>>
      %dma_start3A_97 = arith.constant 0 : i32
      %dma_start3A_98 = arith.constant 0 : i32
      %dma_start3A_99 = tpu.memref_slice %arg4[%add3A, %dma_start3A_97, %dma_start3A_98] : memref<32x36x96xi32, #tpu.memory_space<hbm>> -> memref<1x36x96xi32, #tpu.memory_space<hbm>>
      %dma_start3A_100 = tpu.memref_squeeze %dma_start3A_99 : memref<1x36x96xi32, #tpu.memory_space<hbm>> -> memref<36x96xi32, #tpu.memory_space<hbm>>
      %dma_start3A_101 = arith.constant 0 : i32
      %dma_start3A_102 = arith.constant 0 : i32
      %dma_start3A_103 = tpu.memref_slice %arg4[%add3A, %dma_start3A_101, %dma_start3A_102] : memref<32x36x96xi32, #tpu.memory_space<hbm>> -> memref<1x36x96xi32, #tpu.memory_space<hbm>>
      %dma_start3A_104 = tpu.memref_squeeze %dma_start3A_103 : memref<1x36x96xi32, #tpu.memory_space<hbm>> -> memref<36x96xi32, #tpu.memory_space<hbm>>
      tpu.enqueue_dma source(%dma_start3A_104 : memref<36x96xi32, #tpu.memory_space<hbm>>) target(%arg8 : memref<36x96xi32, #tpu.memory_space<vmem>>) target_semaphore(%run_scoped3A : memref<!tpu.dma_semaphore, #tpu.memory_space<semaphore_mem>>)
      %dma_wait3A_105 = arith.constant 0 : i32
      %dma_wait3A_106 = arith.constant 0 : i32
      %dma_wait3A_107 = tpu.memref_slice %arg4[%add3A, %dma_wait3A_105, %dma_wait3A_106] : memref<32x36x96xi32, #tpu.memory_space<hbm>> -> memref<1x36x96xi32, #tpu.memory_space<hbm>>
      %dma_wait3A_108 = tpu.memref_squeeze %dma_wait3A_107 : memref<1x36x96xi32, #tpu.memory_space<hbm>> -> memref<36x96xi32, #tpu.memory_space<hbm>>
      %dma_wait3A_109 = arith.constant 0 : i32
      %dma_wait3A_110 = arith.constant 0 : i32
      %dma_wait3A_111 = tpu.memref_slice %arg4[%add3A, %dma_wait3A_109, %dma_wait3A_110] : memref<32x36x96xi32, #tpu.memory_space<hbm>> -> memref<1x36x96xi32, #tpu.memory_space<hbm>>
      %dma_wait3A_112 = tpu.memref_squeeze %dma_wait3A_111 : memref<1x36x96xi32, #tpu.memory_space<hbm>> -> memref<36x96xi32, #tpu.memory_space<hbm>>
      tpu.wait_dma2 semaphore(%run_scoped3A : memref<!tpu.dma_semaphore, #tpu.memory_space<semaphore_mem>>) src(%dma_wait3A_112 : memref<36x96xi32, #tpu.memory_space<hbm>>) dst(%arg8 : memref<36x96xi32, #tpu.memory_space<vmem>>)
      tpu.yield
    }) : () -> ()
    %barrier3A = arith.constant 0 : index
    tpu.barrier barrier_id(%barrier3A)
    %scan3A = arith.constant 0 : i32
    %scan3A_46 = arith.constant 0 : i32
    %scan3A_47 = arith.constant 6 : i32
    %scan3A_48 = arith.addi %scan3A_46, %scan3A_47 : i32
    %scan3A_49 = arith.constant 1 : i32
    scf.for %scan3A_97 = %scan3A_46 to %scan3A_48 step %scan3A_49  : i32 {
      %mul3A_98 = arith.constant 6 : i32
      %mul3A_99 = arith.muli %scan3A_97, %mul3A_98 : i32
      %add3A_100 = arith.constant 0 : i32
      %add3A_101 = arith.addi %mul3A_99, %add3A_100 : i32
      %dma_wait3A_102 = arith.constant 0 : i32
      %dma_wait3A_103 = tpu.memref_slice %arg7[%add3A_101, %dma_wait3A_102] : memref<36x96xi32, #tpu.memory_space<vmem>> -> memref<1x96xi32, #tpu.memory_space<vmem>>
      %dma_wait3A_104 = tpu.memref_squeeze %dma_wait3A_103 : memref<1x96xi32, #tpu.memory_space<vmem>> -> memref<96xi32, #tpu.memory_space<vmem>>
      %dma_wait3A_105 = arith.constant 0 : i32
      %dma_wait3A_106 = arith.constant 0 : i32
      %dma_wait3A_107 = tpu.memref_slice %arg2[%dma_wait3A_105, %dma_wait3A_106] : memref<10000x128xf32, #tpu.memory_space<hbm>> -> memref<10000x128xf32, #tpu.memory_space<hbm>>
      tpu.wait_indirect_dma semaphore(%arg15 : memref<!tpu.dma_semaphore, #tpu.memory_space<semaphore_mem>>) src(%dma_wait3A_107 : memref<10000x128xf32, #tpu.memory_space<hbm>>) dst(%arg9 : memref<96x128xf32, #tpu.memory_space<vmem>>)
      %dma_start3A_108 = arith.constant 0 : i32
      %dma_start3A_109 = tpu.memref_slice %arg8[%add3A_101, %dma_start3A_108] : memref<36x96xi32, #tpu.memory_space<vmem>> -> memref<1x96xi32, #tpu.memory_space<vmem>>
      %dma_start3A_110 = tpu.memref_squeeze %dma_start3A_109 : memref<1x96xi32, #tpu.memory_space<vmem>> -> memref<96xi32, #tpu.memory_space<vmem>>
      %dma_start3A_111 = arith.constant 0 : i32
      %dma_start3A_112 = arith.constant 0 : i32
      %dma_start3A_113 = tpu.memref_slice %arg27[%dma_start3A_111, %dma_start3A_112] : memref<2560x128xf32, #tpu.memory_space<vmem_shared>> -> memref<2560x128xf32, #tpu.memory_space<vmem_shared>>
      tpu.enqueue_indirect_dma source(%arg9 : memref<96x128xf32, #tpu.memory_space<vmem>>) target(%dma_start3A_113 : memref<2560x128xf32, #tpu.memory_space<vmem_shared>>) offsets(%dma_start3A_110 : memref<96xi32, #tpu.memory_space<vmem>>) semaphore(%arg21 : memref<!tpu.dma_semaphore, #tpu.memory_space<semaphore_mem>>) {add = true}
      %add3A_114 = arith.constant 1 : i32
      %add3A_115 = arith.addi %mul3A_99, %add3A_114 : i32
      %dma_wait3A_116 = arith.constant 0 : i32
      %dma_wait3A_117 = tpu.memref_slice %arg7[%add3A_115, %dma_wait3A_116] : memref<36x96xi32, #tpu.memory_space<vmem>> -> memref<1x96xi32, #tpu.memory_space<vmem>>
      %dma_wait3A_118 = tpu.memref_squeeze %dma_wait3A_117 : memref<1x96xi32, #tpu.memory_space<vmem>> -> memref<96xi32, #tpu.memory_space<vmem>>
      %dma_wait3A_119 = arith.constant 0 : i32
      %dma_wait3A_120 = arith.constant 0 : i32
      %dma_wait3A_121 = tpu.memref_slice %arg2[%dma_wait3A_119, %dma_wait3A_120] : memref<10000x128xf32, #tpu.memory_space<hbm>> -> memref<10000x128xf32, #tpu.memory_space<hbm>>
      tpu.wait_indirect_dma semaphore(%arg16 : memref<!tpu.dma_semaphore, #tpu.memory_space<semaphore_mem>>) src(%dma_wait3A_121 : memref<10000x128xf32, #tpu.memory_space<hbm>>) dst(%arg10 : memref<96x128xf32, #tpu.memory_space<vmem>>)
      %dma_start3A_122 = arith.constant 0 : i32
      %dma_start3A_123 = tpu.memref_slice %arg8[%add3A_115, %dma_start3A_122] : memref<36x96xi32, #tpu.memory_space<vmem>> -> memref<1x96xi32, #tpu.memory_space<vmem>>
      %dma_start3A_124 = tpu.memref_squeeze %dma_start3A_123 : memref<1x96xi32, #tpu.memory_space<vmem>> -> memref<96xi32, #tpu.memory_space<vmem>>
      %dma_start3A_125 = arith.constant 0 : i32
      %dma_start3A_126 = arith.constant 0 : i32
      %dma_start3A_127 = tpu.memref_slice %arg27[%dma_start3A_125, %dma_start3A_126] : memref<2560x128xf32, #tpu.memory_space<vmem_shared>> -> memref<2560x128xf32, #tpu.memory_space<vmem_shared>>
      tpu.enqueue_indirect_dma source(%arg10 : memref<96x128xf32, #tpu.memory_space<vmem>>) target(%dma_start3A_127 : memref<2560x128xf32, #tpu.memory_space<vmem_shared>>) offsets(%dma_start3A_124 : memref<96xi32, #tpu.memory_space<vmem>>) semaphore(%arg22 : memref<!tpu.dma_semaphore, #tpu.memory_space<semaphore_mem>>) {add = true}
      %add3A_128 = arith.constant 2 : i32
      %add3A_129 = arith.addi %mul3A_99, %add3A_128 : i32
      %dma_wait3A_130 = arith.constant 0 : i32
      %dma_wait3A_131 = tpu.memref_slice %arg7[%add3A_129, %dma_wait3A_130] : memref<36x96xi32, #tpu.memory_space<vmem>> -> memref<1x96xi32, #tpu.memory_space<vmem>>
      %dma_wait3A_132 = tpu.memref_squeeze %dma_wait3A_131 : memref<1x96xi32, #tpu.memory_space<vmem>> -> memref<96xi32, #tpu.memory_space<vmem>>
      %dma_wait3A_133 = arith.constant 0 : i32
      %dma_wait3A_134 = arith.constant 0 : i32
      %dma_wait3A_135 = tpu.memref_slice %arg2[%dma_wait3A_133, %dma_wait3A_134] : memref<10000x128xf32, #tpu.memory_space<hbm>> -> memref<10000x128xf32, #tpu.memory_space<hbm>>
      tpu.wait_indirect_dma semaphore(%arg17 : memref<!tpu.dma_semaphore, #tpu.memory_space<semaphore_mem>>) src(%dma_wait3A_135 : memref<10000x128xf32, #tpu.memory_space<hbm>>) dst(%arg11 : memref<96x128xf32, #tpu.memory_space<vmem>>)
      %dma_start3A_136 = arith.constant 0 : i32
      %dma_start3A_137 = tpu.memref_slice %arg8[%add3A_129, %dma_start3A_136] : memref<36x96xi32, #tpu.memory_space<vmem>> -> memref<1x96xi32, #tpu.memory_space<vmem>>
      %dma_start3A_138 = tpu.memref_squeeze %dma_start3A_137 : memref<1x96xi32, #tpu.memory_space<vmem>> -> memref<96xi32, #tpu.memory_space<vmem>>
      %dma_start3A_139 = arith.constant 0 : i32
      %dma_start3A_140 = arith.constant 0 : i32
      %dma_start3A_141 = tpu.memref_slice %arg27[%dma_start3A_139, %dma_start3A_140] : memref<2560x128xf32, #tpu.memory_space<vmem_shared>> -> memref<2560x128xf32, #tpu.memory_space<vmem_shared>>
      tpu.enqueue_indirect_dma source(%arg11 : memref<96x128xf32, #tpu.memory_space<vmem>>) target(%dma_start3A_141 : memref<2560x128xf32, #tpu.memory_space<vmem_shared>>) offsets(%dma_start3A_138 : memref<96xi32, #tpu.memory_space<vmem>>) semaphore(%arg23 : memref<!tpu.dma_semaphore, #tpu.memory_space<semaphore_mem>>) {add = true}
      %add3A_142 = arith.constant 3 : i32
      %add3A_143 = arith.addi %mul3A_99, %add3A_142 : i32
      %dma_wait3A_144 = arith.constant 0 : i32
      %dma_wait3A_145 = tpu.memref_slice %arg7[%add3A_143, %dma_wait3A_144] : memref<36x96xi32, #tpu.memory_space<vmem>> -> memref<1x96xi32, #tpu.memory_space<vmem>>
      %dma_wait3A_146 = tpu.memref_squeeze %dma_wait3A_145 : memref<1x96xi32, #tpu.memory_space<vmem>> -> memref<96xi32, #tpu.memory_space<vmem>>
      %dma_wait3A_147 = arith.constant 0 : i32
      %dma_wait3A_148 = arith.constant 0 : i32
      %dma_wait3A_149 = tpu.memref_slice %arg2[%dma_wait3A_147, %dma_wait3A_148] : memref<10000x128xf32, #tpu.memory_space<hbm>> -> memref<10000x128xf32, #tpu.memory_space<hbm>>
      tpu.wait_indirect_dma semaphore(%arg18 : memref<!tpu.dma_semaphore, #tpu.memory_space<semaphore_mem>>) src(%dma_wait3A_149 : memref<10000x128xf32, #tpu.memory_space<hbm>>) dst(%arg12 : memref<96x128xf32, #tpu.memory_space<vmem>>)
      %dma_start3A_150 = arith.constant 0 : i32
      %dma_start3A_151 = tpu.memref_slice %arg8[%add3A_143, %dma_start3A_150] : memref<36x96xi32, #tpu.memory_space<vmem>> -> memref<1x96xi32, #tpu.memory_space<vmem>>
      %dma_start3A_152 = tpu.memref_squeeze %dma_start3A_151 : memref<1x96xi32, #tpu.memory_space<vmem>> -> memref<96xi32, #tpu.memory_space<vmem>>
      %dma_start3A_153 = arith.constant 0 : i32
      %dma_start3A_154 = arith.constant 0 : i32
      %dma_start3A_155 = tpu.memref_slice %arg27[%dma_start3A_153, %dma_start3A_154] : memref<2560x128xf32, #tpu.memory_space<vmem_shared>> -> memref<2560x128xf32, #tpu.memory_space<vmem_shared>>
      tpu.enqueue_indirect_dma source(%arg12 : memref<96x128xf32, #tpu.memory_space<vmem>>) target(%dma_start3A_155 : memref<2560x128xf32, #tpu.memory_space<vmem_shared>>) offsets(%dma_start3A_152 : memref<96xi32, #tpu.memory_space<vmem>>) semaphore(%arg24 : memref<!tpu.dma_semaphore, #tpu.memory_space<semaphore_mem>>) {add = true}
      %add3A_156 = arith.constant 4 : i32
      %add3A_157 = arith.addi %mul3A_99, %add3A_156 : i32
      %dma_wait3A_158 = arith.constant 0 : i32
      %dma_wait3A_159 = tpu.memref_slice %arg7[%add3A_157, %dma_wait3A_158] : memref<36x96xi32, #tpu.memory_space<vmem>> -> memref<1x96xi32, #tpu.memory_space<vmem>>
      %dma_wait3A_160 = tpu.memref_squeeze %dma_wait3A_159 : memref<1x96xi32, #tpu.memory_space<vmem>> -> memref<96xi32, #tpu.memory_space<vmem>>
      %dma_wait3A_161 = arith.constant 0 : i32
      %dma_wait3A_162 = arith.constant 0 : i32
      %dma_wait3A_163 = tpu.memref_slice %arg2[%dma_wait3A_161, %dma_wait3A_162] : memref<10000x128xf32, #tpu.memory_space<hbm>> -> memref<10000x128xf32, #tpu.memory_space<hbm>>
      tpu.wait_indirect_dma semaphore(%arg19 : memref<!tpu.dma_semaphore, #tpu.memory_space<semaphore_mem>>) src(%dma_wait3A_163 : memref<10000x128xf32, #tpu.memory_space<hbm>>) dst(%arg13 : memref<96x128xf32, #tpu.memory_space<vmem>>)
      %dma_start3A_164 = arith.constant 0 : i32
      %dma_start3A_165 = tpu.memref_slice %arg8[%add3A_157, %dma_start3A_164] : memref<36x96xi32, #tpu.memory_space<vmem>> -> memref<1x96xi32, #tpu.memory_space<vmem>>
      %dma_start3A_166 = tpu.memref_squeeze %dma_start3A_165 : memref<1x96xi32, #tpu.memory_space<vmem>> -> memref<96xi32, #tpu.memory_space<vmem>>
      %dma_start3A_167 = arith.constant 0 : i32
      %dma_start3A_168 = arith.constant 0 : i32
      %dma_start3A_169 = tpu.memref_slice %arg27[%dma_start3A_167, %dma_start3A_168] : memref<2560x128xf32, #tpu.memory_space<vmem_shared>> -> memref<2560x128xf32, #tpu.memory_space<vmem_shared>>
      tpu.enqueue_indirect_dma source(%arg13 : memref<96x128xf32, #tpu.memory_space<vmem>>) target(%dma_start3A_169 : memref<2560x128xf32, #tpu.memory_space<vmem_shared>>) offsets(%dma_start3A_166 : memref<96xi32, #tpu.memory_space<vmem>>) semaphore(%arg25 : memref<!tpu.dma_semaphore, #tpu.memory_space<semaphore_mem>>) {add = true}
      %add3A_170 = arith.constant 5 : i32
      %add3A_171 = arith.addi %mul3A_99, %add3A_170 : i32
      %dma_wait3A_172 = arith.constant 0 : i32
      %dma_wait3A_173 = tpu.memref_slice %arg7[%add3A_171, %dma_wait3A_172] : memref<36x96xi32, #tpu.memory_space<vmem>> -> memref<1x96xi32, #tpu.memory_space<vmem>>
      %dma_wait3A_174 = tpu.memref_squeeze %dma_wait3A_173 : memref<1x96xi32, #tpu.memory_space<vmem>> -> memref<96xi32, #tpu.memory_space<vmem>>
      %dma_wait3A_175 = arith.constant 0 : i32
      %dma_wait3A_176 = arith.constant 0 : i32
      %dma_wait3A_177 = tpu.memref_slice %arg2[%dma_wait3A_175, %dma_wait3A_176] : memref<10000x128xf32, #tpu.memory_space<hbm>> -> memref<10000x128xf32, #tpu.memory_space<hbm>>
      tpu.wait_indirect_dma semaphore(%arg20 : memref<!tpu.dma_semaphore, #tpu.memory_space<semaphore_mem>>) src(%dma_wait3A_177 : memref<10000x128xf32, #tpu.memory_space<hbm>>) dst(%arg14 : memref<96x128xf32, #tpu.memory_space<vmem>>)
      %dma_start3A_178 = arith.constant 0 : i32
      %dma_start3A_179 = tpu.memref_slice %arg8[%add3A_171, %dma_start3A_178] : memref<36x96xi32, #tpu.memory_space<vmem>> -> memref<1x96xi32, #tpu.memory_space<vmem>>
      %dma_start3A_180 = tpu.memref_squeeze %dma_start3A_179 : memref<1x96xi32, #tpu.memory_space<vmem>> -> memref<96xi32, #tpu.memory_space<vmem>>
      %dma_start3A_181 = arith.constant 0 : i32
      %dma_start3A_182 = arith.constant 0 : i32
      %dma_start3A_183 = tpu.memref_slice %arg27[%dma_start3A_181, %dma_start3A_182] : memref<2560x128xf32, #tpu.memory_space<vmem_shared>> -> memref<2560x128xf32, #tpu.memory_space<vmem_shared>>
      tpu.enqueue_indirect_dma source(%arg14 : memref<96x128xf32, #tpu.memory_space<vmem>>) target(%dma_start3A_183 : memref<2560x128xf32, #tpu.memory_space<vmem_shared>>) offsets(%dma_start3A_180 : memref<96xi32, #tpu.memory_space<vmem>>) semaphore(%arg26 : memref<!tpu.dma_semaphore, #tpu.memory_space<semaphore_mem>>) {add = true}
      %add3A_184 = arith.constant 0 : i32
      %add3A_185 = arith.addi %mul3A_99, %add3A_184 : i32
      %add3A_186 = arith.constant 6 : i32
      %add3A_187 = arith.addi %add3A_185, %add3A_186 : i32
      %min3A = arith.constant 35 : i32
      %min3A_188 = arith.minsi %add3A_187, %min3A : i32
      %dma_wait3A_189 = arith.constant 0 : i32
      %dma_wait3A_190 = tpu.memref_slice %arg8[%add3A_185, %dma_wait3A_189] : memref<36x96xi32, #tpu.memory_space<vmem>> -> memref<1x96xi32, #tpu.memory_space<vmem>>
      %dma_wait3A_191 = tpu.memref_squeeze %dma_wait3A_190 : memref<1x96xi32, #tpu.memory_space<vmem>> -> memref<96xi32, #tpu.memory_space<vmem>>
      %dma_wait3A_192 = arith.constant 0 : i32
      %dma_wait3A_193 = arith.constant 0 : i32
      %dma_wait3A_194 = tpu.memref_slice %arg27[%dma_wait3A_192, %dma_wait3A_193] : memref<2560x128xf32, #tpu.memory_space<vmem_shared>> -> memref<2560x128xf32, #tpu.memory_space<vmem_shared>>
      tpu.wait_indirect_dma semaphore(%arg21 : memref<!tpu.dma_semaphore, #tpu.memory_space<semaphore_mem>>) src(%arg9 : memref<96x128xf32, #tpu.memory_space<vmem>>) dst(%dma_wait3A_194 : memref<2560x128xf32, #tpu.memory_space<vmem_shared>>)
      %dma_start3A_195 = arith.constant 0 : i32
      %dma_start3A_196 = tpu.memref_slice %arg7[%min3A_188, %dma_start3A_195] : memref<36x96xi32, #tpu.memory_space<vmem>> -> memref<1x96xi32, #tpu.memory_space<vmem>>
      %dma_start3A_197 = tpu.memref_squeeze %dma_start3A_196 : memref<1x96xi32, #tpu.memory_space<vmem>> -> memref<96xi32, #tpu.memory_space<vmem>>
      %dma_start3A_198 = arith.constant 0 : i32
      %dma_start3A_199 = arith.constant 0 : i32
      %dma_start3A_200 = tpu.memref_slice %arg2[%dma_start3A_198, %dma_start3A_199] : memref<10000x128xf32, #tpu.memory_space<hbm>> -> memref<10000x128xf32, #tpu.memory_space<hbm>>
      tpu.enqueue_indirect_dma source(%dma_start3A_200 : memref<10000x128xf32, #tpu.memory_space<hbm>>) target(%arg9 : memref<96x128xf32, #tpu.memory_space<vmem>>) offsets(%dma_start3A_197 : memref<96xi32, #tpu.memory_space<vmem>>) semaphore(%arg15 : memref<!tpu.dma_semaphore, #tpu.memory_space<semaphore_mem>>)
      %add3A_201 = arith.constant 1 : i32
      %add3A_202 = arith.addi %mul3A_99, %add3A_201 : i32
      %add3A_203 = arith.constant 6 : i32
      %add3A_204 = arith.addi %add3A_202, %add3A_203 : i32
      %min3A_205 = arith.constant 35 : i32
      %min3A_206 = arith.minsi %add3A_204, %min3A_205 : i32
      %dma_wait3A_207 = arith.constant 0 : i32
      %dma_wait3A_208 = tpu.memref_slice %arg8[%add3A_202, %dma_wait3A_207] : memref<36x96xi32, #tpu.memory_space<vmem>> -> memref<1x96xi32, #tpu.memory_space<vmem>>
      %dma_wait3A_209 = tpu.memref_squeeze %dma_wait3A_208 : memref<1x96xi32, #tpu.memory_space<vmem>> -> memref<96xi32, #tpu.memory_space<vmem>>
      %dma_wait3A_210 = arith.constant 0 : i32
      %dma_wait3A_211 = arith.constant 0 : i32
      %dma_wait3A_212 = tpu.memref_slice %arg27[%dma_wait3A_210, %dma_wait3A_211] : memref<2560x128xf32, #tpu.memory_space<vmem_shared>> -> memref<2560x128xf32, #tpu.memory_space<vmem_shared>>
      tpu.wait_indirect_dma semaphore(%arg22 : memref<!tpu.dma_semaphore, #tpu.memory_space<semaphore_mem>>) src(%arg10 : memref<96x128xf32, #tpu.memory_space<vmem>>) dst(%dma_wait3A_212 : memref<2560x128xf32, #tpu.memory_space<vmem_shared>>)
      %dma_start3A_213 = arith.constant 0 : i32
      %dma_start3A_214 = tpu.memref_slice %arg7[%min3A_206, %dma_start3A_213] : memref<36x96xi32, #tpu.memory_space<vmem>> -> memref<1x96xi32, #tpu.memory_space<vmem>>
      %dma_start3A_215 = tpu.memref_squeeze %dma_start3A_214 : memref<1x96xi32, #tpu.memory_space<vmem>> -> memref<96xi32, #tpu.memory_space<vmem>>
      %dma_start3A_216 = arith.constant 0 : i32
      %dma_start3A_217 = arith.constant 0 : i32
      %dma_start3A_218 = tpu.memref_slice %arg2[%dma_start3A_216, %dma_start3A_217] : memref<10000x128xf32, #tpu.memory_space<hbm>> -> memref<10000x128xf32, #tpu.memory_space<hbm>>
      tpu.enqueue_indirect_dma source(%dma_start3A_218 : memref<10000x128xf32, #tpu.memory_space<hbm>>) target(%arg10 : memref<96x128xf32, #tpu.memory_space<vmem>>) offsets(%dma_start3A_215 : memref<96xi32, #tpu.memory_space<vmem>>) semaphore(%arg16 : memref<!tpu.dma_semaphore, #tpu.memory_space<semaphore_mem>>)
      %add3A_219 = arith.constant 2 : i32
      %add3A_220 = arith.addi %mul3A_99, %add3A_219 : i32
      %add3A_221 = arith.constant 6 : i32
      %add3A_222 = arith.addi %add3A_220, %add3A_221 : i32
      %min3A_223 = arith.constant 35 : i32
      %min3A_224 = arith.minsi %add3A_222, %min3A_223 : i32
      %dma_wait3A_225 = arith.constant 0 : i32
      %dma_wait3A_226 = tpu.memref_slice %arg8[%add3A_220, %dma_wait3A_225] : memref<36x96xi32, #tpu.memory_space<vmem>> -> memref<1x96xi32, #tpu.memory_space<vmem>>
      %dma_wait3A_227 = tpu.memref_squeeze %dma_wait3A_226 : memref<1x96xi32, #tpu.memory_space<vmem>> -> memref<96xi32, #tpu.memory_space<vmem>>
      %dma_wait3A_228 = arith.constant 0 : i32
      %dma_wait3A_229 = arith.constant 0 : i32
      %dma_wait3A_230 = tpu.memref_slice %arg27[%dma_wait3A_228, %dma_wait3A_229] : memref<2560x128xf32, #tpu.memory_space<vmem_shared>> -> memref<2560x128xf32, #tpu.memory_space<vmem_shared>>
      tpu.wait_indirect_dma semaphore(%arg23 : memref<!tpu.dma_semaphore, #tpu.memory_space<semaphore_mem>>) src(%arg11 : memref<96x128xf32, #tpu.memory_space<vmem>>) dst(%dma_wait3A_230 : memref<2560x128xf32, #tpu.memory_space<vmem_shared>>)
      %dma_start3A_231 = arith.constant 0 : i32
      %dma_start3A_232 = tpu.memref_slice %arg7[%min3A_224, %dma_start3A_231] : memref<36x96xi32, #tpu.memory_space<vmem>> -> memref<1x96xi32, #tpu.memory_space<vmem>>
      %dma_start3A_233 = tpu.memref_squeeze %dma_start3A_232 : memref<1x96xi32, #tpu.memory_space<vmem>> -> memref<96xi32, #tpu.memory_space<vmem>>
      %dma_start3A_234 = arith.constant 0 : i32
      %dma_start3A_235 = arith.constant 0 : i32
      %dma_start3A_236 = tpu.memref_slice %arg2[%dma_start3A_234, %dma_start3A_235] : memref<10000x128xf32, #tpu.memory_space<hbm>> -> memref<10000x128xf32, #tpu.memory_space<hbm>>
      tpu.enqueue_indirect_dma source(%dma_start3A_236 : memref<10000x128xf32, #tpu.memory_space<hbm>>) target(%arg11 : memref<96x128xf32, #tpu.memory_space<vmem>>) offsets(%dma_start3A_233 : memref<96xi32, #tpu.memory_space<vmem>>) semaphore(%arg17 : memref<!tpu.dma_semaphore, #tpu.memory_space<semaphore_mem>>)
      %add3A_237 = arith.constant 3 : i32
      %add3A_238 = arith.addi %mul3A_99, %add3A_237 : i32
      %add3A_239 = arith.constant 6 : i32
      %add3A_240 = arith.addi %add3A_238, %add3A_239 : i32
      %min3A_241 = arith.constant 35 : i32
      %min3A_242 = arith.minsi %add3A_240, %min3A_241 : i32
      %dma_wait3A_243 = arith.constant 0 : i32
      %dma_wait3A_244 = tpu.memref_slice %arg8[%add3A_238, %dma_wait3A_243] : memref<36x96xi32, #tpu.memory_space<vmem>> -> memref<1x96xi32, #tpu.memory_space<vmem>>
      %dma_wait3A_245 = tpu.memref_squeeze %dma_wait3A_244 : memref<1x96xi32, #tpu.memory_space<vmem>> -> memref<96xi32, #tpu.memory_space<vmem>>
      %dma_wait3A_246 = arith.constant 0 : i32
      %dma_wait3A_247 = arith.constant 0 : i32
      %dma_wait3A_248 = tpu.memref_slice %arg27[%dma_wait3A_246, %dma_wait3A_247] : memref<2560x128xf32, #tpu.memory_space<vmem_shared>> -> memref<2560x128xf32, #tpu.memory_space<vmem_shared>>
      tpu.wait_indirect_dma semaphore(%arg24 : memref<!tpu.dma_semaphore, #tpu.memory_space<semaphore_mem>>) src(%arg12 : memref<96x128xf32, #tpu.memory_space<vmem>>) dst(%dma_wait3A_248 : memref<2560x128xf32, #tpu.memory_space<vmem_shared>>)
      %dma_start3A_249 = arith.constant 0 : i32
      %dma_start3A_250 = tpu.memref_slice %arg7[%min3A_242, %dma_start3A_249] : memref<36x96xi32, #tpu.memory_space<vmem>> -> memref<1x96xi32, #tpu.memory_space<vmem>>
      %dma_start3A_251 = tpu.memref_squeeze %dma_start3A_250 : memref<1x96xi32, #tpu.memory_space<vmem>> -> memref<96xi32, #tpu.memory_space<vmem>>
      %dma_start3A_252 = arith.constant 0 : i32
      %dma_start3A_253 = arith.constant 0 : i32
      %dma_start3A_254 = tpu.memref_slice %arg2[%dma_start3A_252, %dma_start3A_253] : memref<10000x128xf32, #tpu.memory_space<hbm>> -> memref<10000x128xf32, #tpu.memory_space<hbm>>
      tpu.enqueue_indirect_dma source(%dma_start3A_254 : memref<10000x128xf32, #tpu.memory_space<hbm>>) target(%arg12 : memref<96x128xf32, #tpu.memory_space<vmem>>) offsets(%dma_start3A_251 : memref<96xi32, #tpu.memory_space<vmem>>) semaphore(%arg18 : memref<!tpu.dma_semaphore, #tpu.memory_space<semaphore_mem>>)
      %add3A_255 = arith.constant 4 : i32
      %add3A_256 = arith.addi %mul3A_99, %add3A_255 : i32
      %add3A_257 = arith.constant 6 : i32
      %add3A_258 = arith.addi %add3A_256, %add3A_257 : i32
      %min3A_259 = arith.constant 35 : i32
      %min3A_260 = arith.minsi %add3A_258, %min3A_259 : i32
      %dma_wait3A_261 = arith.constant 0 : i32
      %dma_wait3A_262 = tpu.memref_slice %arg8[%add3A_256, %dma_wait3A_261] : memref<36x96xi32, #tpu.memory_space<vmem>> -> memref<1x96xi32, #tpu.memory_space<vmem>>
      %dma_wait3A_263 = tpu.memref_squeeze %dma_wait3A_262 : memref<1x96xi32, #tpu.memory_space<vmem>> -> memref<96xi32, #tpu.memory_space<vmem>>
      %dma_wait3A_264 = arith.constant 0 : i32
      %dma_wait3A_265 = arith.constant 0 : i32
      %dma_wait3A_266 = tpu.memref_slice %arg27[%dma_wait3A_264, %dma_wait3A_265] : memref<2560x128xf32, #tpu.memory_space<vmem_shared>> -> memref<2560x128xf32, #tpu.memory_space<vmem_shared>>
      tpu.wait_indirect_dma semaphore(%arg25 : memref<!tpu.dma_semaphore, #tpu.memory_space<semaphore_mem>>) src(%arg13 : memref<96x128xf32, #tpu.memory_space<vmem>>) dst(%dma_wait3A_266 : memref<2560x128xf32, #tpu.memory_space<vmem_shared>>)
      %dma_start3A_267 = arith.constant 0 : i32
      %dma_start3A_268 = tpu.memref_slice %arg7[%min3A_260, %dma_start3A_267] : memref<36x96xi32, #tpu.memory_space<vmem>> -> memref<1x96xi32, #tpu.memory_space<vmem>>
      %dma_start3A_269 = tpu.memref_squeeze %dma_start3A_268 : memref<1x96xi32, #tpu.memory_space<vmem>> -> memref<96xi32, #tpu.memory_space<vmem>>
      %dma_start3A_270 = arith.constant 0 : i32
      %dma_start3A_271 = arith.constant 0 : i32
      %dma_start3A_272 = tpu.memref_slice %arg2[%dma_start3A_270, %dma_start3A_271] : memref<10000x128xf32, #tpu.memory_space<hbm>> -> memref<10000x128xf32, #tpu.memory_space<hbm>>
      tpu.enqueue_indirect_dma source(%dma_start3A_272 : memref<10000x128xf32, #tpu.memory_space<hbm>>) target(%arg13 : memref<96x128xf32, #tpu.memory_space<vmem>>) offsets(%dma_start3A_269 : memref<96xi32, #tpu.memory_space<vmem>>) semaphore(%arg19 : memref<!tpu.dma_semaphore, #tpu.memory_space<semaphore_mem>>)
      %add3A_273 = arith.constant 5 : i32
      %add3A_274 = arith.addi %mul3A_99, %add3A_273 : i32
      %add3A_275 = arith.constant 6 : i32
      %add3A_276 = arith.addi %add3A_274, %add3A_275 : i32
      %min3A_277 = arith.constant 35 : i32
      %min3A_278 = arith.minsi %add3A_276, %min3A_277 : i32
      %dma_wait3A_279 = arith.constant 0 : i32
      %dma_wait3A_280 = tpu.memref_slice %arg8[%add3A_274, %dma_wait3A_279] : memref<36x96xi32, #tpu.memory_space<vmem>> -> memref<1x96xi32, #tpu.memory_space<vmem>>
      %dma_wait3A_281 = tpu.memref_squeeze %dma_wait3A_280 : memref<1x96xi32, #tpu.memory_space<vmem>> -> memref<96xi32, #tpu.memory_space<vmem>>
      %dma_wait3A_282 = arith.constant 0 : i32
      %dma_wait3A_283 = arith.constant 0 : i32
      %dma_wait3A_284 = tpu.memref_slice %arg27[%dma_wait3A_282, %dma_wait3A_283] : memref<2560x128xf32, #tpu.memory_space<vmem_shared>> -> memref<2560x128xf32, #tpu.memory_space<vmem_shared>>
      tpu.wait_indirect_dma semaphore(%arg26 : memref<!tpu.dma_semaphore, #tpu.memory_space<semaphore_mem>>) src(%arg14 : memref<96x128xf32, #tpu.memory_space<vmem>>) dst(%dma_wait3A_284 : memref<2560x128xf32, #tpu.memory_space<vmem_shared>>)
      %dma_start3A_285 = arith.constant 0 : i32
      %dma_start3A_286 = tpu.memref_slice %arg7[%min3A_278, %dma_start3A_285] : memref<36x96xi32, #tpu.memory_space<vmem>> -> memref<1x96xi32, #tpu.memory_space<vmem>>
      %dma_start3A_287 = tpu.memref_squeeze %dma_start3A_286 : memref<1x96xi32, #tpu.memory_space<vmem>> -> memref<96xi32, #tpu.memory_space<vmem>>
      %dma_start3A_288 = arith.constant 0 : i32
      %dma_start3A_289 = arith.constant 0 : i32
      %dma_start3A_290 = tpu.memref_slice %arg2[%dma_start3A_288, %dma_start3A_289] : memref<10000x128xf32, #tpu.memory_space<hbm>> -> memref<10000x128xf32, #tpu.memory_space<hbm>>
      tpu.enqueue_indirect_dma source(%dma_start3A_290 : memref<10000x128xf32, #tpu.memory_space<hbm>>) target(%arg14 : memref<96x128xf32, #tpu.memory_space<vmem>>) offsets(%dma_start3A_287 : memref<96xi32, #tpu.memory_space<vmem>>) semaphore(%arg20 : memref<!tpu.dma_semaphore, #tpu.memory_space<semaphore_mem>>)
    }
    %scan3A_50 = arith.constant 6 : i32
    %dma_wait3A = arith.constant 35 : i32
    %dma_wait3A_51 = arith.constant 0 : i32
    %dma_wait3A_52 = tpu.memref_slice %arg7[%dma_wait3A, %dma_wait3A_51] : memref<36x96xi32, #tpu.memory_space<vmem>> -> memref<1x96xi32, #tpu.memory_space<vmem>>
    %dma_wait3A_53 = tpu.memref_squeeze %dma_wait3A_52 : memref<1x96xi32, #tpu.memory_space<vmem>> -> memref<96xi32, #tpu.memory_space<vmem>>
    %dma_wait3A_54 = arith.constant 0 : i32
    %dma_wait3A_55 = arith.constant 0 : i32
    %dma_wait3A_56 = tpu.memref_slice %arg2[%dma_wait3A_54, %dma_wait3A_55] : memref<10000x128xf32, #tpu.memory_space<hbm>> -> memref<10000x128xf32, #tpu.memory_space<hbm>>
    tpu.wait_indirect_dma semaphore(%arg15 : memref<!tpu.dma_semaphore, #tpu.memory_space<semaphore_mem>>) src(%dma_wait3A_56 : memref<10000x128xf32, #tpu.memory_space<hbm>>) dst(%arg9 : memref<96x128xf32, #tpu.memory_space<vmem>>)
    %dma_wait3A_57 = arith.constant 35 : i32
    %dma_wait3A_58 = arith.constant 0 : i32
    %dma_wait3A_59 = tpu.memref_slice %arg7[%dma_wait3A_57, %dma_wait3A_58] : memref<36x96xi32, #tpu.memory_space<vmem>> -> memref<1x96xi32, #tpu.memory_space<vmem>>
    %dma_wait3A_60 = tpu.memref_squeeze %dma_wait3A_59 : memref<1x96xi32, #tpu.memory_space<vmem>> -> memref<96xi32, #tpu.memory_space<vmem>>
    %dma_wait3A_61 = arith.constant 0 : i32
    %dma_wait3A_62 = arith.constant 0 : i32
    %dma_wait3A_63 = tpu.memref_slice %arg2[%dma_wait3A_61, %dma_wait3A_62] : memref<10000x128xf32, #tpu.memory_space<hbm>> -> memref<10000x128xf32, #tpu.memory_space<hbm>>
    tpu.wait_indirect_dma semaphore(%arg16 : memref<!tpu.dma_semaphore, #tpu.memory_space<semaphore_mem>>) src(%dma_wait3A_63 : memref<10000x128xf32, #tpu.memory_space<hbm>>) dst(%arg10 : memref<96x128xf32, #tpu.memory_space<vmem>>)
    %dma_wait3A_64 = arith.constant 35 : i32
    %dma_wait3A_65 = arith.constant 0 : i32
    %dma_wait3A_66 = tpu.memref_slice %arg7[%dma_wait3A_64, %dma_wait3A_65] : memref<36x96xi32, #tpu.memory_space<vmem>> -> memref<1x96xi32, #tpu.memory_space<vmem>>
    %dma_wait3A_67 = tpu.memref_squeeze %dma_wait3A_66 : memref<1x96xi32, #tpu.memory_space<vmem>> -> memref<96xi32, #tpu.memory_space<vmem>>
    %dma_wait3A_68 = arith.constant 0 : i32
    %dma_wait3A_69 = arith.constant 0 : i32
    %dma_wait3A_70 = tpu.memref_slice %arg2[%dma_wait3A_68, %dma_wait3A_69] : memref<10000x128xf32, #tpu.memory_space<hbm>> -> memref<10000x128xf32, #tpu.memory_space<hbm>>
    tpu.wait_indirect_dma semaphore(%arg17 : memref<!tpu.dma_semaphore, #tpu.memory_space<semaphore_mem>>) src(%dma_wait3A_70 : memref<10000x128xf32, #tpu.memory_space<hbm>>) dst(%arg11 : memref<96x128xf32, #tpu.memory_space<vmem>>)
    %dma_wait3A_71 = arith.constant 35 : i32
    %dma_wait3A_72 = arith.constant 0 : i32
    %dma_wait3A_73 = tpu.memref_slice %arg7[%dma_wait3A_71, %dma_wait3A_72] : memref<36x96xi32, #tpu.memory_space<vmem>> -> memref<1x96xi32, #tpu.memory_space<vmem>>
    %dma_wait3A_74 = tpu.memref_squeeze %dma_wait3A_73 : memref<1x96xi32, #tpu.memory_space<vmem>> -> memref<96xi32, #tpu.memory_space<vmem>>
    %dma_wait3A_75 = arith.constant 0 : i32
    %dma_wait3A_76 = arith.constant 0 : i32
    %dma_wait3A_77 = tpu.memref_slice %arg2[%dma_wait3A_75, %dma_wait3A_76] : memref<10000x128xf32, #tpu.memory_space<hbm>> -> memref<10000x128xf32, #tpu.memory_space<hbm>>
    tpu.wait_indirect_dma semaphore(%arg18 : memref<!tpu.dma_semaphore, #tpu.memory_space<semaphore_mem>>) src(%dma_wait3A_77 : memref<10000x128xf32, #tpu.memory_space<hbm>>) dst(%arg12 : memref<96x128xf32, #tpu.memory_space<vmem>>)
    %dma_wait3A_78 = arith.constant 35 : i32
    %dma_wait3A_79 = arith.constant 0 : i32
    %dma_wait3A_80 = tpu.memref_slice %arg7[%dma_wait3A_78, %dma_wait3A_79] : memref<36x96xi32, #tpu.memory_space<vmem>> -> memref<1x96xi32, #tpu.memory_space<vmem>>
    %dma_wait3A_81 = tpu.memref_squeeze %dma_wait3A_80 : memref<1x96xi32, #tpu.memory_space<vmem>> -> memref<96xi32, #tpu.memory_space<vmem>>
    %dma_wait3A_82 = arith.constant 0 : i32
    %dma_wait3A_83 = arith.constant 0 : i32
    %dma_wait3A_84 = tpu.memref_slice %arg2[%dma_wait3A_82, %dma_wait3A_83] : memref<10000x128xf32, #tpu.memory_space<hbm>> -> memref<10000x128xf32, #tpu.memory_space<hbm>>
    tpu.wait_indirect_dma semaphore(%arg19 : memref<!tpu.dma_semaphore, #tpu.memory_space<semaphore_mem>>) src(%dma_wait3A_84 : memref<10000x128xf32, #tpu.memory_space<hbm>>) dst(%arg13 : memref<96x128xf32, #tpu.memory_space<vmem>>)
    %dma_wait3A_85 = arith.constant 35 : i32
    %dma_wait3A_86 = arith.constant 0 : i32
    %dma_wait3A_87 = tpu.memref_slice %arg7[%dma_wait3A_85, %dma_wait3A_86] : memref<36x96xi32, #tpu.memory_space<vmem>> -> memref<1x96xi32, #tpu.memory_space<vmem>>
    %dma_wait3A_88 = tpu.memref_squeeze %dma_wait3A_87 : memref<1x96xi32, #tpu.memory_space<vmem>> -> memref<96xi32, #tpu.memory_space<vmem>>
    %dma_wait3A_89 = arith.constant 0 : i32
    %dma_wait3A_90 = arith.constant 0 : i32
    %dma_wait3A_91 = tpu.memref_slice %arg2[%dma_wait3A_89, %dma_wait3A_90] : memref<10000x128xf32, #tpu.memory_space<hbm>> -> memref<10000x128xf32, #tpu.memory_space<hbm>>
    tpu.wait_indirect_dma semaphore(%arg20 : memref<!tpu.dma_semaphore, #tpu.memory_space<semaphore_mem>>) src(%dma_wait3A_91 : memref<10000x128xf32, #tpu.memory_space<hbm>>) dst(%arg14 : memref<96x128xf32, #tpu.memory_space<vmem>>)
    %barrier3A_92 = arith.constant 0 : index
    tpu.barrier barrier_id(%barrier3A_92)
    %mul3A_93 = arith.constant 160 : i32
    %mul3A_94 = arith.muli %arg1, %mul3A_93 : i32
    %mul3A_95 = arith.constant 160 : i32
    %mul3A_96 = arith.muli %arg1, %mul3A_95 : i32
    "tpu.region"() ({
      %run_scoped3A = tpu.sem_alloc : memref<!tpu.dma_semaphore, #tpu.memory_space<semaphore_mem>>
      %dma_start3A_97 = arith.constant 0 : i32
      %dma_start3A_98 = tpu.memref_slice %arg6[%arg0, %mul3A_96, %dma_start3A_97] : memref<2x2560x128xf32, #tpu.memory_space<hbm>> -> memref<1x160x128xf32, #tpu.memory_space<hbm>>
      %dma_start3A_99 = tpu.memref_squeeze %dma_start3A_98 : memref<1x160x128xf32, #tpu.memory_space<hbm>> -> memref<160x128xf32, #tpu.memory_space<hbm>>
      %dma_start3A_100 = arith.constant 0 : i32
      %dma_start3A_101 = tpu.memref_slice %arg27[%mul3A_94, %dma_start3A_100] : memref<2560x128xf32, #tpu.memory_space<vmem_shared>> -> memref<160x128xf32, #tpu.memory_space<vmem_shared>>
      tpu.enqueue_dma source(%dma_start3A_101 : memref<160x128xf32, #tpu.memory_space<vmem_shared>>) target(%dma_start3A_99 : memref<160x128xf32, #tpu.memory_space<hbm>>) target_semaphore(%run_scoped3A : memref<!tpu.dma_semaphore, #tpu.memory_space<semaphore_mem>>)
      %dma_wait3A_102 = arith.constant 0 : i32
      %dma_wait3A_103 = tpu.memref_slice %arg6[%arg0, %mul3A_96, %dma_wait3A_102] : memref<2x2560x128xf32, #tpu.memory_space<hbm>> -> memref<1x160x128xf32, #tpu.memory_space<hbm>>
      %dma_wait3A_104 = tpu.memref_squeeze %dma_wait3A_103 : memref<1x160x128xf32, #tpu.memory_space<hbm>> -> memref<160x128xf32, #tpu.memory_space<hbm>>
      %dma_wait3A_105 = arith.constant 0 : i32
      %dma_wait3A_106 = tpu.memref_slice %arg27[%mul3A_94, %dma_wait3A_105] : memref<2560x128xf32, #tpu.memory_space<vmem_shared>> -> memref<160x128xf32, #tpu.memory_space<vmem_shared>>
      tpu.wait_dma2 semaphore(%run_scoped3A : memref<!tpu.dma_semaphore, #tpu.memory_space<semaphore_mem>>) src(%dma_wait3A_106 : memref<160x128xf32, #tpu.memory_space<vmem_shared>>) dst(%dma_wait3A_104 : memref<160x128xf32, #tpu.memory_space<hbm>>)
      tpu.yield
    }) : () -> ()
    return
  }
}

#map = affine_map<(d0, d1) -> (0, 0)>
#map1 = affine_map<(d0, d1) -> (0, 0, 0)>
module attributes {stable_mosaic.version = 14 : i64} {
  func.func @_segment_sum_sc(%arg0: i32, %arg1: i32, %arg2: memref<2500x128xf32, #tpu.memory_space<hbm>>, %arg3: memref<32x36x96xi32, #tpu.memory_space<hbm>>, %arg4: memref<32x36x96xi32, #tpu.memory_space<hbm>>, %arg5: memref<2560x128xf32, #tpu.memory_space<hbm>>, %arg6: memref<2x2560x128xf32, #tpu.memory_space<hbm>>, %arg7: memref<36x96xi32, #tpu.memory_space<vmem>>, %arg8: memref<36x96xi32, #tpu.memory_space<vmem>>, %arg9: memref<96x128xf32, #tpu.memory_space<vmem>>, %arg10: memref<96x128xf32, #tpu.memory_space<vmem>>, %arg11: memref<96x128xf32, #tpu.memory_space<vmem>>, %arg12: memref<96x128xf32, #tpu.memory_space<vmem>>, %arg13: memref<96x128xf32, #tpu.memory_space<vmem>>, %arg14: memref<96x128xf32, #tpu.memory_space<vmem>>, %arg15: memref<!tpu.dma_semaphore, #tpu.memory_space<semaphore_mem>>, %arg16: memref<!tpu.dma_semaphore, #tpu.memory_space<semaphore_mem>>, %arg17: memref<!tpu.dma_semaphore, #tpu.memory_space<semaphore_mem>>, %arg18: memref<!tpu.dma_semaphore, #tpu.memory_space<semaphore_mem>>, %arg19: memref<!tpu.dma_semaphore, #tpu.memory_space<semaphore_mem>>, %arg20: memref<!tpu.dma_semaphore, #tpu.memory_space<semaphore_mem>>, %arg21: memref<!tpu.dma_semaphore, #tpu.memory_space<semaphore_mem>>, %arg22: memref<!tpu.dma_semaphore, #tpu.memory_space<semaphore_mem>>, %arg23: memref<!tpu.dma_semaphore, #tpu.memory_space<semaphore_mem>>, %arg24: memref<!tpu.dma_semaphore, #tpu.memory_space<semaphore_mem>>, %arg25: memref<!tpu.dma_semaphore, #tpu.memory_space<semaphore_mem>>, %arg26: memref<!tpu.dma_semaphore, #tpu.memory_space<semaphore_mem>>, %arg27: memref<2560x128xf32, #tpu.memory_space<vmem_shared>>) attributes {dimension_semantics = [#tpu.dimension_semantics<core_parallel>, #tpu.dimension_semantics<subcore_parallel>], iteration_bounds = array<i64: 2, 16>, scalar_prefetch = 0 : i64, scratch_operands = 21 : i64, tpu.core_type = #tpu.core_type<sc_vector_subcore>, window_params = [{transform_indices = #map}, {transform_indices = #map1}, {transform_indices = #map1}, {transform_indices = #map}, {transform_indices = #map1}]} {
    %mul3A = arith.constant 16 : i32
    %mul3A_0 = arith.muli %arg0, %mul3A : i32
    %add3A = arith.addi %mul3A_0, %arg1 : i32
    "tpu.region"() ({
      %run_scoped3A = tpu.sem_alloc : memref<!tpu.dma_semaphore, #tpu.memory_space<semaphore_mem>>
      %dma_start3A_97 = arith.constant 0 : i32
      %dma_start3A_98 = arith.constant 0 : i32
      %dma_start3A_99 = tpu.memref_slice %arg3[%add3A, %dma_start3A_97, %dma_start3A_98] : memref<32x36x96xi32, #tpu.memory_space<hbm>> -> memref<1x36x96xi32, #tpu.memory_space<hbm>>
      %dma_start3A_100 = tpu.memref_squeeze %dma_start3A_99 : memref<1x36x96xi32, #tpu.memory_space<hbm>> -> memref<36x96xi32, #tpu.memory_space<hbm>>
      %dma_start3A_101 = arith.constant 0 : i32
      %dma_start3A_102 = arith.constant 0 : i32
      %dma_start3A_103 = tpu.memref_slice %arg3[%add3A, %dma_start3A_101, %dma_start3A_102] : memref<32x36x96xi32, #tpu.memory_space<hbm>> -> memref<1x36x96xi32, #tpu.memory_space<hbm>>
      %dma_start3A_104 = tpu.memref_squeeze %dma_start3A_103 : memref<1x36x96xi32, #tpu.memory_space<hbm>> -> memref<36x96xi32, #tpu.memory_space<hbm>>
      tpu.enqueue_dma source(%dma_start3A_104 : memref<36x96xi32, #tpu.memory_space<hbm>>) target(%arg7 : memref<36x96xi32, #tpu.memory_space<vmem>>) target_semaphore(%run_scoped3A : memref<!tpu.dma_semaphore, #tpu.memory_space<semaphore_mem>>)
      %dma_wait3A_105 = arith.constant 0 : i32
      %dma_wait3A_106 = arith.constant 0 : i32
      %dma_wait3A_107 = tpu.memref_slice %arg3[%add3A, %dma_wait3A_105, %dma_wait3A_106] : memref<32x36x96xi32, #tpu.memory_space<hbm>> -> memref<1x36x96xi32, #tpu.memory_space<hbm>>
      %dma_wait3A_108 = tpu.memref_squeeze %dma_wait3A_107 : memref<1x36x96xi32, #tpu.memory_space<hbm>> -> memref<36x96xi32, #tpu.memory_space<hbm>>
      %dma_wait3A_109 = arith.constant 0 : i32
      %dma_wait3A_110 = arith.constant 0 : i32
      %dma_wait3A_111 = tpu.memref_slice %arg3[%add3A, %dma_wait3A_109, %dma_wait3A_110] : memref<32x36x96xi32, #tpu.memory_space<hbm>> -> memref<1x36x96xi32, #tpu.memory_space<hbm>>
      %dma_wait3A_112 = tpu.memref_squeeze %dma_wait3A_111 : memref<1x36x96xi32, #tpu.memory_space<hbm>> -> memref<36x96xi32, #tpu.memory_space<hbm>>
      tpu.wait_dma2 semaphore(%run_scoped3A : memref<!tpu.dma_semaphore, #tpu.memory_space<semaphore_mem>>) src(%dma_wait3A_112 : memref<36x96xi32, #tpu.memory_space<hbm>>) dst(%arg7 : memref<36x96xi32, #tpu.memory_space<vmem>>)
      tpu.yield
    }) : () -> ()
    %dma_start3A = arith.constant 0 : i32
    %dma_start3A_1 = arith.constant 0 : i32
    %dma_start3A_2 = tpu.memref_slice %arg7[%dma_start3A, %dma_start3A_1] : memref<36x96xi32, #tpu.memory_space<vmem>> -> memref<1x96xi32, #tpu.memory_space<vmem>>
    %dma_start3A_3 = tpu.memref_squeeze %dma_start3A_2 : memref<1x96xi32, #tpu.memory_space<vmem>> -> memref<96xi32, #tpu.memory_space<vmem>>
    %dma_start3A_4 = arith.constant 0 : i32
    %dma_start3A_5 = arith.constant 0 : i32
    %dma_start3A_6 = tpu.memref_slice %arg2[%dma_start3A_4, %dma_start3A_5] : memref<2500x128xf32, #tpu.memory_space<hbm>> -> memref<2500x128xf32, #tpu.memory_space<hbm>>
    tpu.enqueue_indirect_dma source(%dma_start3A_6 : memref<2500x128xf32, #tpu.memory_space<hbm>>) target(%arg9 : memref<96x128xf32, #tpu.memory_space<vmem>>) offsets(%dma_start3A_3 : memref<96xi32, #tpu.memory_space<vmem>>) semaphore(%arg15 : memref<!tpu.dma_semaphore, #tpu.memory_space<semaphore_mem>>)
    %dma_start3A_7 = arith.constant 1 : i32
    %dma_start3A_8 = arith.constant 0 : i32
    %dma_start3A_9 = tpu.memref_slice %arg7[%dma_start3A_7, %dma_start3A_8] : memref<36x96xi32, #tpu.memory_space<vmem>> -> memref<1x96xi32, #tpu.memory_space<vmem>>
    %dma_start3A_10 = tpu.memref_squeeze %dma_start3A_9 : memref<1x96xi32, #tpu.memory_space<vmem>> -> memref<96xi32, #tpu.memory_space<vmem>>
    %dma_start3A_11 = arith.constant 0 : i32
    %dma_start3A_12 = arith.constant 0 : i32
    %dma_start3A_13 = tpu.memref_slice %arg2[%dma_start3A_11, %dma_start3A_12] : memref<2500x128xf32, #tpu.memory_space<hbm>> -> memref<2500x128xf32, #tpu.memory_space<hbm>>
    tpu.enqueue_indirect_dma source(%dma_start3A_13 : memref<2500x128xf32, #tpu.memory_space<hbm>>) target(%arg10 : memref<96x128xf32, #tpu.memory_space<vmem>>) offsets(%dma_start3A_10 : memref<96xi32, #tpu.memory_space<vmem>>) semaphore(%arg16 : memref<!tpu.dma_semaphore, #tpu.memory_space<semaphore_mem>>)
    %dma_start3A_14 = arith.constant 2 : i32
    %dma_start3A_15 = arith.constant 0 : i32
    %dma_start3A_16 = tpu.memref_slice %arg7[%dma_start3A_14, %dma_start3A_15] : memref<36x96xi32, #tpu.memory_space<vmem>> -> memref<1x96xi32, #tpu.memory_space<vmem>>
    %dma_start3A_17 = tpu.memref_squeeze %dma_start3A_16 : memref<1x96xi32, #tpu.memory_space<vmem>> -> memref<96xi32, #tpu.memory_space<vmem>>
    %dma_start3A_18 = arith.constant 0 : i32
    %dma_start3A_19 = arith.constant 0 : i32
    %dma_start3A_20 = tpu.memref_slice %arg2[%dma_start3A_18, %dma_start3A_19] : memref<2500x128xf32, #tpu.memory_space<hbm>> -> memref<2500x128xf32, #tpu.memory_space<hbm>>
    tpu.enqueue_indirect_dma source(%dma_start3A_20 : memref<2500x128xf32, #tpu.memory_space<hbm>>) target(%arg11 : memref<96x128xf32, #tpu.memory_space<vmem>>) offsets(%dma_start3A_17 : memref<96xi32, #tpu.memory_space<vmem>>) semaphore(%arg17 : memref<!tpu.dma_semaphore, #tpu.memory_space<semaphore_mem>>)
    %dma_start3A_21 = arith.constant 3 : i32
    %dma_start3A_22 = arith.constant 0 : i32
    %dma_start3A_23 = tpu.memref_slice %arg7[%dma_start3A_21, %dma_start3A_22] : memref<36x96xi32, #tpu.memory_space<vmem>> -> memref<1x96xi32, #tpu.memory_space<vmem>>
    %dma_start3A_24 = tpu.memref_squeeze %dma_start3A_23 : memref<1x96xi32, #tpu.memory_space<vmem>> -> memref<96xi32, #tpu.memory_space<vmem>>
    %dma_start3A_25 = arith.constant 0 : i32
    %dma_start3A_26 = arith.constant 0 : i32
    %dma_start3A_27 = tpu.memref_slice %arg2[%dma_start3A_25, %dma_start3A_26] : memref<2500x128xf32, #tpu.memory_space<hbm>> -> memref<2500x128xf32, #tpu.memory_space<hbm>>
    tpu.enqueue_indirect_dma source(%dma_start3A_27 : memref<2500x128xf32, #tpu.memory_space<hbm>>) target(%arg12 : memref<96x128xf32, #tpu.memory_space<vmem>>) offsets(%dma_start3A_24 : memref<96xi32, #tpu.memory_space<vmem>>) semaphore(%arg18 : memref<!tpu.dma_semaphore, #tpu.memory_space<semaphore_mem>>)
    %dma_start3A_28 = arith.constant 4 : i32
    %dma_start3A_29 = arith.constant 0 : i32
    %dma_start3A_30 = tpu.memref_slice %arg7[%dma_start3A_28, %dma_start3A_29] : memref<36x96xi32, #tpu.memory_space<vmem>> -> memref<1x96xi32, #tpu.memory_space<vmem>>
    %dma_start3A_31 = tpu.memref_squeeze %dma_start3A_30 : memref<1x96xi32, #tpu.memory_space<vmem>> -> memref<96xi32, #tpu.memory_space<vmem>>
    %dma_start3A_32 = arith.constant 0 : i32
    %dma_start3A_33 = arith.constant 0 : i32
    %dma_start3A_34 = tpu.memref_slice %arg2[%dma_start3A_32, %dma_start3A_33] : memref<2500x128xf32, #tpu.memory_space<hbm>> -> memref<2500x128xf32, #tpu.memory_space<hbm>>
    tpu.enqueue_indirect_dma source(%dma_start3A_34 : memref<2500x128xf32, #tpu.memory_space<hbm>>) target(%arg13 : memref<96x128xf32, #tpu.memory_space<vmem>>) offsets(%dma_start3A_31 : memref<96xi32, #tpu.memory_space<vmem>>) semaphore(%arg19 : memref<!tpu.dma_semaphore, #tpu.memory_space<semaphore_mem>>)
    %dma_start3A_35 = arith.constant 5 : i32
    %dma_start3A_36 = arith.constant 0 : i32
    %dma_start3A_37 = tpu.memref_slice %arg7[%dma_start3A_35, %dma_start3A_36] : memref<36x96xi32, #tpu.memory_space<vmem>> -> memref<1x96xi32, #tpu.memory_space<vmem>>
    %dma_start3A_38 = tpu.memref_squeeze %dma_start3A_37 : memref<1x96xi32, #tpu.memory_space<vmem>> -> memref<96xi32, #tpu.memory_space<vmem>>
    %dma_start3A_39 = arith.constant 0 : i32
    %dma_start3A_40 = arith.constant 0 : i32
    %dma_start3A_41 = tpu.memref_slice %arg2[%dma_start3A_39, %dma_start3A_40] : memref<2500x128xf32, #tpu.memory_space<hbm>> -> memref<2500x128xf32, #tpu.memory_space<hbm>>
    tpu.enqueue_indirect_dma source(%dma_start3A_41 : memref<2500x128xf32, #tpu.memory_space<hbm>>) target(%arg14 : memref<96x128xf32, #tpu.memory_space<vmem>>) offsets(%dma_start3A_38 : memref<96xi32, #tpu.memory_space<vmem>>) semaphore(%arg20 : memref<!tpu.dma_semaphore, #tpu.memory_space<semaphore_mem>>)
    %mul3A_42 = arith.constant 160 : i32
    %mul3A_43 = arith.muli %arg1, %mul3A_42 : i32
    %mul3A_44 = arith.constant 160 : i32
    %mul3A_45 = arith.muli %arg1, %mul3A_44 : i32
    "tpu.region"() ({
      %run_scoped3A = tpu.sem_alloc : memref<!tpu.dma_semaphore, #tpu.memory_space<semaphore_mem>>
      %dma_start3A_97 = arith.constant 0 : i32
      %dma_start3A_98 = tpu.memref_slice %arg27[%mul3A_45, %dma_start3A_97] : memref<2560x128xf32, #tpu.memory_space<vmem_shared>> -> memref<160x128xf32, #tpu.memory_space<vmem_shared>>
      %dma_start3A_99 = arith.constant 0 : i32
      %dma_start3A_100 = tpu.memref_slice %arg5[%mul3A_43, %dma_start3A_99] : memref<2560x128xf32, #tpu.memory_space<hbm>> -> memref<160x128xf32, #tpu.memory_space<hbm>>
      tpu.enqueue_dma source(%dma_start3A_100 : memref<160x128xf32, #tpu.memory_space<hbm>>) target(%dma_start3A_98 : memref<160x128xf32, #tpu.memory_space<vmem_shared>>) target_semaphore(%run_scoped3A : memref<!tpu.dma_semaphore, #tpu.memory_space<semaphore_mem>>)
      %dma_wait3A_101 = arith.constant 0 : i32
      %dma_wait3A_102 = tpu.memref_slice %arg27[%mul3A_45, %dma_wait3A_101] : memref<2560x128xf32, #tpu.memory_space<vmem_shared>> -> memref<160x128xf32, #tpu.memory_space<vmem_shared>>
      %dma_wait3A_103 = arith.constant 0 : i32
      %dma_wait3A_104 = tpu.memref_slice %arg5[%mul3A_43, %dma_wait3A_103] : memref<2560x128xf32, #tpu.memory_space<hbm>> -> memref<160x128xf32, #tpu.memory_space<hbm>>
      tpu.wait_dma2 semaphore(%run_scoped3A : memref<!tpu.dma_semaphore, #tpu.memory_space<semaphore_mem>>) src(%dma_wait3A_104 : memref<160x128xf32, #tpu.memory_space<hbm>>) dst(%dma_wait3A_102 : memref<160x128xf32, #tpu.memory_space<vmem_shared>>)
      tpu.yield
    }) : () -> ()
    "tpu.region"() ({
      %run_scoped3A = tpu.sem_alloc : memref<!tpu.dma_semaphore, #tpu.memory_space<semaphore_mem>>
      %dma_start3A_97 = arith.constant 0 : i32
      %dma_start3A_98 = arith.constant 0 : i32
      %dma_start3A_99 = tpu.memref_slice %arg4[%add3A, %dma_start3A_97, %dma_start3A_98] : memref<32x36x96xi32, #tpu.memory_space<hbm>> -> memref<1x36x96xi32, #tpu.memory_space<hbm>>
      %dma_start3A_100 = tpu.memref_squeeze %dma_start3A_99 : memref<1x36x96xi32, #tpu.memory_space<hbm>> -> memref<36x96xi32, #tpu.memory_space<hbm>>
      %dma_start3A_101 = arith.constant 0 : i32
      %dma_start3A_102 = arith.constant 0 : i32
      %dma_start3A_103 = tpu.memref_slice %arg4[%add3A, %dma_start3A_101, %dma_start3A_102] : memref<32x36x96xi32, #tpu.memory_space<hbm>> -> memref<1x36x96xi32, #tpu.memory_space<hbm>>
      %dma_start3A_104 = tpu.memref_squeeze %dma_start3A_103 : memref<1x36x96xi32, #tpu.memory_space<hbm>> -> memref<36x96xi32, #tpu.memory_space<hbm>>
      tpu.enqueue_dma source(%dma_start3A_104 : memref<36x96xi32, #tpu.memory_space<hbm>>) target(%arg8 : memref<36x96xi32, #tpu.memory_space<vmem>>) target_semaphore(%run_scoped3A : memref<!tpu.dma_semaphore, #tpu.memory_space<semaphore_mem>>)
      %dma_wait3A_105 = arith.constant 0 : i32
      %dma_wait3A_106 = arith.constant 0 : i32
      %dma_wait3A_107 = tpu.memref_slice %arg4[%add3A, %dma_wait3A_105, %dma_wait3A_106] : memref<32x36x96xi32, #tpu.memory_space<hbm>> -> memref<1x36x96xi32, #tpu.memory_space<hbm>>
      %dma_wait3A_108 = tpu.memref_squeeze %dma_wait3A_107 : memref<1x36x96xi32, #tpu.memory_space<hbm>> -> memref<36x96xi32, #tpu.memory_space<hbm>>
      %dma_wait3A_109 = arith.constant 0 : i32
      %dma_wait3A_110 = arith.constant 0 : i32
      %dma_wait3A_111 = tpu.memref_slice %arg4[%add3A, %dma_wait3A_109, %dma_wait3A_110] : memref<32x36x96xi32, #tpu.memory_space<hbm>> -> memref<1x36x96xi32, #tpu.memory_space<hbm>>
      %dma_wait3A_112 = tpu.memref_squeeze %dma_wait3A_111 : memref<1x36x96xi32, #tpu.memory_space<hbm>> -> memref<36x96xi32, #tpu.memory_space<hbm>>
      tpu.wait_dma2 semaphore(%run_scoped3A : memref<!tpu.dma_semaphore, #tpu.memory_space<semaphore_mem>>) src(%dma_wait3A_112 : memref<36x96xi32, #tpu.memory_space<hbm>>) dst(%arg8 : memref<36x96xi32, #tpu.memory_space<vmem>>)
      tpu.yield
    }) : () -> ()
    %barrier3A = arith.constant 0 : index
    tpu.barrier barrier_id(%barrier3A)
    %scan3A = arith.constant 0 : i32
    %scan3A_46 = arith.constant 0 : i32
    %scan3A_47 = arith.constant 6 : i32
    %scan3A_48 = arith.addi %scan3A_46, %scan3A_47 : i32
    %scan3A_49 = arith.constant 1 : i32
    scf.for %scan3A_97 = %scan3A_46 to %scan3A_48 step %scan3A_49  : i32 {
      %mul3A_98 = arith.constant 6 : i32
      %mul3A_99 = arith.muli %scan3A_97, %mul3A_98 : i32
      %add3A_100 = arith.constant 0 : i32
      %add3A_101 = arith.addi %mul3A_99, %add3A_100 : i32
      %dma_wait3A_102 = arith.constant 0 : i32
      %dma_wait3A_103 = tpu.memref_slice %arg7[%add3A_101, %dma_wait3A_102] : memref<36x96xi32, #tpu.memory_space<vmem>> -> memref<1x96xi32, #tpu.memory_space<vmem>>
      %dma_wait3A_104 = tpu.memref_squeeze %dma_wait3A_103 : memref<1x96xi32, #tpu.memory_space<vmem>> -> memref<96xi32, #tpu.memory_space<vmem>>
      %dma_wait3A_105 = arith.constant 0 : i32
      %dma_wait3A_106 = arith.constant 0 : i32
      %dma_wait3A_107 = tpu.memref_slice %arg2[%dma_wait3A_105, %dma_wait3A_106] : memref<2500x128xf32, #tpu.memory_space<hbm>> -> memref<2500x128xf32, #tpu.memory_space<hbm>>
      tpu.wait_indirect_dma semaphore(%arg15 : memref<!tpu.dma_semaphore, #tpu.memory_space<semaphore_mem>>) src(%dma_wait3A_107 : memref<2500x128xf32, #tpu.memory_space<hbm>>) dst(%arg9 : memref<96x128xf32, #tpu.memory_space<vmem>>)
      %dma_start3A_108 = arith.constant 0 : i32
      %dma_start3A_109 = tpu.memref_slice %arg8[%add3A_101, %dma_start3A_108] : memref<36x96xi32, #tpu.memory_space<vmem>> -> memref<1x96xi32, #tpu.memory_space<vmem>>
      %dma_start3A_110 = tpu.memref_squeeze %dma_start3A_109 : memref<1x96xi32, #tpu.memory_space<vmem>> -> memref<96xi32, #tpu.memory_space<vmem>>
      %dma_start3A_111 = arith.constant 0 : i32
      %dma_start3A_112 = arith.constant 0 : i32
      %dma_start3A_113 = tpu.memref_slice %arg27[%dma_start3A_111, %dma_start3A_112] : memref<2560x128xf32, #tpu.memory_space<vmem_shared>> -> memref<2560x128xf32, #tpu.memory_space<vmem_shared>>
      tpu.enqueue_indirect_dma source(%arg9 : memref<96x128xf32, #tpu.memory_space<vmem>>) target(%dma_start3A_113 : memref<2560x128xf32, #tpu.memory_space<vmem_shared>>) offsets(%dma_start3A_110 : memref<96xi32, #tpu.memory_space<vmem>>) semaphore(%arg21 : memref<!tpu.dma_semaphore, #tpu.memory_space<semaphore_mem>>) {add = true}
      %add3A_114 = arith.constant 1 : i32
      %add3A_115 = arith.addi %mul3A_99, %add3A_114 : i32
      %dma_wait3A_116 = arith.constant 0 : i32
      %dma_wait3A_117 = tpu.memref_slice %arg7[%add3A_115, %dma_wait3A_116] : memref<36x96xi32, #tpu.memory_space<vmem>> -> memref<1x96xi32, #tpu.memory_space<vmem>>
      %dma_wait3A_118 = tpu.memref_squeeze %dma_wait3A_117 : memref<1x96xi32, #tpu.memory_space<vmem>> -> memref<96xi32, #tpu.memory_space<vmem>>
      %dma_wait3A_119 = arith.constant 0 : i32
      %dma_wait3A_120 = arith.constant 0 : i32
      %dma_wait3A_121 = tpu.memref_slice %arg2[%dma_wait3A_119, %dma_wait3A_120] : memref<2500x128xf32, #tpu.memory_space<hbm>> -> memref<2500x128xf32, #tpu.memory_space<hbm>>
      tpu.wait_indirect_dma semaphore(%arg16 : memref<!tpu.dma_semaphore, #tpu.memory_space<semaphore_mem>>) src(%dma_wait3A_121 : memref<2500x128xf32, #tpu.memory_space<hbm>>) dst(%arg10 : memref<96x128xf32, #tpu.memory_space<vmem>>)
      %dma_start3A_122 = arith.constant 0 : i32
      %dma_start3A_123 = tpu.memref_slice %arg8[%add3A_115, %dma_start3A_122] : memref<36x96xi32, #tpu.memory_space<vmem>> -> memref<1x96xi32, #tpu.memory_space<vmem>>
      %dma_start3A_124 = tpu.memref_squeeze %dma_start3A_123 : memref<1x96xi32, #tpu.memory_space<vmem>> -> memref<96xi32, #tpu.memory_space<vmem>>
      %dma_start3A_125 = arith.constant 0 : i32
      %dma_start3A_126 = arith.constant 0 : i32
      %dma_start3A_127 = tpu.memref_slice %arg27[%dma_start3A_125, %dma_start3A_126] : memref<2560x128xf32, #tpu.memory_space<vmem_shared>> -> memref<2560x128xf32, #tpu.memory_space<vmem_shared>>
      tpu.enqueue_indirect_dma source(%arg10 : memref<96x128xf32, #tpu.memory_space<vmem>>) target(%dma_start3A_127 : memref<2560x128xf32, #tpu.memory_space<vmem_shared>>) offsets(%dma_start3A_124 : memref<96xi32, #tpu.memory_space<vmem>>) semaphore(%arg22 : memref<!tpu.dma_semaphore, #tpu.memory_space<semaphore_mem>>) {add = true}
      %add3A_128 = arith.constant 2 : i32
      %add3A_129 = arith.addi %mul3A_99, %add3A_128 : i32
      %dma_wait3A_130 = arith.constant 0 : i32
      %dma_wait3A_131 = tpu.memref_slice %arg7[%add3A_129, %dma_wait3A_130] : memref<36x96xi32, #tpu.memory_space<vmem>> -> memref<1x96xi32, #tpu.memory_space<vmem>>
      %dma_wait3A_132 = tpu.memref_squeeze %dma_wait3A_131 : memref<1x96xi32, #tpu.memory_space<vmem>> -> memref<96xi32, #tpu.memory_space<vmem>>
      %dma_wait3A_133 = arith.constant 0 : i32
      %dma_wait3A_134 = arith.constant 0 : i32
      %dma_wait3A_135 = tpu.memref_slice %arg2[%dma_wait3A_133, %dma_wait3A_134] : memref<2500x128xf32, #tpu.memory_space<hbm>> -> memref<2500x128xf32, #tpu.memory_space<hbm>>
      tpu.wait_indirect_dma semaphore(%arg17 : memref<!tpu.dma_semaphore, #tpu.memory_space<semaphore_mem>>) src(%dma_wait3A_135 : memref<2500x128xf32, #tpu.memory_space<hbm>>) dst(%arg11 : memref<96x128xf32, #tpu.memory_space<vmem>>)
      %dma_start3A_136 = arith.constant 0 : i32
      %dma_start3A_137 = tpu.memref_slice %arg8[%add3A_129, %dma_start3A_136] : memref<36x96xi32, #tpu.memory_space<vmem>> -> memref<1x96xi32, #tpu.memory_space<vmem>>
      %dma_start3A_138 = tpu.memref_squeeze %dma_start3A_137 : memref<1x96xi32, #tpu.memory_space<vmem>> -> memref<96xi32, #tpu.memory_space<vmem>>
      %dma_start3A_139 = arith.constant 0 : i32
      %dma_start3A_140 = arith.constant 0 : i32
      %dma_start3A_141 = tpu.memref_slice %arg27[%dma_start3A_139, %dma_start3A_140] : memref<2560x128xf32, #tpu.memory_space<vmem_shared>> -> memref<2560x128xf32, #tpu.memory_space<vmem_shared>>
      tpu.enqueue_indirect_dma source(%arg11 : memref<96x128xf32, #tpu.memory_space<vmem>>) target(%dma_start3A_141 : memref<2560x128xf32, #tpu.memory_space<vmem_shared>>) offsets(%dma_start3A_138 : memref<96xi32, #tpu.memory_space<vmem>>) semaphore(%arg23 : memref<!tpu.dma_semaphore, #tpu.memory_space<semaphore_mem>>) {add = true}
      %add3A_142 = arith.constant 3 : i32
      %add3A_143 = arith.addi %mul3A_99, %add3A_142 : i32
      %dma_wait3A_144 = arith.constant 0 : i32
      %dma_wait3A_145 = tpu.memref_slice %arg7[%add3A_143, %dma_wait3A_144] : memref<36x96xi32, #tpu.memory_space<vmem>> -> memref<1x96xi32, #tpu.memory_space<vmem>>
      %dma_wait3A_146 = tpu.memref_squeeze %dma_wait3A_145 : memref<1x96xi32, #tpu.memory_space<vmem>> -> memref<96xi32, #tpu.memory_space<vmem>>
      %dma_wait3A_147 = arith.constant 0 : i32
      %dma_wait3A_148 = arith.constant 0 : i32
      %dma_wait3A_149 = tpu.memref_slice %arg2[%dma_wait3A_147, %dma_wait3A_148] : memref<2500x128xf32, #tpu.memory_space<hbm>> -> memref<2500x128xf32, #tpu.memory_space<hbm>>
      tpu.wait_indirect_dma semaphore(%arg18 : memref<!tpu.dma_semaphore, #tpu.memory_space<semaphore_mem>>) src(%dma_wait3A_149 : memref<2500x128xf32, #tpu.memory_space<hbm>>) dst(%arg12 : memref<96x128xf32, #tpu.memory_space<vmem>>)
      %dma_start3A_150 = arith.constant 0 : i32
      %dma_start3A_151 = tpu.memref_slice %arg8[%add3A_143, %dma_start3A_150] : memref<36x96xi32, #tpu.memory_space<vmem>> -> memref<1x96xi32, #tpu.memory_space<vmem>>
      %dma_start3A_152 = tpu.memref_squeeze %dma_start3A_151 : memref<1x96xi32, #tpu.memory_space<vmem>> -> memref<96xi32, #tpu.memory_space<vmem>>
      %dma_start3A_153 = arith.constant 0 : i32
      %dma_start3A_154 = arith.constant 0 : i32
      %dma_start3A_155 = tpu.memref_slice %arg27[%dma_start3A_153, %dma_start3A_154] : memref<2560x128xf32, #tpu.memory_space<vmem_shared>> -> memref<2560x128xf32, #tpu.memory_space<vmem_shared>>
      tpu.enqueue_indirect_dma source(%arg12 : memref<96x128xf32, #tpu.memory_space<vmem>>) target(%dma_start3A_155 : memref<2560x128xf32, #tpu.memory_space<vmem_shared>>) offsets(%dma_start3A_152 : memref<96xi32, #tpu.memory_space<vmem>>) semaphore(%arg24 : memref<!tpu.dma_semaphore, #tpu.memory_space<semaphore_mem>>) {add = true}
      %add3A_156 = arith.constant 4 : i32
      %add3A_157 = arith.addi %mul3A_99, %add3A_156 : i32
      %dma_wait3A_158 = arith.constant 0 : i32
      %dma_wait3A_159 = tpu.memref_slice %arg7[%add3A_157, %dma_wait3A_158] : memref<36x96xi32, #tpu.memory_space<vmem>> -> memref<1x96xi32, #tpu.memory_space<vmem>>
      %dma_wait3A_160 = tpu.memref_squeeze %dma_wait3A_159 : memref<1x96xi32, #tpu.memory_space<vmem>> -> memref<96xi32, #tpu.memory_space<vmem>>
      %dma_wait3A_161 = arith.constant 0 : i32
      %dma_wait3A_162 = arith.constant 0 : i32
      %dma_wait3A_163 = tpu.memref_slice %arg2[%dma_wait3A_161, %dma_wait3A_162] : memref<2500x128xf32, #tpu.memory_space<hbm>> -> memref<2500x128xf32, #tpu.memory_space<hbm>>
      tpu.wait_indirect_dma semaphore(%arg19 : memref<!tpu.dma_semaphore, #tpu.memory_space<semaphore_mem>>) src(%dma_wait3A_163 : memref<2500x128xf32, #tpu.memory_space<hbm>>) dst(%arg13 : memref<96x128xf32, #tpu.memory_space<vmem>>)
      %dma_start3A_164 = arith.constant 0 : i32
      %dma_start3A_165 = tpu.memref_slice %arg8[%add3A_157, %dma_start3A_164] : memref<36x96xi32, #tpu.memory_space<vmem>> -> memref<1x96xi32, #tpu.memory_space<vmem>>
      %dma_start3A_166 = tpu.memref_squeeze %dma_start3A_165 : memref<1x96xi32, #tpu.memory_space<vmem>> -> memref<96xi32, #tpu.memory_space<vmem>>
      %dma_start3A_167 = arith.constant 0 : i32
      %dma_start3A_168 = arith.constant 0 : i32
      %dma_start3A_169 = tpu.memref_slice %arg27[%dma_start3A_167, %dma_start3A_168] : memref<2560x128xf32, #tpu.memory_space<vmem_shared>> -> memref<2560x128xf32, #tpu.memory_space<vmem_shared>>
      tpu.enqueue_indirect_dma source(%arg13 : memref<96x128xf32, #tpu.memory_space<vmem>>) target(%dma_start3A_169 : memref<2560x128xf32, #tpu.memory_space<vmem_shared>>) offsets(%dma_start3A_166 : memref<96xi32, #tpu.memory_space<vmem>>) semaphore(%arg25 : memref<!tpu.dma_semaphore, #tpu.memory_space<semaphore_mem>>) {add = true}
      %add3A_170 = arith.constant 5 : i32
      %add3A_171 = arith.addi %mul3A_99, %add3A_170 : i32
      %dma_wait3A_172 = arith.constant 0 : i32
      %dma_wait3A_173 = tpu.memref_slice %arg7[%add3A_171, %dma_wait3A_172] : memref<36x96xi32, #tpu.memory_space<vmem>> -> memref<1x96xi32, #tpu.memory_space<vmem>>
      %dma_wait3A_174 = tpu.memref_squeeze %dma_wait3A_173 : memref<1x96xi32, #tpu.memory_space<vmem>> -> memref<96xi32, #tpu.memory_space<vmem>>
      %dma_wait3A_175 = arith.constant 0 : i32
      %dma_wait3A_176 = arith.constant 0 : i32
      %dma_wait3A_177 = tpu.memref_slice %arg2[%dma_wait3A_175, %dma_wait3A_176] : memref<2500x128xf32, #tpu.memory_space<hbm>> -> memref<2500x128xf32, #tpu.memory_space<hbm>>
      tpu.wait_indirect_dma semaphore(%arg20 : memref<!tpu.dma_semaphore, #tpu.memory_space<semaphore_mem>>) src(%dma_wait3A_177 : memref<2500x128xf32, #tpu.memory_space<hbm>>) dst(%arg14 : memref<96x128xf32, #tpu.memory_space<vmem>>)
      %dma_start3A_178 = arith.constant 0 : i32
      %dma_start3A_179 = tpu.memref_slice %arg8[%add3A_171, %dma_start3A_178] : memref<36x96xi32, #tpu.memory_space<vmem>> -> memref<1x96xi32, #tpu.memory_space<vmem>>
      %dma_start3A_180 = tpu.memref_squeeze %dma_start3A_179 : memref<1x96xi32, #tpu.memory_space<vmem>> -> memref<96xi32, #tpu.memory_space<vmem>>
      %dma_start3A_181 = arith.constant 0 : i32
      %dma_start3A_182 = arith.constant 0 : i32
      %dma_start3A_183 = tpu.memref_slice %arg27[%dma_start3A_181, %dma_start3A_182] : memref<2560x128xf32, #tpu.memory_space<vmem_shared>> -> memref<2560x128xf32, #tpu.memory_space<vmem_shared>>
      tpu.enqueue_indirect_dma source(%arg14 : memref<96x128xf32, #tpu.memory_space<vmem>>) target(%dma_start3A_183 : memref<2560x128xf32, #tpu.memory_space<vmem_shared>>) offsets(%dma_start3A_180 : memref<96xi32, #tpu.memory_space<vmem>>) semaphore(%arg26 : memref<!tpu.dma_semaphore, #tpu.memory_space<semaphore_mem>>) {add = true}
      %add3A_184 = arith.constant 0 : i32
      %add3A_185 = arith.addi %mul3A_99, %add3A_184 : i32
      %add3A_186 = arith.constant 6 : i32
      %add3A_187 = arith.addi %add3A_185, %add3A_186 : i32
      %min3A = arith.constant 35 : i32
      %min3A_188 = arith.minsi %add3A_187, %min3A : i32
      %dma_wait3A_189 = arith.constant 0 : i32
      %dma_wait3A_190 = tpu.memref_slice %arg8[%add3A_185, %dma_wait3A_189] : memref<36x96xi32, #tpu.memory_space<vmem>> -> memref<1x96xi32, #tpu.memory_space<vmem>>
      %dma_wait3A_191 = tpu.memref_squeeze %dma_wait3A_190 : memref<1x96xi32, #tpu.memory_space<vmem>> -> memref<96xi32, #tpu.memory_space<vmem>>
      %dma_wait3A_192 = arith.constant 0 : i32
      %dma_wait3A_193 = arith.constant 0 : i32
      %dma_wait3A_194 = tpu.memref_slice %arg27[%dma_wait3A_192, %dma_wait3A_193] : memref<2560x128xf32, #tpu.memory_space<vmem_shared>> -> memref<2560x128xf32, #tpu.memory_space<vmem_shared>>
      tpu.wait_indirect_dma semaphore(%arg21 : memref<!tpu.dma_semaphore, #tpu.memory_space<semaphore_mem>>) src(%arg9 : memref<96x128xf32, #tpu.memory_space<vmem>>) dst(%dma_wait3A_194 : memref<2560x128xf32, #tpu.memory_space<vmem_shared>>)
      %dma_start3A_195 = arith.constant 0 : i32
      %dma_start3A_196 = tpu.memref_slice %arg7[%min3A_188, %dma_start3A_195] : memref<36x96xi32, #tpu.memory_space<vmem>> -> memref<1x96xi32, #tpu.memory_space<vmem>>
      %dma_start3A_197 = tpu.memref_squeeze %dma_start3A_196 : memref<1x96xi32, #tpu.memory_space<vmem>> -> memref<96xi32, #tpu.memory_space<vmem>>
      %dma_start3A_198 = arith.constant 0 : i32
      %dma_start3A_199 = arith.constant 0 : i32
      %dma_start3A_200 = tpu.memref_slice %arg2[%dma_start3A_198, %dma_start3A_199] : memref<2500x128xf32, #tpu.memory_space<hbm>> -> memref<2500x128xf32, #tpu.memory_space<hbm>>
      tpu.enqueue_indirect_dma source(%dma_start3A_200 : memref<2500x128xf32, #tpu.memory_space<hbm>>) target(%arg9 : memref<96x128xf32, #tpu.memory_space<vmem>>) offsets(%dma_start3A_197 : memref<96xi32, #tpu.memory_space<vmem>>) semaphore(%arg15 : memref<!tpu.dma_semaphore, #tpu.memory_space<semaphore_mem>>)
      %add3A_201 = arith.constant 1 : i32
      %add3A_202 = arith.addi %mul3A_99, %add3A_201 : i32
      %add3A_203 = arith.constant 6 : i32
      %add3A_204 = arith.addi %add3A_202, %add3A_203 : i32
      %min3A_205 = arith.constant 35 : i32
      %min3A_206 = arith.minsi %add3A_204, %min3A_205 : i32
      %dma_wait3A_207 = arith.constant 0 : i32
      %dma_wait3A_208 = tpu.memref_slice %arg8[%add3A_202, %dma_wait3A_207] : memref<36x96xi32, #tpu.memory_space<vmem>> -> memref<1x96xi32, #tpu.memory_space<vmem>>
      %dma_wait3A_209 = tpu.memref_squeeze %dma_wait3A_208 : memref<1x96xi32, #tpu.memory_space<vmem>> -> memref<96xi32, #tpu.memory_space<vmem>>
      %dma_wait3A_210 = arith.constant 0 : i32
      %dma_wait3A_211 = arith.constant 0 : i32
      %dma_wait3A_212 = tpu.memref_slice %arg27[%dma_wait3A_210, %dma_wait3A_211] : memref<2560x128xf32, #tpu.memory_space<vmem_shared>> -> memref<2560x128xf32, #tpu.memory_space<vmem_shared>>
      tpu.wait_indirect_dma semaphore(%arg22 : memref<!tpu.dma_semaphore, #tpu.memory_space<semaphore_mem>>) src(%arg10 : memref<96x128xf32, #tpu.memory_space<vmem>>) dst(%dma_wait3A_212 : memref<2560x128xf32, #tpu.memory_space<vmem_shared>>)
      %dma_start3A_213 = arith.constant 0 : i32
      %dma_start3A_214 = tpu.memref_slice %arg7[%min3A_206, %dma_start3A_213] : memref<36x96xi32, #tpu.memory_space<vmem>> -> memref<1x96xi32, #tpu.memory_space<vmem>>
      %dma_start3A_215 = tpu.memref_squeeze %dma_start3A_214 : memref<1x96xi32, #tpu.memory_space<vmem>> -> memref<96xi32, #tpu.memory_space<vmem>>
      %dma_start3A_216 = arith.constant 0 : i32
      %dma_start3A_217 = arith.constant 0 : i32
      %dma_start3A_218 = tpu.memref_slice %arg2[%dma_start3A_216, %dma_start3A_217] : memref<2500x128xf32, #tpu.memory_space<hbm>> -> memref<2500x128xf32, #tpu.memory_space<hbm>>
      tpu.enqueue_indirect_dma source(%dma_start3A_218 : memref<2500x128xf32, #tpu.memory_space<hbm>>) target(%arg10 : memref<96x128xf32, #tpu.memory_space<vmem>>) offsets(%dma_start3A_215 : memref<96xi32, #tpu.memory_space<vmem>>) semaphore(%arg16 : memref<!tpu.dma_semaphore, #tpu.memory_space<semaphore_mem>>)
      %add3A_219 = arith.constant 2 : i32
      %add3A_220 = arith.addi %mul3A_99, %add3A_219 : i32
      %add3A_221 = arith.constant 6 : i32
      %add3A_222 = arith.addi %add3A_220, %add3A_221 : i32
      %min3A_223 = arith.constant 35 : i32
      %min3A_224 = arith.minsi %add3A_222, %min3A_223 : i32
      %dma_wait3A_225 = arith.constant 0 : i32
      %dma_wait3A_226 = tpu.memref_slice %arg8[%add3A_220, %dma_wait3A_225] : memref<36x96xi32, #tpu.memory_space<vmem>> -> memref<1x96xi32, #tpu.memory_space<vmem>>
      %dma_wait3A_227 = tpu.memref_squeeze %dma_wait3A_226 : memref<1x96xi32, #tpu.memory_space<vmem>> -> memref<96xi32, #tpu.memory_space<vmem>>
      %dma_wait3A_228 = arith.constant 0 : i32
      %dma_wait3A_229 = arith.constant 0 : i32
      %dma_wait3A_230 = tpu.memref_slice %arg27[%dma_wait3A_228, %dma_wait3A_229] : memref<2560x128xf32, #tpu.memory_space<vmem_shared>> -> memref<2560x128xf32, #tpu.memory_space<vmem_shared>>
      tpu.wait_indirect_dma semaphore(%arg23 : memref<!tpu.dma_semaphore, #tpu.memory_space<semaphore_mem>>) src(%arg11 : memref<96x128xf32, #tpu.memory_space<vmem>>) dst(%dma_wait3A_230 : memref<2560x128xf32, #tpu.memory_space<vmem_shared>>)
      %dma_start3A_231 = arith.constant 0 : i32
      %dma_start3A_232 = tpu.memref_slice %arg7[%min3A_224, %dma_start3A_231] : memref<36x96xi32, #tpu.memory_space<vmem>> -> memref<1x96xi32, #tpu.memory_space<vmem>>
      %dma_start3A_233 = tpu.memref_squeeze %dma_start3A_232 : memref<1x96xi32, #tpu.memory_space<vmem>> -> memref<96xi32, #tpu.memory_space<vmem>>
      %dma_start3A_234 = arith.constant 0 : i32
      %dma_start3A_235 = arith.constant 0 : i32
      %dma_start3A_236 = tpu.memref_slice %arg2[%dma_start3A_234, %dma_start3A_235] : memref<2500x128xf32, #tpu.memory_space<hbm>> -> memref<2500x128xf32, #tpu.memory_space<hbm>>
      tpu.enqueue_indirect_dma source(%dma_start3A_236 : memref<2500x128xf32, #tpu.memory_space<hbm>>) target(%arg11 : memref<96x128xf32, #tpu.memory_space<vmem>>) offsets(%dma_start3A_233 : memref<96xi32, #tpu.memory_space<vmem>>) semaphore(%arg17 : memref<!tpu.dma_semaphore, #tpu.memory_space<semaphore_mem>>)
      %add3A_237 = arith.constant 3 : i32
      %add3A_238 = arith.addi %mul3A_99, %add3A_237 : i32
      %add3A_239 = arith.constant 6 : i32
      %add3A_240 = arith.addi %add3A_238, %add3A_239 : i32
      %min3A_241 = arith.constant 35 : i32
      %min3A_242 = arith.minsi %add3A_240, %min3A_241 : i32
      %dma_wait3A_243 = arith.constant 0 : i32
      %dma_wait3A_244 = tpu.memref_slice %arg8[%add3A_238, %dma_wait3A_243] : memref<36x96xi32, #tpu.memory_space<vmem>> -> memref<1x96xi32, #tpu.memory_space<vmem>>
      %dma_wait3A_245 = tpu.memref_squeeze %dma_wait3A_244 : memref<1x96xi32, #tpu.memory_space<vmem>> -> memref<96xi32, #tpu.memory_space<vmem>>
      %dma_wait3A_246 = arith.constant 0 : i32
      %dma_wait3A_247 = arith.constant 0 : i32
      %dma_wait3A_248 = tpu.memref_slice %arg27[%dma_wait3A_246, %dma_wait3A_247] : memref<2560x128xf32, #tpu.memory_space<vmem_shared>> -> memref<2560x128xf32, #tpu.memory_space<vmem_shared>>
      tpu.wait_indirect_dma semaphore(%arg24 : memref<!tpu.dma_semaphore, #tpu.memory_space<semaphore_mem>>) src(%arg12 : memref<96x128xf32, #tpu.memory_space<vmem>>) dst(%dma_wait3A_248 : memref<2560x128xf32, #tpu.memory_space<vmem_shared>>)
      %dma_start3A_249 = arith.constant 0 : i32
      %dma_start3A_250 = tpu.memref_slice %arg7[%min3A_242, %dma_start3A_249] : memref<36x96xi32, #tpu.memory_space<vmem>> -> memref<1x96xi32, #tpu.memory_space<vmem>>
      %dma_start3A_251 = tpu.memref_squeeze %dma_start3A_250 : memref<1x96xi32, #tpu.memory_space<vmem>> -> memref<96xi32, #tpu.memory_space<vmem>>
      %dma_start3A_252 = arith.constant 0 : i32
      %dma_start3A_253 = arith.constant 0 : i32
      %dma_start3A_254 = tpu.memref_slice %arg2[%dma_start3A_252, %dma_start3A_253] : memref<2500x128xf32, #tpu.memory_space<hbm>> -> memref<2500x128xf32, #tpu.memory_space<hbm>>
      tpu.enqueue_indirect_dma source(%dma_start3A_254 : memref<2500x128xf32, #tpu.memory_space<hbm>>) target(%arg12 : memref<96x128xf32, #tpu.memory_space<vmem>>) offsets(%dma_start3A_251 : memref<96xi32, #tpu.memory_space<vmem>>) semaphore(%arg18 : memref<!tpu.dma_semaphore, #tpu.memory_space<semaphore_mem>>)
      %add3A_255 = arith.constant 4 : i32
      %add3A_256 = arith.addi %mul3A_99, %add3A_255 : i32
      %add3A_257 = arith.constant 6 : i32
      %add3A_258 = arith.addi %add3A_256, %add3A_257 : i32
      %min3A_259 = arith.constant 35 : i32
      %min3A_260 = arith.minsi %add3A_258, %min3A_259 : i32
      %dma_wait3A_261 = arith.constant 0 : i32
      %dma_wait3A_262 = tpu.memref_slice %arg8[%add3A_256, %dma_wait3A_261] : memref<36x96xi32, #tpu.memory_space<vmem>> -> memref<1x96xi32, #tpu.memory_space<vmem>>
      %dma_wait3A_263 = tpu.memref_squeeze %dma_wait3A_262 : memref<1x96xi32, #tpu.memory_space<vmem>> -> memref<96xi32, #tpu.memory_space<vmem>>
      %dma_wait3A_264 = arith.constant 0 : i32
      %dma_wait3A_265 = arith.constant 0 : i32
      %dma_wait3A_266 = tpu.memref_slice %arg27[%dma_wait3A_264, %dma_wait3A_265] : memref<2560x128xf32, #tpu.memory_space<vmem_shared>> -> memref<2560x128xf32, #tpu.memory_space<vmem_shared>>
      tpu.wait_indirect_dma semaphore(%arg25 : memref<!tpu.dma_semaphore, #tpu.memory_space<semaphore_mem>>) src(%arg13 : memref<96x128xf32, #tpu.memory_space<vmem>>) dst(%dma_wait3A_266 : memref<2560x128xf32, #tpu.memory_space<vmem_shared>>)
      %dma_start3A_267 = arith.constant 0 : i32
      %dma_start3A_268 = tpu.memref_slice %arg7[%min3A_260, %dma_start3A_267] : memref<36x96xi32, #tpu.memory_space<vmem>> -> memref<1x96xi32, #tpu.memory_space<vmem>>
      %dma_start3A_269 = tpu.memref_squeeze %dma_start3A_268 : memref<1x96xi32, #tpu.memory_space<vmem>> -> memref<96xi32, #tpu.memory_space<vmem>>
      %dma_start3A_270 = arith.constant 0 : i32
      %dma_start3A_271 = arith.constant 0 : i32
      %dma_start3A_272 = tpu.memref_slice %arg2[%dma_start3A_270, %dma_start3A_271] : memref<2500x128xf32, #tpu.memory_space<hbm>> -> memref<2500x128xf32, #tpu.memory_space<hbm>>
      tpu.enqueue_indirect_dma source(%dma_start3A_272 : memref<2500x128xf32, #tpu.memory_space<hbm>>) target(%arg13 : memref<96x128xf32, #tpu.memory_space<vmem>>) offsets(%dma_start3A_269 : memref<96xi32, #tpu.memory_space<vmem>>) semaphore(%arg19 : memref<!tpu.dma_semaphore, #tpu.memory_space<semaphore_mem>>)
      %add3A_273 = arith.constant 5 : i32
      %add3A_274 = arith.addi %mul3A_99, %add3A_273 : i32
      %add3A_275 = arith.constant 6 : i32
      %add3A_276 = arith.addi %add3A_274, %add3A_275 : i32
      %min3A_277 = arith.constant 35 : i32
      %min3A_278 = arith.minsi %add3A_276, %min3A_277 : i32
      %dma_wait3A_279 = arith.constant 0 : i32
      %dma_wait3A_280 = tpu.memref_slice %arg8[%add3A_274, %dma_wait3A_279] : memref<36x96xi32, #tpu.memory_space<vmem>> -> memref<1x96xi32, #tpu.memory_space<vmem>>
      %dma_wait3A_281 = tpu.memref_squeeze %dma_wait3A_280 : memref<1x96xi32, #tpu.memory_space<vmem>> -> memref<96xi32, #tpu.memory_space<vmem>>
      %dma_wait3A_282 = arith.constant 0 : i32
      %dma_wait3A_283 = arith.constant 0 : i32
      %dma_wait3A_284 = tpu.memref_slice %arg27[%dma_wait3A_282, %dma_wait3A_283] : memref<2560x128xf32, #tpu.memory_space<vmem_shared>> -> memref<2560x128xf32, #tpu.memory_space<vmem_shared>>
      tpu.wait_indirect_dma semaphore(%arg26 : memref<!tpu.dma_semaphore, #tpu.memory_space<semaphore_mem>>) src(%arg14 : memref<96x128xf32, #tpu.memory_space<vmem>>) dst(%dma_wait3A_284 : memref<2560x128xf32, #tpu.memory_space<vmem_shared>>)
      %dma_start3A_285 = arith.constant 0 : i32
      %dma_start3A_286 = tpu.memref_slice %arg7[%min3A_278, %dma_start3A_285] : memref<36x96xi32, #tpu.memory_space<vmem>> -> memref<1x96xi32, #tpu.memory_space<vmem>>
      %dma_start3A_287 = tpu.memref_squeeze %dma_start3A_286 : memref<1x96xi32, #tpu.memory_space<vmem>> -> memref<96xi32, #tpu.memory_space<vmem>>
      %dma_start3A_288 = arith.constant 0 : i32
      %dma_start3A_289 = arith.constant 0 : i32
      %dma_start3A_290 = tpu.memref_slice %arg2[%dma_start3A_288, %dma_start3A_289] : memref<2500x128xf32, #tpu.memory_space<hbm>> -> memref<2500x128xf32, #tpu.memory_space<hbm>>
      tpu.enqueue_indirect_dma source(%dma_start3A_290 : memref<2500x128xf32, #tpu.memory_space<hbm>>) target(%arg14 : memref<96x128xf32, #tpu.memory_space<vmem>>) offsets(%dma_start3A_287 : memref<96xi32, #tpu.memory_space<vmem>>) semaphore(%arg20 : memref<!tpu.dma_semaphore, #tpu.memory_space<semaphore_mem>>)
    }
    %scan3A_50 = arith.constant 6 : i32
    %dma_wait3A = arith.constant 35 : i32
    %dma_wait3A_51 = arith.constant 0 : i32
    %dma_wait3A_52 = tpu.memref_slice %arg7[%dma_wait3A, %dma_wait3A_51] : memref<36x96xi32, #tpu.memory_space<vmem>> -> memref<1x96xi32, #tpu.memory_space<vmem>>
    %dma_wait3A_53 = tpu.memref_squeeze %dma_wait3A_52 : memref<1x96xi32, #tpu.memory_space<vmem>> -> memref<96xi32, #tpu.memory_space<vmem>>
    %dma_wait3A_54 = arith.constant 0 : i32
    %dma_wait3A_55 = arith.constant 0 : i32
    %dma_wait3A_56 = tpu.memref_slice %arg2[%dma_wait3A_54, %dma_wait3A_55] : memref<2500x128xf32, #tpu.memory_space<hbm>> -> memref<2500x128xf32, #tpu.memory_space<hbm>>
    tpu.wait_indirect_dma semaphore(%arg15 : memref<!tpu.dma_semaphore, #tpu.memory_space<semaphore_mem>>) src(%dma_wait3A_56 : memref<2500x128xf32, #tpu.memory_space<hbm>>) dst(%arg9 : memref<96x128xf32, #tpu.memory_space<vmem>>)
    %dma_wait3A_57 = arith.constant 35 : i32
    %dma_wait3A_58 = arith.constant 0 : i32
    %dma_wait3A_59 = tpu.memref_slice %arg7[%dma_wait3A_57, %dma_wait3A_58] : memref<36x96xi32, #tpu.memory_space<vmem>> -> memref<1x96xi32, #tpu.memory_space<vmem>>
    %dma_wait3A_60 = tpu.memref_squeeze %dma_wait3A_59 : memref<1x96xi32, #tpu.memory_space<vmem>> -> memref<96xi32, #tpu.memory_space<vmem>>
    %dma_wait3A_61 = arith.constant 0 : i32
    %dma_wait3A_62 = arith.constant 0 : i32
    %dma_wait3A_63 = tpu.memref_slice %arg2[%dma_wait3A_61, %dma_wait3A_62] : memref<2500x128xf32, #tpu.memory_space<hbm>> -> memref<2500x128xf32, #tpu.memory_space<hbm>>
    tpu.wait_indirect_dma semaphore(%arg16 : memref<!tpu.dma_semaphore, #tpu.memory_space<semaphore_mem>>) src(%dma_wait3A_63 : memref<2500x128xf32, #tpu.memory_space<hbm>>) dst(%arg10 : memref<96x128xf32, #tpu.memory_space<vmem>>)
    %dma_wait3A_64 = arith.constant 35 : i32
    %dma_wait3A_65 = arith.constant 0 : i32
    %dma_wait3A_66 = tpu.memref_slice %arg7[%dma_wait3A_64, %dma_wait3A_65] : memref<36x96xi32, #tpu.memory_space<vmem>> -> memref<1x96xi32, #tpu.memory_space<vmem>>
    %dma_wait3A_67 = tpu.memref_squeeze %dma_wait3A_66 : memref<1x96xi32, #tpu.memory_space<vmem>> -> memref<96xi32, #tpu.memory_space<vmem>>
    %dma_wait3A_68 = arith.constant 0 : i32
    %dma_wait3A_69 = arith.constant 0 : i32
    %dma_wait3A_70 = tpu.memref_slice %arg2[%dma_wait3A_68, %dma_wait3A_69] : memref<2500x128xf32, #tpu.memory_space<hbm>> -> memref<2500x128xf32, #tpu.memory_space<hbm>>
    tpu.wait_indirect_dma semaphore(%arg17 : memref<!tpu.dma_semaphore, #tpu.memory_space<semaphore_mem>>) src(%dma_wait3A_70 : memref<2500x128xf32, #tpu.memory_space<hbm>>) dst(%arg11 : memref<96x128xf32, #tpu.memory_space<vmem>>)
    %dma_wait3A_71 = arith.constant 35 : i32
    %dma_wait3A_72 = arith.constant 0 : i32
    %dma_wait3A_73 = tpu.memref_slice %arg7[%dma_wait3A_71, %dma_wait3A_72] : memref<36x96xi32, #tpu.memory_space<vmem>> -> memref<1x96xi32, #tpu.memory_space<vmem>>
    %dma_wait3A_74 = tpu.memref_squeeze %dma_wait3A_73 : memref<1x96xi32, #tpu.memory_space<vmem>> -> memref<96xi32, #tpu.memory_space<vmem>>
    %dma_wait3A_75 = arith.constant 0 : i32
    %dma_wait3A_76 = arith.constant 0 : i32
    %dma_wait3A_77 = tpu.memref_slice %arg2[%dma_wait3A_75, %dma_wait3A_76] : memref<2500x128xf32, #tpu.memory_space<hbm>> -> memref<2500x128xf32, #tpu.memory_space<hbm>>
    tpu.wait_indirect_dma semaphore(%arg18 : memref<!tpu.dma_semaphore, #tpu.memory_space<semaphore_mem>>) src(%dma_wait3A_77 : memref<2500x128xf32, #tpu.memory_space<hbm>>) dst(%arg12 : memref<96x128xf32, #tpu.memory_space<vmem>>)
    %dma_wait3A_78 = arith.constant 35 : i32
    %dma_wait3A_79 = arith.constant 0 : i32
    %dma_wait3A_80 = tpu.memref_slice %arg7[%dma_wait3A_78, %dma_wait3A_79] : memref<36x96xi32, #tpu.memory_space<vmem>> -> memref<1x96xi32, #tpu.memory_space<vmem>>
    %dma_wait3A_81 = tpu.memref_squeeze %dma_wait3A_80 : memref<1x96xi32, #tpu.memory_space<vmem>> -> memref<96xi32, #tpu.memory_space<vmem>>
    %dma_wait3A_82 = arith.constant 0 : i32
    %dma_wait3A_83 = arith.constant 0 : i32
    %dma_wait3A_84 = tpu.memref_slice %arg2[%dma_wait3A_82, %dma_wait3A_83] : memref<2500x128xf32, #tpu.memory_space<hbm>> -> memref<2500x128xf32, #tpu.memory_space<hbm>>
    tpu.wait_indirect_dma semaphore(%arg19 : memref<!tpu.dma_semaphore, #tpu.memory_space<semaphore_mem>>) src(%dma_wait3A_84 : memref<2500x128xf32, #tpu.memory_space<hbm>>) dst(%arg13 : memref<96x128xf32, #tpu.memory_space<vmem>>)
    %dma_wait3A_85 = arith.constant 35 : i32
    %dma_wait3A_86 = arith.constant 0 : i32
    %dma_wait3A_87 = tpu.memref_slice %arg7[%dma_wait3A_85, %dma_wait3A_86] : memref<36x96xi32, #tpu.memory_space<vmem>> -> memref<1x96xi32, #tpu.memory_space<vmem>>
    %dma_wait3A_88 = tpu.memref_squeeze %dma_wait3A_87 : memref<1x96xi32, #tpu.memory_space<vmem>> -> memref<96xi32, #tpu.memory_space<vmem>>
    %dma_wait3A_89 = arith.constant 0 : i32
    %dma_wait3A_90 = arith.constant 0 : i32
    %dma_wait3A_91 = tpu.memref_slice %arg2[%dma_wait3A_89, %dma_wait3A_90] : memref<2500x128xf32, #tpu.memory_space<hbm>> -> memref<2500x128xf32, #tpu.memory_space<hbm>>
    tpu.wait_indirect_dma semaphore(%arg20 : memref<!tpu.dma_semaphore, #tpu.memory_space<semaphore_mem>>) src(%dma_wait3A_91 : memref<2500x128xf32, #tpu.memory_space<hbm>>) dst(%arg14 : memref<96x128xf32, #tpu.memory_space<vmem>>)
    %barrier3A_92 = arith.constant 0 : index
    tpu.barrier barrier_id(%barrier3A_92)
    %mul3A_93 = arith.constant 160 : i32
    %mul3A_94 = arith.muli %arg1, %mul3A_93 : i32
    %mul3A_95 = arith.constant 160 : i32
    %mul3A_96 = arith.muli %arg1, %mul3A_95 : i32
    "tpu.region"() ({
      %run_scoped3A = tpu.sem_alloc : memref<!tpu.dma_semaphore, #tpu.memory_space<semaphore_mem>>
      %dma_start3A_97 = arith.constant 0 : i32
      %dma_start3A_98 = tpu.memref_slice %arg6[%arg0, %mul3A_96, %dma_start3A_97] : memref<2x2560x128xf32, #tpu.memory_space<hbm>> -> memref<1x160x128xf32, #tpu.memory_space<hbm>>
      %dma_start3A_99 = tpu.memref_squeeze %dma_start3A_98 : memref<1x160x128xf32, #tpu.memory_space<hbm>> -> memref<160x128xf32, #tpu.memory_space<hbm>>
      %dma_start3A_100 = arith.constant 0 : i32
      %dma_start3A_101 = tpu.memref_slice %arg27[%mul3A_94, %dma_start3A_100] : memref<2560x128xf32, #tpu.memory_space<vmem_shared>> -> memref<160x128xf32, #tpu.memory_space<vmem_shared>>
      tpu.enqueue_dma source(%dma_start3A_101 : memref<160x128xf32, #tpu.memory_space<vmem_shared>>) target(%dma_start3A_99 : memref<160x128xf32, #tpu.memory_space<hbm>>) target_semaphore(%run_scoped3A : memref<!tpu.dma_semaphore, #tpu.memory_space<semaphore_mem>>)
      %dma_wait3A_102 = arith.constant 0 : i32
      %dma_wait3A_103 = tpu.memref_slice %arg6[%arg0, %mul3A_96, %dma_wait3A_102] : memref<2x2560x128xf32, #tpu.memory_space<hbm>> -> memref<1x160x128xf32, #tpu.memory_space<hbm>>
      %dma_wait3A_104 = tpu.memref_squeeze %dma_wait3A_103 : memref<1x160x128xf32, #tpu.memory_space<hbm>> -> memref<160x128xf32, #tpu.memory_space<hbm>>
      %dma_wait3A_105 = arith.constant 0 : i32
      %dma_wait3A_106 = tpu.memref_slice %arg27[%mul3A_94, %dma_wait3A_105] : memref<2560x128xf32, #tpu.memory_space<vmem_shared>> -> memref<160x128xf32, #tpu.memory_space<vmem_shared>>
      tpu.wait_dma2 semaphore(%run_scoped3A : memref<!tpu.dma_semaphore, #tpu.memory_space<semaphore_mem>>) src(%dma_wait3A_106 : memref<160x128xf32, #tpu.memory_space<vmem_shared>>) dst(%dma_wait3A_104 : memref<160x128xf32, #tpu.memory_space<hbm>>)
      tpu.yield
    }) : () -> ()
    return
  }
}

#map = affine_map<(d0, d1) -> (0, 0)>
#map1 = affine_map<(d0, d1) -> (0, 0, 0)>
module attributes {stable_mosaic.version = 14 : i64} {
  func.func @_segment_sum_sc(%arg0: i32, %arg1: i32, %arg2: memref<2500x128xf32, #tpu.memory_space<hbm>>, %arg3: memref<32x36x96xi32, #tpu.memory_space<hbm>>, %arg4: memref<32x36x96xi32, #tpu.memory_space<hbm>>, %arg5: memref<2560x128xf32, #tpu.memory_space<hbm>>, %arg6: memref<2x2560x128xf32, #tpu.memory_space<hbm>>, %arg7: memref<36x96xi32, #tpu.memory_space<vmem>>, %arg8: memref<36x96xi32, #tpu.memory_space<vmem>>, %arg9: memref<96x128xf32, #tpu.memory_space<vmem>>, %arg10: memref<96x128xf32, #tpu.memory_space<vmem>>, %arg11: memref<96x128xf32, #tpu.memory_space<vmem>>, %arg12: memref<96x128xf32, #tpu.memory_space<vmem>>, %arg13: memref<96x128xf32, #tpu.memory_space<vmem>>, %arg14: memref<96x128xf32, #tpu.memory_space<vmem>>, %arg15: memref<!tpu.dma_semaphore, #tpu.memory_space<semaphore_mem>>, %arg16: memref<!tpu.dma_semaphore, #tpu.memory_space<semaphore_mem>>, %arg17: memref<!tpu.dma_semaphore, #tpu.memory_space<semaphore_mem>>, %arg18: memref<!tpu.dma_semaphore, #tpu.memory_space<semaphore_mem>>, %arg19: memref<!tpu.dma_semaphore, #tpu.memory_space<semaphore_mem>>, %arg20: memref<!tpu.dma_semaphore, #tpu.memory_space<semaphore_mem>>, %arg21: memref<!tpu.dma_semaphore, #tpu.memory_space<semaphore_mem>>, %arg22: memref<!tpu.dma_semaphore, #tpu.memory_space<semaphore_mem>>, %arg23: memref<!tpu.dma_semaphore, #tpu.memory_space<semaphore_mem>>, %arg24: memref<!tpu.dma_semaphore, #tpu.memory_space<semaphore_mem>>, %arg25: memref<!tpu.dma_semaphore, #tpu.memory_space<semaphore_mem>>, %arg26: memref<!tpu.dma_semaphore, #tpu.memory_space<semaphore_mem>>, %arg27: memref<2560x128xf32, #tpu.memory_space<vmem_shared>>) attributes {dimension_semantics = [#tpu.dimension_semantics<core_parallel>, #tpu.dimension_semantics<subcore_parallel>], iteration_bounds = array<i64: 2, 16>, scalar_prefetch = 0 : i64, scratch_operands = 21 : i64, tpu.core_type = #tpu.core_type<sc_vector_subcore>, window_params = [{transform_indices = #map}, {transform_indices = #map1}, {transform_indices = #map1}, {transform_indices = #map}, {transform_indices = #map1}]} {
    %mul3A = arith.constant 16 : i32
    %mul3A_0 = arith.muli %arg0, %mul3A : i32
    %add3A = arith.addi %mul3A_0, %arg1 : i32
    "tpu.region"() ({
      %run_scoped3A = tpu.sem_alloc : memref<!tpu.dma_semaphore, #tpu.memory_space<semaphore_mem>>
      %dma_start3A_97 = arith.constant 0 : i32
      %dma_start3A_98 = arith.constant 0 : i32
      %dma_start3A_99 = tpu.memref_slice %arg3[%add3A, %dma_start3A_97, %dma_start3A_98] : memref<32x36x96xi32, #tpu.memory_space<hbm>> -> memref<1x36x96xi32, #tpu.memory_space<hbm>>
      %dma_start3A_100 = tpu.memref_squeeze %dma_start3A_99 : memref<1x36x96xi32, #tpu.memory_space<hbm>> -> memref<36x96xi32, #tpu.memory_space<hbm>>
      %dma_start3A_101 = arith.constant 0 : i32
      %dma_start3A_102 = arith.constant 0 : i32
      %dma_start3A_103 = tpu.memref_slice %arg3[%add3A, %dma_start3A_101, %dma_start3A_102] : memref<32x36x96xi32, #tpu.memory_space<hbm>> -> memref<1x36x96xi32, #tpu.memory_space<hbm>>
      %dma_start3A_104 = tpu.memref_squeeze %dma_start3A_103 : memref<1x36x96xi32, #tpu.memory_space<hbm>> -> memref<36x96xi32, #tpu.memory_space<hbm>>
      tpu.enqueue_dma source(%dma_start3A_104 : memref<36x96xi32, #tpu.memory_space<hbm>>) target(%arg7 : memref<36x96xi32, #tpu.memory_space<vmem>>) target_semaphore(%run_scoped3A : memref<!tpu.dma_semaphore, #tpu.memory_space<semaphore_mem>>)
      %dma_wait3A_105 = arith.constant 0 : i32
      %dma_wait3A_106 = arith.constant 0 : i32
      %dma_wait3A_107 = tpu.memref_slice %arg3[%add3A, %dma_wait3A_105, %dma_wait3A_106] : memref<32x36x96xi32, #tpu.memory_space<hbm>> -> memref<1x36x96xi32, #tpu.memory_space<hbm>>
      %dma_wait3A_108 = tpu.memref_squeeze %dma_wait3A_107 : memref<1x36x96xi32, #tpu.memory_space<hbm>> -> memref<36x96xi32, #tpu.memory_space<hbm>>
      %dma_wait3A_109 = arith.constant 0 : i32
      %dma_wait3A_110 = arith.constant 0 : i32
      %dma_wait3A_111 = tpu.memref_slice %arg3[%add3A, %dma_wait3A_109, %dma_wait3A_110] : memref<32x36x96xi32, #tpu.memory_space<hbm>> -> memref<1x36x96xi32, #tpu.memory_space<hbm>>
      %dma_wait3A_112 = tpu.memref_squeeze %dma_wait3A_111 : memref<1x36x96xi32, #tpu.memory_space<hbm>> -> memref<36x96xi32, #tpu.memory_space<hbm>>
      tpu.wait_dma2 semaphore(%run_scoped3A : memref<!tpu.dma_semaphore, #tpu.memory_space<semaphore_mem>>) src(%dma_wait3A_112 : memref<36x96xi32, #tpu.memory_space<hbm>>) dst(%arg7 : memref<36x96xi32, #tpu.memory_space<vmem>>)
      tpu.yield
    }) : () -> ()
    %dma_start3A = arith.constant 0 : i32
    %dma_start3A_1 = arith.constant 0 : i32
    %dma_start3A_2 = tpu.memref_slice %arg7[%dma_start3A, %dma_start3A_1] : memref<36x96xi32, #tpu.memory_space<vmem>> -> memref<1x96xi32, #tpu.memory_space<vmem>>
    %dma_start3A_3 = tpu.memref_squeeze %dma_start3A_2 : memref<1x96xi32, #tpu.memory_space<vmem>> -> memref<96xi32, #tpu.memory_space<vmem>>
    %dma_start3A_4 = arith.constant 0 : i32
    %dma_start3A_5 = arith.constant 0 : i32
    %dma_start3A_6 = tpu.memref_slice %arg2[%dma_start3A_4, %dma_start3A_5] : memref<2500x128xf32, #tpu.memory_space<hbm>> -> memref<2500x128xf32, #tpu.memory_space<hbm>>
    tpu.enqueue_indirect_dma source(%dma_start3A_6 : memref<2500x128xf32, #tpu.memory_space<hbm>>) target(%arg9 : memref<96x128xf32, #tpu.memory_space<vmem>>) offsets(%dma_start3A_3 : memref<96xi32, #tpu.memory_space<vmem>>) semaphore(%arg15 : memref<!tpu.dma_semaphore, #tpu.memory_space<semaphore_mem>>)
    %dma_start3A_7 = arith.constant 1 : i32
    %dma_start3A_8 = arith.constant 0 : i32
    %dma_start3A_9 = tpu.memref_slice %arg7[%dma_start3A_7, %dma_start3A_8] : memref<36x96xi32, #tpu.memory_space<vmem>> -> memref<1x96xi32, #tpu.memory_space<vmem>>
    %dma_start3A_10 = tpu.memref_squeeze %dma_start3A_9 : memref<1x96xi32, #tpu.memory_space<vmem>> -> memref<96xi32, #tpu.memory_space<vmem>>
    %dma_start3A_11 = arith.constant 0 : i32
    %dma_start3A_12 = arith.constant 0 : i32
    %dma_start3A_13 = tpu.memref_slice %arg2[%dma_start3A_11, %dma_start3A_12] : memref<2500x128xf32, #tpu.memory_space<hbm>> -> memref<2500x128xf32, #tpu.memory_space<hbm>>
    tpu.enqueue_indirect_dma source(%dma_start3A_13 : memref<2500x128xf32, #tpu.memory_space<hbm>>) target(%arg10 : memref<96x128xf32, #tpu.memory_space<vmem>>) offsets(%dma_start3A_10 : memref<96xi32, #tpu.memory_space<vmem>>) semaphore(%arg16 : memref<!tpu.dma_semaphore, #tpu.memory_space<semaphore_mem>>)
    %dma_start3A_14 = arith.constant 2 : i32
    %dma_start3A_15 = arith.constant 0 : i32
    %dma_start3A_16 = tpu.memref_slice %arg7[%dma_start3A_14, %dma_start3A_15] : memref<36x96xi32, #tpu.memory_space<vmem>> -> memref<1x96xi32, #tpu.memory_space<vmem>>
    %dma_start3A_17 = tpu.memref_squeeze %dma_start3A_16 : memref<1x96xi32, #tpu.memory_space<vmem>> -> memref<96xi32, #tpu.memory_space<vmem>>
    %dma_start3A_18 = arith.constant 0 : i32
    %dma_start3A_19 = arith.constant 0 : i32
    %dma_start3A_20 = tpu.memref_slice %arg2[%dma_start3A_18, %dma_start3A_19] : memref<2500x128xf32, #tpu.memory_space<hbm>> -> memref<2500x128xf32, #tpu.memory_space<hbm>>
    tpu.enqueue_indirect_dma source(%dma_start3A_20 : memref<2500x128xf32, #tpu.memory_space<hbm>>) target(%arg11 : memref<96x128xf32, #tpu.memory_space<vmem>>) offsets(%dma_start3A_17 : memref<96xi32, #tpu.memory_space<vmem>>) semaphore(%arg17 : memref<!tpu.dma_semaphore, #tpu.memory_space<semaphore_mem>>)
    %dma_start3A_21 = arith.constant 3 : i32
    %dma_start3A_22 = arith.constant 0 : i32
    %dma_start3A_23 = tpu.memref_slice %arg7[%dma_start3A_21, %dma_start3A_22] : memref<36x96xi32, #tpu.memory_space<vmem>> -> memref<1x96xi32, #tpu.memory_space<vmem>>
    %dma_start3A_24 = tpu.memref_squeeze %dma_start3A_23 : memref<1x96xi32, #tpu.memory_space<vmem>> -> memref<96xi32, #tpu.memory_space<vmem>>
    %dma_start3A_25 = arith.constant 0 : i32
    %dma_start3A_26 = arith.constant 0 : i32
    %dma_start3A_27 = tpu.memref_slice %arg2[%dma_start3A_25, %dma_start3A_26] : memref<2500x128xf32, #tpu.memory_space<hbm>> -> memref<2500x128xf32, #tpu.memory_space<hbm>>
    tpu.enqueue_indirect_dma source(%dma_start3A_27 : memref<2500x128xf32, #tpu.memory_space<hbm>>) target(%arg12 : memref<96x128xf32, #tpu.memory_space<vmem>>) offsets(%dma_start3A_24 : memref<96xi32, #tpu.memory_space<vmem>>) semaphore(%arg18 : memref<!tpu.dma_semaphore, #tpu.memory_space<semaphore_mem>>)
    %dma_start3A_28 = arith.constant 4 : i32
    %dma_start3A_29 = arith.constant 0 : i32
    %dma_start3A_30 = tpu.memref_slice %arg7[%dma_start3A_28, %dma_start3A_29] : memref<36x96xi32, #tpu.memory_space<vmem>> -> memref<1x96xi32, #tpu.memory_space<vmem>>
    %dma_start3A_31 = tpu.memref_squeeze %dma_start3A_30 : memref<1x96xi32, #tpu.memory_space<vmem>> -> memref<96xi32, #tpu.memory_space<vmem>>
    %dma_start3A_32 = arith.constant 0 : i32
    %dma_start3A_33 = arith.constant 0 : i32
    %dma_start3A_34 = tpu.memref_slice %arg2[%dma_start3A_32, %dma_start3A_33] : memref<2500x128xf32, #tpu.memory_space<hbm>> -> memref<2500x128xf32, #tpu.memory_space<hbm>>
    tpu.enqueue_indirect_dma source(%dma_start3A_34 : memref<2500x128xf32, #tpu.memory_space<hbm>>) target(%arg13 : memref<96x128xf32, #tpu.memory_space<vmem>>) offsets(%dma_start3A_31 : memref<96xi32, #tpu.memory_space<vmem>>) semaphore(%arg19 : memref<!tpu.dma_semaphore, #tpu.memory_space<semaphore_mem>>)
    %dma_start3A_35 = arith.constant 5 : i32
    %dma_start3A_36 = arith.constant 0 : i32
    %dma_start3A_37 = tpu.memref_slice %arg7[%dma_start3A_35, %dma_start3A_36] : memref<36x96xi32, #tpu.memory_space<vmem>> -> memref<1x96xi32, #tpu.memory_space<vmem>>
    %dma_start3A_38 = tpu.memref_squeeze %dma_start3A_37 : memref<1x96xi32, #tpu.memory_space<vmem>> -> memref<96xi32, #tpu.memory_space<vmem>>
    %dma_start3A_39 = arith.constant 0 : i32
    %dma_start3A_40 = arith.constant 0 : i32
    %dma_start3A_41 = tpu.memref_slice %arg2[%dma_start3A_39, %dma_start3A_40] : memref<2500x128xf32, #tpu.memory_space<hbm>> -> memref<2500x128xf32, #tpu.memory_space<hbm>>
    tpu.enqueue_indirect_dma source(%dma_start3A_41 : memref<2500x128xf32, #tpu.memory_space<hbm>>) target(%arg14 : memref<96x128xf32, #tpu.memory_space<vmem>>) offsets(%dma_start3A_38 : memref<96xi32, #tpu.memory_space<vmem>>) semaphore(%arg20 : memref<!tpu.dma_semaphore, #tpu.memory_space<semaphore_mem>>)
    %mul3A_42 = arith.constant 160 : i32
    %mul3A_43 = arith.muli %arg1, %mul3A_42 : i32
    %mul3A_44 = arith.constant 160 : i32
    %mul3A_45 = arith.muli %arg1, %mul3A_44 : i32
    "tpu.region"() ({
      %run_scoped3A = tpu.sem_alloc : memref<!tpu.dma_semaphore, #tpu.memory_space<semaphore_mem>>
      %dma_start3A_97 = arith.constant 0 : i32
      %dma_start3A_98 = tpu.memref_slice %arg27[%mul3A_45, %dma_start3A_97] : memref<2560x128xf32, #tpu.memory_space<vmem_shared>> -> memref<160x128xf32, #tpu.memory_space<vmem_shared>>
      %dma_start3A_99 = arith.constant 0 : i32
      %dma_start3A_100 = tpu.memref_slice %arg5[%mul3A_43, %dma_start3A_99] : memref<2560x128xf32, #tpu.memory_space<hbm>> -> memref<160x128xf32, #tpu.memory_space<hbm>>
      tpu.enqueue_dma source(%dma_start3A_100 : memref<160x128xf32, #tpu.memory_space<hbm>>) target(%dma_start3A_98 : memref<160x128xf32, #tpu.memory_space<vmem_shared>>) target_semaphore(%run_scoped3A : memref<!tpu.dma_semaphore, #tpu.memory_space<semaphore_mem>>)
      %dma_wait3A_101 = arith.constant 0 : i32
      %dma_wait3A_102 = tpu.memref_slice %arg27[%mul3A_45, %dma_wait3A_101] : memref<2560x128xf32, #tpu.memory_space<vmem_shared>> -> memref<160x128xf32, #tpu.memory_space<vmem_shared>>
      %dma_wait3A_103 = arith.constant 0 : i32
      %dma_wait3A_104 = tpu.memref_slice %arg5[%mul3A_43, %dma_wait3A_103] : memref<2560x128xf32, #tpu.memory_space<hbm>> -> memref<160x128xf32, #tpu.memory_space<hbm>>
      tpu.wait_dma2 semaphore(%run_scoped3A : memref<!tpu.dma_semaphore, #tpu.memory_space<semaphore_mem>>) src(%dma_wait3A_104 : memref<160x128xf32, #tpu.memory_space<hbm>>) dst(%dma_wait3A_102 : memref<160x128xf32, #tpu.memory_space<vmem_shared>>)
      tpu.yield
    }) : () -> ()
    "tpu.region"() ({
      %run_scoped3A = tpu.sem_alloc : memref<!tpu.dma_semaphore, #tpu.memory_space<semaphore_mem>>
      %dma_start3A_97 = arith.constant 0 : i32
      %dma_start3A_98 = arith.constant 0 : i32
      %dma_start3A_99 = tpu.memref_slice %arg4[%add3A, %dma_start3A_97, %dma_start3A_98] : memref<32x36x96xi32, #tpu.memory_space<hbm>> -> memref<1x36x96xi32, #tpu.memory_space<hbm>>
      %dma_start3A_100 = tpu.memref_squeeze %dma_start3A_99 : memref<1x36x96xi32, #tpu.memory_space<hbm>> -> memref<36x96xi32, #tpu.memory_space<hbm>>
      %dma_start3A_101 = arith.constant 0 : i32
      %dma_start3A_102 = arith.constant 0 : i32
      %dma_start3A_103 = tpu.memref_slice %arg4[%add3A, %dma_start3A_101, %dma_start3A_102] : memref<32x36x96xi32, #tpu.memory_space<hbm>> -> memref<1x36x96xi32, #tpu.memory_space<hbm>>
      %dma_start3A_104 = tpu.memref_squeeze %dma_start3A_103 : memref<1x36x96xi32, #tpu.memory_space<hbm>> -> memref<36x96xi32, #tpu.memory_space<hbm>>
      tpu.enqueue_dma source(%dma_start3A_104 : memref<36x96xi32, #tpu.memory_space<hbm>>) target(%arg8 : memref<36x96xi32, #tpu.memory_space<vmem>>) target_semaphore(%run_scoped3A : memref<!tpu.dma_semaphore, #tpu.memory_space<semaphore_mem>>)
      %dma_wait3A_105 = arith.constant 0 : i32
      %dma_wait3A_106 = arith.constant 0 : i32
      %dma_wait3A_107 = tpu.memref_slice %arg4[%add3A, %dma_wait3A_105, %dma_wait3A_106] : memref<32x36x96xi32, #tpu.memory_space<hbm>> -> memref<1x36x96xi32, #tpu.memory_space<hbm>>
      %dma_wait3A_108 = tpu.memref_squeeze %dma_wait3A_107 : memref<1x36x96xi32, #tpu.memory_space<hbm>> -> memref<36x96xi32, #tpu.memory_space<hbm>>
      %dma_wait3A_109 = arith.constant 0 : i32
      %dma_wait3A_110 = arith.constant 0 : i32
      %dma_wait3A_111 = tpu.memref_slice %arg4[%add3A, %dma_wait3A_109, %dma_wait3A_110] : memref<32x36x96xi32, #tpu.memory_space<hbm>> -> memref<1x36x96xi32, #tpu.memory_space<hbm>>
      %dma_wait3A_112 = tpu.memref_squeeze %dma_wait3A_111 : memref<1x36x96xi32, #tpu.memory_space<hbm>> -> memref<36x96xi32, #tpu.memory_space<hbm>>
      tpu.wait_dma2 semaphore(%run_scoped3A : memref<!tpu.dma_semaphore, #tpu.memory_space<semaphore_mem>>) src(%dma_wait3A_112 : memref<36x96xi32, #tpu.memory_space<hbm>>) dst(%arg8 : memref<36x96xi32, #tpu.memory_space<vmem>>)
      tpu.yield
    }) : () -> ()
    %barrier3A = arith.constant 0 : index
    tpu.barrier barrier_id(%barrier3A)
    %scan3A = arith.constant 0 : i32
    %scan3A_46 = arith.constant 0 : i32
    %scan3A_47 = arith.constant 6 : i32
    %scan3A_48 = arith.addi %scan3A_46, %scan3A_47 : i32
    %scan3A_49 = arith.constant 1 : i32
    scf.for %scan3A_97 = %scan3A_46 to %scan3A_48 step %scan3A_49  : i32 {
      %mul3A_98 = arith.constant 6 : i32
      %mul3A_99 = arith.muli %scan3A_97, %mul3A_98 : i32
      %add3A_100 = arith.constant 0 : i32
      %add3A_101 = arith.addi %mul3A_99, %add3A_100 : i32
      %dma_wait3A_102 = arith.constant 0 : i32
      %dma_wait3A_103 = tpu.memref_slice %arg7[%add3A_101, %dma_wait3A_102] : memref<36x96xi32, #tpu.memory_space<vmem>> -> memref<1x96xi32, #tpu.memory_space<vmem>>
      %dma_wait3A_104 = tpu.memref_squeeze %dma_wait3A_103 : memref<1x96xi32, #tpu.memory_space<vmem>> -> memref<96xi32, #tpu.memory_space<vmem>>
      %dma_wait3A_105 = arith.constant 0 : i32
      %dma_wait3A_106 = arith.constant 0 : i32
      %dma_wait3A_107 = tpu.memref_slice %arg2[%dma_wait3A_105, %dma_wait3A_106] : memref<2500x128xf32, #tpu.memory_space<hbm>> -> memref<2500x128xf32, #tpu.memory_space<hbm>>
      tpu.wait_indirect_dma semaphore(%arg15 : memref<!tpu.dma_semaphore, #tpu.memory_space<semaphore_mem>>) src(%dma_wait3A_107 : memref<2500x128xf32, #tpu.memory_space<hbm>>) dst(%arg9 : memref<96x128xf32, #tpu.memory_space<vmem>>)
      %dma_start3A_108 = arith.constant 0 : i32
      %dma_start3A_109 = tpu.memref_slice %arg8[%add3A_101, %dma_start3A_108] : memref<36x96xi32, #tpu.memory_space<vmem>> -> memref<1x96xi32, #tpu.memory_space<vmem>>
      %dma_start3A_110 = tpu.memref_squeeze %dma_start3A_109 : memref<1x96xi32, #tpu.memory_space<vmem>> -> memref<96xi32, #tpu.memory_space<vmem>>
      %dma_start3A_111 = arith.constant 0 : i32
      %dma_start3A_112 = arith.constant 0 : i32
      %dma_start3A_113 = tpu.memref_slice %arg27[%dma_start3A_111, %dma_start3A_112] : memref<2560x128xf32, #tpu.memory_space<vmem_shared>> -> memref<2560x128xf32, #tpu.memory_space<vmem_shared>>
      tpu.enqueue_indirect_dma source(%arg9 : memref<96x128xf32, #tpu.memory_space<vmem>>) target(%dma_start3A_113 : memref<2560x128xf32, #tpu.memory_space<vmem_shared>>) offsets(%dma_start3A_110 : memref<96xi32, #tpu.memory_space<vmem>>) semaphore(%arg21 : memref<!tpu.dma_semaphore, #tpu.memory_space<semaphore_mem>>) {add = true}
      %add3A_114 = arith.constant 1 : i32
      %add3A_115 = arith.addi %mul3A_99, %add3A_114 : i32
      %dma_wait3A_116 = arith.constant 0 : i32
      %dma_wait3A_117 = tpu.memref_slice %arg7[%add3A_115, %dma_wait3A_116] : memref<36x96xi32, #tpu.memory_space<vmem>> -> memref<1x96xi32, #tpu.memory_space<vmem>>
      %dma_wait3A_118 = tpu.memref_squeeze %dma_wait3A_117 : memref<1x96xi32, #tpu.memory_space<vmem>> -> memref<96xi32, #tpu.memory_space<vmem>>
      %dma_wait3A_119 = arith.constant 0 : i32
      %dma_wait3A_120 = arith.constant 0 : i32
      %dma_wait3A_121 = tpu.memref_slice %arg2[%dma_wait3A_119, %dma_wait3A_120] : memref<2500x128xf32, #tpu.memory_space<hbm>> -> memref<2500x128xf32, #tpu.memory_space<hbm>>
      tpu.wait_indirect_dma semaphore(%arg16 : memref<!tpu.dma_semaphore, #tpu.memory_space<semaphore_mem>>) src(%dma_wait3A_121 : memref<2500x128xf32, #tpu.memory_space<hbm>>) dst(%arg10 : memref<96x128xf32, #tpu.memory_space<vmem>>)
      %dma_start3A_122 = arith.constant 0 : i32
      %dma_start3A_123 = tpu.memref_slice %arg8[%add3A_115, %dma_start3A_122] : memref<36x96xi32, #tpu.memory_space<vmem>> -> memref<1x96xi32, #tpu.memory_space<vmem>>
      %dma_start3A_124 = tpu.memref_squeeze %dma_start3A_123 : memref<1x96xi32, #tpu.memory_space<vmem>> -> memref<96xi32, #tpu.memory_space<vmem>>
      %dma_start3A_125 = arith.constant 0 : i32
      %dma_start3A_126 = arith.constant 0 : i32
      %dma_start3A_127 = tpu.memref_slice %arg27[%dma_start3A_125, %dma_start3A_126] : memref<2560x128xf32, #tpu.memory_space<vmem_shared>> -> memref<2560x128xf32, #tpu.memory_space<vmem_shared>>
      tpu.enqueue_indirect_dma source(%arg10 : memref<96x128xf32, #tpu.memory_space<vmem>>) target(%dma_start3A_127 : memref<2560x128xf32, #tpu.memory_space<vmem_shared>>) offsets(%dma_start3A_124 : memref<96xi32, #tpu.memory_space<vmem>>) semaphore(%arg22 : memref<!tpu.dma_semaphore, #tpu.memory_space<semaphore_mem>>) {add = true}
      %add3A_128 = arith.constant 2 : i32
      %add3A_129 = arith.addi %mul3A_99, %add3A_128 : i32
      %dma_wait3A_130 = arith.constant 0 : i32
      %dma_wait3A_131 = tpu.memref_slice %arg7[%add3A_129, %dma_wait3A_130] : memref<36x96xi32, #tpu.memory_space<vmem>> -> memref<1x96xi32, #tpu.memory_space<vmem>>
      %dma_wait3A_132 = tpu.memref_squeeze %dma_wait3A_131 : memref<1x96xi32, #tpu.memory_space<vmem>> -> memref<96xi32, #tpu.memory_space<vmem>>
      %dma_wait3A_133 = arith.constant 0 : i32
      %dma_wait3A_134 = arith.constant 0 : i32
      %dma_wait3A_135 = tpu.memref_slice %arg2[%dma_wait3A_133, %dma_wait3A_134] : memref<2500x128xf32, #tpu.memory_space<hbm>> -> memref<2500x128xf32, #tpu.memory_space<hbm>>
      tpu.wait_indirect_dma semaphore(%arg17 : memref<!tpu.dma_semaphore, #tpu.memory_space<semaphore_mem>>) src(%dma_wait3A_135 : memref<2500x128xf32, #tpu.memory_space<hbm>>) dst(%arg11 : memref<96x128xf32, #tpu.memory_space<vmem>>)
      %dma_start3A_136 = arith.constant 0 : i32
      %dma_start3A_137 = tpu.memref_slice %arg8[%add3A_129, %dma_start3A_136] : memref<36x96xi32, #tpu.memory_space<vmem>> -> memref<1x96xi32, #tpu.memory_space<vmem>>
      %dma_start3A_138 = tpu.memref_squeeze %dma_start3A_137 : memref<1x96xi32, #tpu.memory_space<vmem>> -> memref<96xi32, #tpu.memory_space<vmem>>
      %dma_start3A_139 = arith.constant 0 : i32
      %dma_start3A_140 = arith.constant 0 : i32
      %dma_start3A_141 = tpu.memref_slice %arg27[%dma_start3A_139, %dma_start3A_140] : memref<2560x128xf32, #tpu.memory_space<vmem_shared>> -> memref<2560x128xf32, #tpu.memory_space<vmem_shared>>
      tpu.enqueue_indirect_dma source(%arg11 : memref<96x128xf32, #tpu.memory_space<vmem>>) target(%dma_start3A_141 : memref<2560x128xf32, #tpu.memory_space<vmem_shared>>) offsets(%dma_start3A_138 : memref<96xi32, #tpu.memory_space<vmem>>) semaphore(%arg23 : memref<!tpu.dma_semaphore, #tpu.memory_space<semaphore_mem>>) {add = true}
      %add3A_142 = arith.constant 3 : i32
      %add3A_143 = arith.addi %mul3A_99, %add3A_142 : i32
      %dma_wait3A_144 = arith.constant 0 : i32
      %dma_wait3A_145 = tpu.memref_slice %arg7[%add3A_143, %dma_wait3A_144] : memref<36x96xi32, #tpu.memory_space<vmem>> -> memref<1x96xi32, #tpu.memory_space<vmem>>
      %dma_wait3A_146 = tpu.memref_squeeze %dma_wait3A_145 : memref<1x96xi32, #tpu.memory_space<vmem>> -> memref<96xi32, #tpu.memory_space<vmem>>
      %dma_wait3A_147 = arith.constant 0 : i32
      %dma_wait3A_148 = arith.constant 0 : i32
      %dma_wait3A_149 = tpu.memref_slice %arg2[%dma_wait3A_147, %dma_wait3A_148] : memref<2500x128xf32, #tpu.memory_space<hbm>> -> memref<2500x128xf32, #tpu.memory_space<hbm>>
      tpu.wait_indirect_dma semaphore(%arg18 : memref<!tpu.dma_semaphore, #tpu.memory_space<semaphore_mem>>) src(%dma_wait3A_149 : memref<2500x128xf32, #tpu.memory_space<hbm>>) dst(%arg12 : memref<96x128xf32, #tpu.memory_space<vmem>>)
      %dma_start3A_150 = arith.constant 0 : i32
      %dma_start3A_151 = tpu.memref_slice %arg8[%add3A_143, %dma_start3A_150] : memref<36x96xi32, #tpu.memory_space<vmem>> -> memref<1x96xi32, #tpu.memory_space<vmem>>
      %dma_start3A_152 = tpu.memref_squeeze %dma_start3A_151 : memref<1x96xi32, #tpu.memory_space<vmem>> -> memref<96xi32, #tpu.memory_space<vmem>>
      %dma_start3A_153 = arith.constant 0 : i32
      %dma_start3A_154 = arith.constant 0 : i32
      %dma_start3A_155 = tpu.memref_slice %arg27[%dma_start3A_153, %dma_start3A_154] : memref<2560x128xf32, #tpu.memory_space<vmem_shared>> -> memref<2560x128xf32, #tpu.memory_space<vmem_shared>>
      tpu.enqueue_indirect_dma source(%arg12 : memref<96x128xf32, #tpu.memory_space<vmem>>) target(%dma_start3A_155 : memref<2560x128xf32, #tpu.memory_space<vmem_shared>>) offsets(%dma_start3A_152 : memref<96xi32, #tpu.memory_space<vmem>>) semaphore(%arg24 : memref<!tpu.dma_semaphore, #tpu.memory_space<semaphore_mem>>) {add = true}
      %add3A_156 = arith.constant 4 : i32
      %add3A_157 = arith.addi %mul3A_99, %add3A_156 : i32
      %dma_wait3A_158 = arith.constant 0 : i32
      %dma_wait3A_159 = tpu.memref_slice %arg7[%add3A_157, %dma_wait3A_158] : memref<36x96xi32, #tpu.memory_space<vmem>> -> memref<1x96xi32, #tpu.memory_space<vmem>>
      %dma_wait3A_160 = tpu.memref_squeeze %dma_wait3A_159 : memref<1x96xi32, #tpu.memory_space<vmem>> -> memref<96xi32, #tpu.memory_space<vmem>>
      %dma_wait3A_161 = arith.constant 0 : i32
      %dma_wait3A_162 = arith.constant 0 : i32
      %dma_wait3A_163 = tpu.memref_slice %arg2[%dma_wait3A_161, %dma_wait3A_162] : memref<2500x128xf32, #tpu.memory_space<hbm>> -> memref<2500x128xf32, #tpu.memory_space<hbm>>
      tpu.wait_indirect_dma semaphore(%arg19 : memref<!tpu.dma_semaphore, #tpu.memory_space<semaphore_mem>>) src(%dma_wait3A_163 : memref<2500x128xf32, #tpu.memory_space<hbm>>) dst(%arg13 : memref<96x128xf32, #tpu.memory_space<vmem>>)
      %dma_start3A_164 = arith.constant 0 : i32
      %dma_start3A_165 = tpu.memref_slice %arg8[%add3A_157, %dma_start3A_164] : memref<36x96xi32, #tpu.memory_space<vmem>> -> memref<1x96xi32, #tpu.memory_space<vmem>>
      %dma_start3A_166 = tpu.memref_squeeze %dma_start3A_165 : memref<1x96xi32, #tpu.memory_space<vmem>> -> memref<96xi32, #tpu.memory_space<vmem>>
      %dma_start3A_167 = arith.constant 0 : i32
      %dma_start3A_168 = arith.constant 0 : i32
      %dma_start3A_169 = tpu.memref_slice %arg27[%dma_start3A_167, %dma_start3A_168] : memref<2560x128xf32, #tpu.memory_space<vmem_shared>> -> memref<2560x128xf32, #tpu.memory_space<vmem_shared>>
      tpu.enqueue_indirect_dma source(%arg13 : memref<96x128xf32, #tpu.memory_space<vmem>>) target(%dma_start3A_169 : memref<2560x128xf32, #tpu.memory_space<vmem_shared>>) offsets(%dma_start3A_166 : memref<96xi32, #tpu.memory_space<vmem>>) semaphore(%arg25 : memref<!tpu.dma_semaphore, #tpu.memory_space<semaphore_mem>>) {add = true}
      %add3A_170 = arith.constant 5 : i32
      %add3A_171 = arith.addi %mul3A_99, %add3A_170 : i32
      %dma_wait3A_172 = arith.constant 0 : i32
      %dma_wait3A_173 = tpu.memref_slice %arg7[%add3A_171, %dma_wait3A_172] : memref<36x96xi32, #tpu.memory_space<vmem>> -> memref<1x96xi32, #tpu.memory_space<vmem>>
      %dma_wait3A_174 = tpu.memref_squeeze %dma_wait3A_173 : memref<1x96xi32, #tpu.memory_space<vmem>> -> memref<96xi32, #tpu.memory_space<vmem>>
      %dma_wait3A_175 = arith.constant 0 : i32
      %dma_wait3A_176 = arith.constant 0 : i32
      %dma_wait3A_177 = tpu.memref_slice %arg2[%dma_wait3A_175, %dma_wait3A_176] : memref<2500x128xf32, #tpu.memory_space<hbm>> -> memref<2500x128xf32, #tpu.memory_space<hbm>>
      tpu.wait_indirect_dma semaphore(%arg20 : memref<!tpu.dma_semaphore, #tpu.memory_space<semaphore_mem>>) src(%dma_wait3A_177 : memref<2500x128xf32, #tpu.memory_space<hbm>>) dst(%arg14 : memref<96x128xf32, #tpu.memory_space<vmem>>)
      %dma_start3A_178 = arith.constant 0 : i32
      %dma_start3A_179 = tpu.memref_slice %arg8[%add3A_171, %dma_start3A_178] : memref<36x96xi32, #tpu.memory_space<vmem>> -> memref<1x96xi32, #tpu.memory_space<vmem>>
      %dma_start3A_180 = tpu.memref_squeeze %dma_start3A_179 : memref<1x96xi32, #tpu.memory_space<vmem>> -> memref<96xi32, #tpu.memory_space<vmem>>
      %dma_start3A_181 = arith.constant 0 : i32
      %dma_start3A_182 = arith.constant 0 : i32
      %dma_start3A_183 = tpu.memref_slice %arg27[%dma_start3A_181, %dma_start3A_182] : memref<2560x128xf32, #tpu.memory_space<vmem_shared>> -> memref<2560x128xf32, #tpu.memory_space<vmem_shared>>
      tpu.enqueue_indirect_dma source(%arg14 : memref<96x128xf32, #tpu.memory_space<vmem>>) target(%dma_start3A_183 : memref<2560x128xf32, #tpu.memory_space<vmem_shared>>) offsets(%dma_start3A_180 : memref<96xi32, #tpu.memory_space<vmem>>) semaphore(%arg26 : memref<!tpu.dma_semaphore, #tpu.memory_space<semaphore_mem>>) {add = true}
      %add3A_184 = arith.constant 0 : i32
      %add3A_185 = arith.addi %mul3A_99, %add3A_184 : i32
      %add3A_186 = arith.constant 6 : i32
      %add3A_187 = arith.addi %add3A_185, %add3A_186 : i32
      %min3A = arith.constant 35 : i32
      %min3A_188 = arith.minsi %add3A_187, %min3A : i32
      %dma_wait3A_189 = arith.constant 0 : i32
      %dma_wait3A_190 = tpu.memref_slice %arg8[%add3A_185, %dma_wait3A_189] : memref<36x96xi32, #tpu.memory_space<vmem>> -> memref<1x96xi32, #tpu.memory_space<vmem>>
      %dma_wait3A_191 = tpu.memref_squeeze %dma_wait3A_190 : memref<1x96xi32, #tpu.memory_space<vmem>> -> memref<96xi32, #tpu.memory_space<vmem>>
      %dma_wait3A_192 = arith.constant 0 : i32
      %dma_wait3A_193 = arith.constant 0 : i32
      %dma_wait3A_194 = tpu.memref_slice %arg27[%dma_wait3A_192, %dma_wait3A_193] : memref<2560x128xf32, #tpu.memory_space<vmem_shared>> -> memref<2560x128xf32, #tpu.memory_space<vmem_shared>>
      tpu.wait_indirect_dma semaphore(%arg21 : memref<!tpu.dma_semaphore, #tpu.memory_space<semaphore_mem>>) src(%arg9 : memref<96x128xf32, #tpu.memory_space<vmem>>) dst(%dma_wait3A_194 : memref<2560x128xf32, #tpu.memory_space<vmem_shared>>)
      %dma_start3A_195 = arith.constant 0 : i32
      %dma_start3A_196 = tpu.memref_slice %arg7[%min3A_188, %dma_start3A_195] : memref<36x96xi32, #tpu.memory_space<vmem>> -> memref<1x96xi32, #tpu.memory_space<vmem>>
      %dma_start3A_197 = tpu.memref_squeeze %dma_start3A_196 : memref<1x96xi32, #tpu.memory_space<vmem>> -> memref<96xi32, #tpu.memory_space<vmem>>
      %dma_start3A_198 = arith.constant 0 : i32
      %dma_start3A_199 = arith.constant 0 : i32
      %dma_start3A_200 = tpu.memref_slice %arg2[%dma_start3A_198, %dma_start3A_199] : memref<2500x128xf32, #tpu.memory_space<hbm>> -> memref<2500x128xf32, #tpu.memory_space<hbm>>
      tpu.enqueue_indirect_dma source(%dma_start3A_200 : memref<2500x128xf32, #tpu.memory_space<hbm>>) target(%arg9 : memref<96x128xf32, #tpu.memory_space<vmem>>) offsets(%dma_start3A_197 : memref<96xi32, #tpu.memory_space<vmem>>) semaphore(%arg15 : memref<!tpu.dma_semaphore, #tpu.memory_space<semaphore_mem>>)
      %add3A_201 = arith.constant 1 : i32
      %add3A_202 = arith.addi %mul3A_99, %add3A_201 : i32
      %add3A_203 = arith.constant 6 : i32
      %add3A_204 = arith.addi %add3A_202, %add3A_203 : i32
      %min3A_205 = arith.constant 35 : i32
      %min3A_206 = arith.minsi %add3A_204, %min3A_205 : i32
      %dma_wait3A_207 = arith.constant 0 : i32
      %dma_wait3A_208 = tpu.memref_slice %arg8[%add3A_202, %dma_wait3A_207] : memref<36x96xi32, #tpu.memory_space<vmem>> -> memref<1x96xi32, #tpu.memory_space<vmem>>
      %dma_wait3A_209 = tpu.memref_squeeze %dma_wait3A_208 : memref<1x96xi32, #tpu.memory_space<vmem>> -> memref<96xi32, #tpu.memory_space<vmem>>
      %dma_wait3A_210 = arith.constant 0 : i32
      %dma_wait3A_211 = arith.constant 0 : i32
      %dma_wait3A_212 = tpu.memref_slice %arg27[%dma_wait3A_210, %dma_wait3A_211] : memref<2560x128xf32, #tpu.memory_space<vmem_shared>> -> memref<2560x128xf32, #tpu.memory_space<vmem_shared>>
      tpu.wait_indirect_dma semaphore(%arg22 : memref<!tpu.dma_semaphore, #tpu.memory_space<semaphore_mem>>) src(%arg10 : memref<96x128xf32, #tpu.memory_space<vmem>>) dst(%dma_wait3A_212 : memref<2560x128xf32, #tpu.memory_space<vmem_shared>>)
      %dma_start3A_213 = arith.constant 0 : i32
      %dma_start3A_214 = tpu.memref_slice %arg7[%min3A_206, %dma_start3A_213] : memref<36x96xi32, #tpu.memory_space<vmem>> -> memref<1x96xi32, #tpu.memory_space<vmem>>
      %dma_start3A_215 = tpu.memref_squeeze %dma_start3A_214 : memref<1x96xi32, #tpu.memory_space<vmem>> -> memref<96xi32, #tpu.memory_space<vmem>>
      %dma_start3A_216 = arith.constant 0 : i32
      %dma_start3A_217 = arith.constant 0 : i32
      %dma_start3A_218 = tpu.memref_slice %arg2[%dma_start3A_216, %dma_start3A_217] : memref<2500x128xf32, #tpu.memory_space<hbm>> -> memref<2500x128xf32, #tpu.memory_space<hbm>>
      tpu.enqueue_indirect_dma source(%dma_start3A_218 : memref<2500x128xf32, #tpu.memory_space<hbm>>) target(%arg10 : memref<96x128xf32, #tpu.memory_space<vmem>>) offsets(%dma_start3A_215 : memref<96xi32, #tpu.memory_space<vmem>>) semaphore(%arg16 : memref<!tpu.dma_semaphore, #tpu.memory_space<semaphore_mem>>)
      %add3A_219 = arith.constant 2 : i32
      %add3A_220 = arith.addi %mul3A_99, %add3A_219 : i32
      %add3A_221 = arith.constant 6 : i32
      %add3A_222 = arith.addi %add3A_220, %add3A_221 : i32
      %min3A_223 = arith.constant 35 : i32
      %min3A_224 = arith.minsi %add3A_222, %min3A_223 : i32
      %dma_wait3A_225 = arith.constant 0 : i32
      %dma_wait3A_226 = tpu.memref_slice %arg8[%add3A_220, %dma_wait3A_225] : memref<36x96xi32, #tpu.memory_space<vmem>> -> memref<1x96xi32, #tpu.memory_space<vmem>>
      %dma_wait3A_227 = tpu.memref_squeeze %dma_wait3A_226 : memref<1x96xi32, #tpu.memory_space<vmem>> -> memref<96xi32, #tpu.memory_space<vmem>>
      %dma_wait3A_228 = arith.constant 0 : i32
      %dma_wait3A_229 = arith.constant 0 : i32
      %dma_wait3A_230 = tpu.memref_slice %arg27[%dma_wait3A_228, %dma_wait3A_229] : memref<2560x128xf32, #tpu.memory_space<vmem_shared>> -> memref<2560x128xf32, #tpu.memory_space<vmem_shared>>
      tpu.wait_indirect_dma semaphore(%arg23 : memref<!tpu.dma_semaphore, #tpu.memory_space<semaphore_mem>>) src(%arg11 : memref<96x128xf32, #tpu.memory_space<vmem>>) dst(%dma_wait3A_230 : memref<2560x128xf32, #tpu.memory_space<vmem_shared>>)
      %dma_start3A_231 = arith.constant 0 : i32
      %dma_start3A_232 = tpu.memref_slice %arg7[%min3A_224, %dma_start3A_231] : memref<36x96xi32, #tpu.memory_space<vmem>> -> memref<1x96xi32, #tpu.memory_space<vmem>>
      %dma_start3A_233 = tpu.memref_squeeze %dma_start3A_232 : memref<1x96xi32, #tpu.memory_space<vmem>> -> memref<96xi32, #tpu.memory_space<vmem>>
      %dma_start3A_234 = arith.constant 0 : i32
      %dma_start3A_235 = arith.constant 0 : i32
      %dma_start3A_236 = tpu.memref_slice %arg2[%dma_start3A_234, %dma_start3A_235] : memref<2500x128xf32, #tpu.memory_space<hbm>> -> memref<2500x128xf32, #tpu.memory_space<hbm>>
      tpu.enqueue_indirect_dma source(%dma_start3A_236 : memref<2500x128xf32, #tpu.memory_space<hbm>>) target(%arg11 : memref<96x128xf32, #tpu.memory_space<vmem>>) offsets(%dma_start3A_233 : memref<96xi32, #tpu.memory_space<vmem>>) semaphore(%arg17 : memref<!tpu.dma_semaphore, #tpu.memory_space<semaphore_mem>>)
      %add3A_237 = arith.constant 3 : i32
      %add3A_238 = arith.addi %mul3A_99, %add3A_237 : i32
      %add3A_239 = arith.constant 6 : i32
      %add3A_240 = arith.addi %add3A_238, %add3A_239 : i32
      %min3A_241 = arith.constant 35 : i32
      %min3A_242 = arith.minsi %add3A_240, %min3A_241 : i32
      %dma_wait3A_243 = arith.constant 0 : i32
      %dma_wait3A_244 = tpu.memref_slice %arg8[%add3A_238, %dma_wait3A_243] : memref<36x96xi32, #tpu.memory_space<vmem>> -> memref<1x96xi32, #tpu.memory_space<vmem>>
      %dma_wait3A_245 = tpu.memref_squeeze %dma_wait3A_244 : memref<1x96xi32, #tpu.memory_space<vmem>> -> memref<96xi32, #tpu.memory_space<vmem>>
      %dma_wait3A_246 = arith.constant 0 : i32
      %dma_wait3A_247 = arith.constant 0 : i32
      %dma_wait3A_248 = tpu.memref_slice %arg27[%dma_wait3A_246, %dma_wait3A_247] : memref<2560x128xf32, #tpu.memory_space<vmem_shared>> -> memref<2560x128xf32, #tpu.memory_space<vmem_shared>>
      tpu.wait_indirect_dma semaphore(%arg24 : memref<!tpu.dma_semaphore, #tpu.memory_space<semaphore_mem>>) src(%arg12 : memref<96x128xf32, #tpu.memory_space<vmem>>) dst(%dma_wait3A_248 : memref<2560x128xf32, #tpu.memory_space<vmem_shared>>)
      %dma_start3A_249 = arith.constant 0 : i32
      %dma_start3A_250 = tpu.memref_slice %arg7[%min3A_242, %dma_start3A_249] : memref<36x96xi32, #tpu.memory_space<vmem>> -> memref<1x96xi32, #tpu.memory_space<vmem>>
      %dma_start3A_251 = tpu.memref_squeeze %dma_start3A_250 : memref<1x96xi32, #tpu.memory_space<vmem>> -> memref<96xi32, #tpu.memory_space<vmem>>
      %dma_start3A_252 = arith.constant 0 : i32
      %dma_start3A_253 = arith.constant 0 : i32
      %dma_start3A_254 = tpu.memref_slice %arg2[%dma_start3A_252, %dma_start3A_253] : memref<2500x128xf32, #tpu.memory_space<hbm>> -> memref<2500x128xf32, #tpu.memory_space<hbm>>
      tpu.enqueue_indirect_dma source(%dma_start3A_254 : memref<2500x128xf32, #tpu.memory_space<hbm>>) target(%arg12 : memref<96x128xf32, #tpu.memory_space<vmem>>) offsets(%dma_start3A_251 : memref<96xi32, #tpu.memory_space<vmem>>) semaphore(%arg18 : memref<!tpu.dma_semaphore, #tpu.memory_space<semaphore_mem>>)
      %add3A_255 = arith.constant 4 : i32
      %add3A_256 = arith.addi %mul3A_99, %add3A_255 : i32
      %add3A_257 = arith.constant 6 : i32
      %add3A_258 = arith.addi %add3A_256, %add3A_257 : i32
      %min3A_259 = arith.constant 35 : i32
      %min3A_260 = arith.minsi %add3A_258, %min3A_259 : i32
      %dma_wait3A_261 = arith.constant 0 : i32
      %dma_wait3A_262 = tpu.memref_slice %arg8[%add3A_256, %dma_wait3A_261] : memref<36x96xi32, #tpu.memory_space<vmem>> -> memref<1x96xi32, #tpu.memory_space<vmem>>
      %dma_wait3A_263 = tpu.memref_squeeze %dma_wait3A_262 : memref<1x96xi32, #tpu.memory_space<vmem>> -> memref<96xi32, #tpu.memory_space<vmem>>
      %dma_wait3A_264 = arith.constant 0 : i32
      %dma_wait3A_265 = arith.constant 0 : i32
      %dma_wait3A_266 = tpu.memref_slice %arg27[%dma_wait3A_264, %dma_wait3A_265] : memref<2560x128xf32, #tpu.memory_space<vmem_shared>> -> memref<2560x128xf32, #tpu.memory_space<vmem_shared>>
      tpu.wait_indirect_dma semaphore(%arg25 : memref<!tpu.dma_semaphore, #tpu.memory_space<semaphore_mem>>) src(%arg13 : memref<96x128xf32, #tpu.memory_space<vmem>>) dst(%dma_wait3A_266 : memref<2560x128xf32, #tpu.memory_space<vmem_shared>>)
      %dma_start3A_267 = arith.constant 0 : i32
      %dma_start3A_268 = tpu.memref_slice %arg7[%min3A_260, %dma_start3A_267] : memref<36x96xi32, #tpu.memory_space<vmem>> -> memref<1x96xi32, #tpu.memory_space<vmem>>
      %dma_start3A_269 = tpu.memref_squeeze %dma_start3A_268 : memref<1x96xi32, #tpu.memory_space<vmem>> -> memref<96xi32, #tpu.memory_space<vmem>>
      %dma_start3A_270 = arith.constant 0 : i32
      %dma_start3A_271 = arith.constant 0 : i32
      %dma_start3A_272 = tpu.memref_slice %arg2[%dma_start3A_270, %dma_start3A_271] : memref<2500x128xf32, #tpu.memory_space<hbm>> -> memref<2500x128xf32, #tpu.memory_space<hbm>>
      tpu.enqueue_indirect_dma source(%dma_start3A_272 : memref<2500x128xf32, #tpu.memory_space<hbm>>) target(%arg13 : memref<96x128xf32, #tpu.memory_space<vmem>>) offsets(%dma_start3A_269 : memref<96xi32, #tpu.memory_space<vmem>>) semaphore(%arg19 : memref<!tpu.dma_semaphore, #tpu.memory_space<semaphore_mem>>)
      %add3A_273 = arith.constant 5 : i32
      %add3A_274 = arith.addi %mul3A_99, %add3A_273 : i32
      %add3A_275 = arith.constant 6 : i32
      %add3A_276 = arith.addi %add3A_274, %add3A_275 : i32
      %min3A_277 = arith.constant 35 : i32
      %min3A_278 = arith.minsi %add3A_276, %min3A_277 : i32
      %dma_wait3A_279 = arith.constant 0 : i32
      %dma_wait3A_280 = tpu.memref_slice %arg8[%add3A_274, %dma_wait3A_279] : memref<36x96xi32, #tpu.memory_space<vmem>> -> memref<1x96xi32, #tpu.memory_space<vmem>>
      %dma_wait3A_281 = tpu.memref_squeeze %dma_wait3A_280 : memref<1x96xi32, #tpu.memory_space<vmem>> -> memref<96xi32, #tpu.memory_space<vmem>>
      %dma_wait3A_282 = arith.constant 0 : i32
      %dma_wait3A_283 = arith.constant 0 : i32
      %dma_wait3A_284 = tpu.memref_slice %arg27[%dma_wait3A_282, %dma_wait3A_283] : memref<2560x128xf32, #tpu.memory_space<vmem_shared>> -> memref<2560x128xf32, #tpu.memory_space<vmem_shared>>
      tpu.wait_indirect_dma semaphore(%arg26 : memref<!tpu.dma_semaphore, #tpu.memory_space<semaphore_mem>>) src(%arg14 : memref<96x128xf32, #tpu.memory_space<vmem>>) dst(%dma_wait3A_284 : memref<2560x128xf32, #tpu.memory_space<vmem_shared>>)
      %dma_start3A_285 = arith.constant 0 : i32
      %dma_start3A_286 = tpu.memref_slice %arg7[%min3A_278, %dma_start3A_285] : memref<36x96xi32, #tpu.memory_space<vmem>> -> memref<1x96xi32, #tpu.memory_space<vmem>>
      %dma_start3A_287 = tpu.memref_squeeze %dma_start3A_286 : memref<1x96xi32, #tpu.memory_space<vmem>> -> memref<96xi32, #tpu.memory_space<vmem>>
      %dma_start3A_288 = arith.constant 0 : i32
      %dma_start3A_289 = arith.constant 0 : i32
      %dma_start3A_290 = tpu.memref_slice %arg2[%dma_start3A_288, %dma_start3A_289] : memref<2500x128xf32, #tpu.memory_space<hbm>> -> memref<2500x128xf32, #tpu.memory_space<hbm>>
      tpu.enqueue_indirect_dma source(%dma_start3A_290 : memref<2500x128xf32, #tpu.memory_space<hbm>>) target(%arg14 : memref<96x128xf32, #tpu.memory_space<vmem>>) offsets(%dma_start3A_287 : memref<96xi32, #tpu.memory_space<vmem>>) semaphore(%arg20 : memref<!tpu.dma_semaphore, #tpu.memory_space<semaphore_mem>>)
    }
    %scan3A_50 = arith.constant 6 : i32
    %dma_wait3A = arith.constant 35 : i32
    %dma_wait3A_51 = arith.constant 0 : i32
    %dma_wait3A_52 = tpu.memref_slice %arg7[%dma_wait3A, %dma_wait3A_51] : memref<36x96xi32, #tpu.memory_space<vmem>> -> memref<1x96xi32, #tpu.memory_space<vmem>>
    %dma_wait3A_53 = tpu.memref_squeeze %dma_wait3A_52 : memref<1x96xi32, #tpu.memory_space<vmem>> -> memref<96xi32, #tpu.memory_space<vmem>>
    %dma_wait3A_54 = arith.constant 0 : i32
    %dma_wait3A_55 = arith.constant 0 : i32
    %dma_wait3A_56 = tpu.memref_slice %arg2[%dma_wait3A_54, %dma_wait3A_55] : memref<2500x128xf32, #tpu.memory_space<hbm>> -> memref<2500x128xf32, #tpu.memory_space<hbm>>
    tpu.wait_indirect_dma semaphore(%arg15 : memref<!tpu.dma_semaphore, #tpu.memory_space<semaphore_mem>>) src(%dma_wait3A_56 : memref<2500x128xf32, #tpu.memory_space<hbm>>) dst(%arg9 : memref<96x128xf32, #tpu.memory_space<vmem>>)
    %dma_wait3A_57 = arith.constant 35 : i32
    %dma_wait3A_58 = arith.constant 0 : i32
    %dma_wait3A_59 = tpu.memref_slice %arg7[%dma_wait3A_57, %dma_wait3A_58] : memref<36x96xi32, #tpu.memory_space<vmem>> -> memref<1x96xi32, #tpu.memory_space<vmem>>
    %dma_wait3A_60 = tpu.memref_squeeze %dma_wait3A_59 : memref<1x96xi32, #tpu.memory_space<vmem>> -> memref<96xi32, #tpu.memory_space<vmem>>
    %dma_wait3A_61 = arith.constant 0 : i32
    %dma_wait3A_62 = arith.constant 0 : i32
    %dma_wait3A_63 = tpu.memref_slice %arg2[%dma_wait3A_61, %dma_wait3A_62] : memref<2500x128xf32, #tpu.memory_space<hbm>> -> memref<2500x128xf32, #tpu.memory_space<hbm>>
    tpu.wait_indirect_dma semaphore(%arg16 : memref<!tpu.dma_semaphore, #tpu.memory_space<semaphore_mem>>) src(%dma_wait3A_63 : memref<2500x128xf32, #tpu.memory_space<hbm>>) dst(%arg10 : memref<96x128xf32, #tpu.memory_space<vmem>>)
    %dma_wait3A_64 = arith.constant 35 : i32
    %dma_wait3A_65 = arith.constant 0 : i32
    %dma_wait3A_66 = tpu.memref_slice %arg7[%dma_wait3A_64, %dma_wait3A_65] : memref<36x96xi32, #tpu.memory_space<vmem>> -> memref<1x96xi32, #tpu.memory_space<vmem>>
    %dma_wait3A_67 = tpu.memref_squeeze %dma_wait3A_66 : memref<1x96xi32, #tpu.memory_space<vmem>> -> memref<96xi32, #tpu.memory_space<vmem>>
    %dma_wait3A_68 = arith.constant 0 : i32
    %dma_wait3A_69 = arith.constant 0 : i32
    %dma_wait3A_70 = tpu.memref_slice %arg2[%dma_wait3A_68, %dma_wait3A_69] : memref<2500x128xf32, #tpu.memory_space<hbm>> -> memref<2500x128xf32, #tpu.memory_space<hbm>>
    tpu.wait_indirect_dma semaphore(%arg17 : memref<!tpu.dma_semaphore, #tpu.memory_space<semaphore_mem>>) src(%dma_wait3A_70 : memref<2500x128xf32, #tpu.memory_space<hbm>>) dst(%arg11 : memref<96x128xf32, #tpu.memory_space<vmem>>)
    %dma_wait3A_71 = arith.constant 35 : i32
    %dma_wait3A_72 = arith.constant 0 : i32
    %dma_wait3A_73 = tpu.memref_slice %arg7[%dma_wait3A_71, %dma_wait3A_72] : memref<36x96xi32, #tpu.memory_space<vmem>> -> memref<1x96xi32, #tpu.memory_space<vmem>>
    %dma_wait3A_74 = tpu.memref_squeeze %dma_wait3A_73 : memref<1x96xi32, #tpu.memory_space<vmem>> -> memref<96xi32, #tpu.memory_space<vmem>>
    %dma_wait3A_75 = arith.constant 0 : i32
    %dma_wait3A_76 = arith.constant 0 : i32
    %dma_wait3A_77 = tpu.memref_slice %arg2[%dma_wait3A_75, %dma_wait3A_76] : memref<2500x128xf32, #tpu.memory_space<hbm>> -> memref<2500x128xf32, #tpu.memory_space<hbm>>
    tpu.wait_indirect_dma semaphore(%arg18 : memref<!tpu.dma_semaphore, #tpu.memory_space<semaphore_mem>>) src(%dma_wait3A_77 : memref<2500x128xf32, #tpu.memory_space<hbm>>) dst(%arg12 : memref<96x128xf32, #tpu.memory_space<vmem>>)
    %dma_wait3A_78 = arith.constant 35 : i32
    %dma_wait3A_79 = arith.constant 0 : i32
    %dma_wait3A_80 = tpu.memref_slice %arg7[%dma_wait3A_78, %dma_wait3A_79] : memref<36x96xi32, #tpu.memory_space<vmem>> -> memref<1x96xi32, #tpu.memory_space<vmem>>
    %dma_wait3A_81 = tpu.memref_squeeze %dma_wait3A_80 : memref<1x96xi32, #tpu.memory_space<vmem>> -> memref<96xi32, #tpu.memory_space<vmem>>
    %dma_wait3A_82 = arith.constant 0 : i32
    %dma_wait3A_83 = arith.constant 0 : i32
    %dma_wait3A_84 = tpu.memref_slice %arg2[%dma_wait3A_82, %dma_wait3A_83] : memref<2500x128xf32, #tpu.memory_space<hbm>> -> memref<2500x128xf32, #tpu.memory_space<hbm>>
    tpu.wait_indirect_dma semaphore(%arg19 : memref<!tpu.dma_semaphore, #tpu.memory_space<semaphore_mem>>) src(%dma_wait3A_84 : memref<2500x128xf32, #tpu.memory_space<hbm>>) dst(%arg13 : memref<96x128xf32, #tpu.memory_space<vmem>>)
    %dma_wait3A_85 = arith.constant 35 : i32
    %dma_wait3A_86 = arith.constant 0 : i32
    %dma_wait3A_87 = tpu.memref_slice %arg7[%dma_wait3A_85, %dma_wait3A_86] : memref<36x96xi32, #tpu.memory_space<vmem>> -> memref<1x96xi32, #tpu.memory_space<vmem>>
    %dma_wait3A_88 = tpu.memref_squeeze %dma_wait3A_87 : memref<1x96xi32, #tpu.memory_space<vmem>> -> memref<96xi32, #tpu.memory_space<vmem>>
    %dma_wait3A_89 = arith.constant 0 : i32
    %dma_wait3A_90 = arith.constant 0 : i32
    %dma_wait3A_91 = tpu.memref_slice %arg2[%dma_wait3A_89, %dma_wait3A_90] : memref<2500x128xf32, #tpu.memory_space<hbm>> -> memref<2500x128xf32, #tpu.memory_space<hbm>>
    tpu.wait_indirect_dma semaphore(%arg20 : memref<!tpu.dma_semaphore, #tpu.memory_space<semaphore_mem>>) src(%dma_wait3A_91 : memref<2500x128xf32, #tpu.memory_space<hbm>>) dst(%arg14 : memref<96x128xf32, #tpu.memory_space<vmem>>)
    %barrier3A_92 = arith.constant 0 : index
    tpu.barrier barrier_id(%barrier3A_92)
    %mul3A_93 = arith.constant 160 : i32
    %mul3A_94 = arith.muli %arg1, %mul3A_93 : i32
    %mul3A_95 = arith.constant 160 : i32
    %mul3A_96 = arith.muli %arg1, %mul3A_95 : i32
    "tpu.region"() ({
      %run_scoped3A = tpu.sem_alloc : memref<!tpu.dma_semaphore, #tpu.memory_space<semaphore_mem>>
      %dma_start3A_97 = arith.constant 0 : i32
      %dma_start3A_98 = tpu.memref_slice %arg6[%arg0, %mul3A_96, %dma_start3A_97] : memref<2x2560x128xf32, #tpu.memory_space<hbm>> -> memref<1x160x128xf32, #tpu.memory_space<hbm>>
      %dma_start3A_99 = tpu.memref_squeeze %dma_start3A_98 : memref<1x160x128xf32, #tpu.memory_space<hbm>> -> memref<160x128xf32, #tpu.memory_space<hbm>>
      %dma_start3A_100 = arith.constant 0 : i32
      %dma_start3A_101 = tpu.memref_slice %arg27[%mul3A_94, %dma_start3A_100] : memref<2560x128xf32, #tpu.memory_space<vmem_shared>> -> memref<160x128xf32, #tpu.memory_space<vmem_shared>>
      tpu.enqueue_dma source(%dma_start3A_101 : memref<160x128xf32, #tpu.memory_space<vmem_shared>>) target(%dma_start3A_99 : memref<160x128xf32, #tpu.memory_space<hbm>>) target_semaphore(%run_scoped3A : memref<!tpu.dma_semaphore, #tpu.memory_space<semaphore_mem>>)
      %dma_wait3A_102 = arith.constant 0 : i32
      %dma_wait3A_103 = tpu.memref_slice %arg6[%arg0, %mul3A_96, %dma_wait3A_102] : memref<2x2560x128xf32, #tpu.memory_space<hbm>> -> memref<1x160x128xf32, #tpu.memory_space<hbm>>
      %dma_wait3A_104 = tpu.memref_squeeze %dma_wait3A_103 : memref<1x160x128xf32, #tpu.memory_space<hbm>> -> memref<160x128xf32, #tpu.memory_space<hbm>>
      %dma_wait3A_105 = arith.constant 0 : i32
      %dma_wait3A_106 = tpu.memref_slice %arg27[%mul3A_94, %dma_wait3A_105] : memref<2560x128xf32, #tpu.memory_space<vmem_shared>> -> memref<160x128xf32, #tpu.memory_space<vmem_shared>>
      tpu.wait_dma2 semaphore(%run_scoped3A : memref<!tpu.dma_semaphore, #tpu.memory_space<semaphore_mem>>) src(%dma_wait3A_106 : memref<160x128xf32, #tpu.memory_space<vmem_shared>>) dst(%dma_wait3A_104 : memref<160x128xf32, #tpu.memory_space<hbm>>)
      tpu.yield
    }) : () -> ()
    return
  }
}

module attributes {stable_mosaic.version = 14 : i64} {
  func.func @_embed_body(%arg0: memref<10000x128xf32, #tpu.memory_space<vmem>>, %arg1: memref<128x128xf32, #tpu.memory_space<vmem>>, %arg2: memref<1x128xf32, #tpu.memory_space<vmem>>, %arg3: memref<10000x128xf32, #tpu.memory_space<vmem>>) attributes {dimension_semantics = [], scalar_prefetch = 0 : i64, scratch_operands = 0 : i64, tpu.core_type = #tpu.core_type<tc>} {
    %get3A = arith.constant 0 : index
    %get3A_0 = arith.constant 0 : index
    %get3A_1 = vector.load %arg0[%get3A, %get3A_0] : memref<10000x128xf32, #tpu.memory_space<vmem>>, vector<10000x128xf32>
    %get3A_2 = arith.constant 0 : index
    %get3A_3 = arith.constant 0 : index
    %get3A_4 = vector.load %arg1[%get3A_2, %get3A_3] : memref<128x128xf32, #tpu.memory_space<vmem>>, vector<128x128xf32>
    %dot_general3A = arith.constant dense<0.000000e+00> : vector<10000x128xf32>
    %dot_general3A_5 = tpu.matmul %get3A_1, %get3A_4, %dot_general3A {dimension_numbers = #tpu.dot_dimension_numbers<[1], [0], [0], [1], [0, 0, 1, 1], [], []>, transpose_lhs_hint = false} : vector<10000x128xf32>, vector<128x128xf32>, vector<10000x128xf32> -> vector<10000x128xf32>
    %get3A_6 = arith.constant 0 : index
    %get3A_7 = arith.constant 0 : index
    %get3A_8 = vector.load %arg2[%get3A_6, %get3A_7] : memref<1x128xf32, #tpu.memory_space<vmem>>, vector<1x128xf32>
    %add3A = vector.broadcast %get3A_8 : vector<1x128xf32> to vector<10000x128xf32>
    %add3A_9 = arith.addf %dot_general3A_5, %add3A : vector<10000x128xf32>
    %tanh3A = math.tanh %add3A_9 : vector<10000x128xf32>
    %swap3A = arith.constant 0 : index
    %swap3A_10 = arith.constant 0 : index
    %swap3A_11 = vector.load %arg3[%swap3A, %swap3A_10] : memref<10000x128xf32, #tpu.memory_space<vmem>>, vector<10000x128xf32>
    tpu.vector_store %arg3[%swap3A, %swap3A_10], %tanh3A {strides = array<i32>} : memref<10000x128xf32, #tpu.memory_space<vmem>>, vector<10000x128xf32>,
    return
  }
}

module attributes {stable_mosaic.version = 14 : i64} {
  func.func @_level_body(%arg0: memref<2x2560x128xf32, #tpu.memory_space<vmem>>, %arg1: memref<2500x128xf32, #tpu.memory_space<vmem>>, %arg2: memref<128x128xf32, #tpu.memory_space<vmem>>, %arg3: memref<1x128xf32, #tpu.memory_space<vmem>>, %arg4: memref<128x128xf32, #tpu.memory_space<vmem>>, %arg5: memref<1x128xf32, #tpu.memory_space<vmem>>, %arg6: memref<128x128xf32, #tpu.memory_space<vmem>>, %arg7: memref<1x128xf32, #tpu.memory_space<vmem>>, %arg8: memref<128x128xf32, #tpu.memory_space<vmem>>, %arg9: memref<1x128xf32, #tpu.memory_space<vmem>>, %arg10: memref<128x128xf32, #tpu.memory_space<vmem>>, %arg11: memref<1x128xf32, #tpu.memory_space<vmem>>, %arg12: memref<128x128xf32, #tpu.memory_space<vmem>>, %arg13: memref<1x128xf32, #tpu.memory_space<vmem>>, %arg14: memref<256x256xf32, #tpu.memory_space<vmem>>, %arg15: memref<1x256xf32, #tpu.memory_space<vmem>>, %arg16: memref<256x256xf32, #tpu.memory_space<vmem>>, %arg17: memref<1x256xf32, #tpu.memory_space<vmem>>, %arg18: memref<256x128xf32, #tpu.memory_space<vmem>>, %arg19: memref<1x128xf32, #tpu.memory_space<vmem>>, %arg20: memref<128x128xf32, #tpu.memory_space<vmem>>, %arg21: memref<1x128xf32, #tpu.memory_space<vmem>>, %arg22: memref<128x128xf32, #tpu.memory_space<vmem>>, %arg23: memref<1x128xf32, #tpu.memory_space<vmem>>, %arg24: memref<128x128xf32, #tpu.memory_space<vmem>>, %arg25: memref<1x128xf32, #tpu.memory_space<vmem>>, %arg26: memref<2500x128xf32, #tpu.memory_space<vmem>>) attributes {dimension_semantics = [], scalar_prefetch = 0 : i64, scratch_operands = 0 : i64, tpu.core_type = #tpu.core_type<tc>} {
    %get3A = arith.constant 0 : index
    %get3A_0 = arith.constant 0 : index
    %get3A_1 = vector.load %arg2[%get3A, %get3A_0] : memref<128x128xf32, #tpu.memory_space<vmem>>, vector<128x128xf32>
    %get3A_2 = arith.constant 0 : index
    %get3A_3 = arith.constant 0 : index
    %get3A_4 = vector.load %arg3[%get3A_2, %get3A_3] : memref<1x128xf32, #tpu.memory_space<vmem>>, vector<1x128xf32>
    %get3A_5 = arith.constant 0 : index
    %get3A_6 = arith.constant 0 : index
    %get3A_7 = vector.load %arg4[%get3A_5, %get3A_6] : memref<128x128xf32, #tpu.memory_space<vmem>>, vector<128x128xf32>
    %get3A_8 = arith.constant 0 : index
    %get3A_9 = arith.constant 0 : index
    %get3A_10 = vector.load %arg5[%get3A_8, %get3A_9] : memref<1x128xf32, #tpu.memory_space<vmem>>, vector<1x128xf32>
    %get3A_11 = arith.constant 0 : index
    %get3A_12 = arith.constant 0 : index
    %get3A_13 = vector.load %arg6[%get3A_11, %get3A_12] : memref<128x128xf32, #tpu.memory_space<vmem>>, vector<128x128xf32>
    %get3A_14 = arith.constant 0 : index
    %get3A_15 = arith.constant 0 : index
    %get3A_16 = vector.load %arg7[%get3A_14, %get3A_15] : memref<1x128xf32, #tpu.memory_space<vmem>>, vector<1x128xf32>
    %get3A_17 = arith.constant 0 : index
    %get3A_18 = arith.constant 0 : index
    %get3A_19 = vector.load %arg8[%get3A_17, %get3A_18] : memref<128x128xf32, #tpu.memory_space<vmem>>, vector<128x128xf32>
    %get3A_20 = arith.constant 0 : index
    %get3A_21 = arith.constant 0 : index
    %get3A_22 = vector.load %arg9[%get3A_20, %get3A_21] : memref<1x128xf32, #tpu.memory_space<vmem>>, vector<1x128xf32>
    %get3A_23 = arith.constant 0 : index
    %get3A_24 = arith.constant 0 : index
    %get3A_25 = vector.load %arg10[%get3A_23, %get3A_24] : memref<128x128xf32, #tpu.memory_space<vmem>>, vector<128x128xf32>
    %get3A_26 = arith.constant 0 : index
    %get3A_27 = arith.constant 0 : index
    %get3A_28 = vector.load %arg11[%get3A_26, %get3A_27] : memref<1x128xf32, #tpu.memory_space<vmem>>, vector<1x128xf32>
    %get3A_29 = arith.constant 0 : index
    %get3A_30 = arith.constant 0 : index
    %get3A_31 = vector.load %arg12[%get3A_29, %get3A_30] : memref<128x128xf32, #tpu.memory_space<vmem>>, vector<128x128xf32>
    %get3A_32 = arith.constant 0 : index
    %get3A_33 = arith.constant 0 : index
    %get3A_34 = vector.load %arg13[%get3A_32, %get3A_33] : memref<1x128xf32, #tpu.memory_space<vmem>>, vector<1x128xf32>
    %get3A_35 = arith.constant 0 : index
    %get3A_36 = arith.constant 0 : index
    %get3A_37 = vector.load %arg14[%get3A_35, %get3A_36] : memref<256x256xf32, #tpu.memory_space<vmem>>, vector<256x256xf32>
    %get3A_38 = arith.constant 0 : index
    %get3A_39 = arith.constant 0 : index
    %get3A_40 = vector.load %arg15[%get3A_38, %get3A_39] : memref<1x256xf32, #tpu.memory_space<vmem>>, vector<1x256xf32>
    %get3A_41 = arith.constant 0 : index
    %get3A_42 = arith.constant 0 : index
    %get3A_43 = vector.load %arg16[%get3A_41, %get3A_42] : memref<256x256xf32, #tpu.memory_space<vmem>>, vector<256x256xf32>
    %get3A_44 = arith.constant 0 : index
    %get3A_45 = arith.constant 0 : index
    %get3A_46 = vector.load %arg17[%get3A_44, %get3A_45] : memref<1x256xf32, #tpu.memory_space<vmem>>, vector<1x256xf32>
    %get3A_47 = arith.constant 0 : index
    %get3A_48 = arith.constant 0 : index
    %get3A_49 = vector.load %arg18[%get3A_47, %get3A_48] : memref<256x128xf32, #tpu.memory_space<vmem>>, vector<256x128xf32>
    %get3A_50 = arith.constant 0 : index
    %get3A_51 = arith.constant 0 : index
    %get3A_52 = vector.load %arg19[%get3A_50, %get3A_51] : memref<1x128xf32, #tpu.memory_space<vmem>>, vector<1x128xf32>
    %get3A_53 = arith.constant 0 : index
    %get3A_54 = arith.constant 0 : index
    %get3A_55 = vector.load %arg20[%get3A_53, %get3A_54] : memref<128x128xf32, #tpu.memory_space<vmem>>, vector<128x128xf32>
    %get3A_56 = arith.constant 0 : index
    %get3A_57 = arith.constant 0 : index
    %get3A_58 = vector.load %arg21[%get3A_56, %get3A_57] : memref<1x128xf32, #tpu.memory_space<vmem>>, vector<1x128xf32>
    %get3A_59 = arith.constant 0 : index
    %get3A_60 = arith.constant 0 : index
    %get3A_61 = vector.load %arg22[%get3A_59, %get3A_60] : memref<128x128xf32, #tpu.memory_space<vmem>>, vector<128x128xf32>
    %get3A_62 = arith.constant 0 : index
    %get3A_63 = arith.constant 0 : index
    %get3A_64 = vector.load %arg23[%get3A_62, %get3A_63] : memref<1x128xf32, #tpu.memory_space<vmem>>, vector<1x128xf32>
    %get3A_65 = arith.constant 0 : index
    %get3A_66 = arith.constant 0 : index
    %get3A_67 = vector.load %arg24[%get3A_65, %get3A_66] : memref<128x128xf32, #tpu.memory_space<vmem>>, vector<128x128xf32>
    %get3A_68 = arith.constant 0 : index
    %get3A_69 = arith.constant 0 : index
    %get3A_70 = vector.load %arg25[%get3A_68, %get3A_69] : memref<1x128xf32, #tpu.memory_space<vmem>>, vector<1x128xf32>
    %get3A_71 = arith.constant 0 : index
    %get3A_72 = arith.constant 0 : index
    %get3A_73 = arith.constant 0 : index
    %get3A_74 = vector.load %arg0[%get3A_71, %get3A_72, %get3A_73] : memref<2x2560x128xf32, #tpu.memory_space<vmem>>, vector<1x2500x128xf32>
    %get3A_75 = vector.shape_cast %get3A_74 : vector<1x2500x128xf32> to vector<2500x128xf32>
    %get3A_76 = arith.constant 1 : index
    %get3A_77 = arith.constant 0 : index
    %get3A_78 = arith.constant 0 : index
    %get3A_79 = vector.load %arg0[%get3A_76, %get3A_77, %get3A_78] : memref<2x2560x128xf32, #tpu.memory_space<vmem>>, vector<1x2500x128xf32>
    %get3A_80 = vector.shape_cast %get3A_79 : vector<1x2500x128xf32> to vector<2500x128xf32>
    %add3A = arith.addf %get3A_75, %get3A_80 : vector<2500x128xf32>
    %dot_general3A = arith.constant dense<0.000000e+00> : vector<2500x128xf32>
    %dot_general3A_81 = tpu.matmul %add3A, %get3A_1, %dot_general3A {dimension_numbers = #tpu.dot_dimension_numbers<[1], [0], [0], [1], [0, 0, 1, 1], [], []>, transpose_lhs_hint = false} : vector<2500x128xf32>, vector<128x128xf32>, vector<2500x128xf32> -> vector<2500x128xf32>
    %add3A_82 = vector.broadcast %get3A_4 : vector<1x128xf32> to vector<2500x128xf32>
    %add3A_83 = arith.addf %dot_general3A_81, %add3A_82 : vector<2500x128xf32>
    %tanh3A = math.tanh %add3A_83 : vector<2500x128xf32>
    %dot_general3A_84 = arith.constant dense<0.000000e+00> : vector<2500x128xf32>
    %dot_general3A_85 = tpu.matmul %tanh3A, %get3A_7, %dot_general3A_84 {dimension_numbers = #tpu.dot_dimension_numbers<[1], [0], [0], [1], [0, 0, 1, 1], [], []>, transpose_lhs_hint = false} : vector<2500x128xf32>, vector<128x128xf32>, vector<2500x128xf32> -> vector<2500x128xf32>
    %add3A_86 = vector.broadcast %get3A_10 : vector<1x128xf32> to vector<2500x128xf32>
    %add3A_87 = arith.addf %dot_general3A_85, %add3A_86 : vector<2500x128xf32>
    %tanh3A_88 = math.tanh %add3A_87 : vector<2500x128xf32>
    %add3A_89 = arith.addf %tanh3A_88, %add3A : vector<2500x128xf32>
    %dot_general3A_90 = arith.constant dense<0.000000e+00> : vector<2500x128xf32>
    %dot_general3A_91 = tpu.matmul %add3A_89, %get3A_13, %dot_general3A_90 {dimension_numbers = #tpu.dot_dimension_numbers<[1], [0], [0], [1], [0, 0, 1, 1], [], []>, transpose_lhs_hint = false} : vector<2500x128xf32>, vector<128x128xf32>, vector<2500x128xf32> -> vector<2500x128xf32>
    %add3A_92 = vector.broadcast %get3A_16 : vector<1x128xf32> to vector<2500x128xf32>
    %add3A_93 = arith.addf %dot_general3A_91, %add3A_92 : vector<2500x128xf32>
    %tanh3A_94 = math.tanh %add3A_93 : vector<2500x128xf32>
    %dot_general3A_95 = arith.constant dense<0.000000e+00> : vector<2500x128xf32>
    %dot_general3A_96 = tpu.matmul %tanh3A_94, %get3A_19, %dot_general3A_95 {dimension_numbers = #tpu.dot_dimension_numbers<[1], [0], [0], [1], [0, 0, 1, 1], [], []>, transpose_lhs_hint = false} : vector<2500x128xf32>, vector<128x128xf32>, vector<2500x128xf32> -> vector<2500x128xf32>
    %add3A_97 = vector.broadcast %get3A_22 : vector<1x128xf32> to vector<2500x128xf32>
    %add3A_98 = arith.addf %dot_general3A_96, %add3A_97 : vector<2500x128xf32>
    %tanh3A_99 = math.tanh %add3A_98 : vector<2500x128xf32>
    %dot_general3A_100 = arith.constant dense<0.000000e+00> : vector<2500x128xf32>
    %dot_general3A_101 = tpu.matmul %tanh3A_99, %get3A_25, %dot_general3A_100 {dimension_numbers = #tpu.dot_dimension_numbers<[1], [0], [0], [1], [0, 0, 1, 1], [], []>, transpose_lhs_hint = false} : vector<2500x128xf32>, vector<128x128xf32>, vector<2500x128xf32> -> vector<2500x128xf32>
    %add3A_102 = vector.broadcast %get3A_28 : vector<1x128xf32> to vector<2500x128xf32>
    %add3A_103 = arith.addf %dot_general3A_101, %add3A_102 : vector<2500x128xf32>
    %tanh3A_104 = math.tanh %add3A_103 : vector<2500x128xf32>
    %add3A_105 = arith.addf %tanh3A_104, %tanh3A_94 : vector<2500x128xf32>
    %dot_general3A_106 = arith.constant dense<0.000000e+00> : vector<2500x128xf32>
    %dot_general3A_107 = tpu.matmul %add3A_105, %get3A_31, %dot_general3A_106 {dimension_numbers = #tpu.dot_dimension_numbers<[1], [0], [0], [1], [0, 0, 1, 1], [], []>, transpose_lhs_hint = false} : vector<2500x128xf32>, vector<128x128xf32>, vector<2500x128xf32> -> vector<2500x128xf32>
    %add3A_108 = vector.broadcast %get3A_34 : vector<1x128xf32> to vector<2500x128xf32>
    %add3A_109 = arith.addf %dot_general3A_107, %add3A_108 : vector<2500x128xf32>
    %tanh3A_110 = math.tanh %add3A_109 : vector<2500x128xf32>
    %get3A_111 = arith.constant 0 : index
    %get3A_112 = arith.constant 0 : index
    %get3A_113 = vector.load %arg1[%get3A_111, %get3A_112] : memref<2500x128xf32, #tpu.memory_space<vmem>>, vector<2500x128xf32>
    %concatenate3A = tpu.concatenate %get3A_113, %tanh3A_110 in 1 : vector<2500x128xf32>, vector<2500x128xf32> -> vector<2500x256xf32>
    %dot_general3A_114 = arith.constant dense<0.000000e+00> : vector<2500x256xf32>
    %dot_general3A_115 = tpu.matmul %concatenate3A, %get3A_37, %dot_general3A_114 {dimension_numbers = #tpu.dot_dimension_numbers<[1], [0], [0], [1], [0, 0, 1, 1], [], []>, transpose_lhs_hint = false} : vector<2500x256xf32>, vector<256x256xf32>, vector<2500x256xf32> -> vector<2500x256xf32>
    %add3A_116 = vector.broadcast %get3A_40 : vector<1x256xf32> to vector<2500x256xf32>
    %add3A_117 = arith.addf %dot_general3A_115, %add3A_116 : vector<2500x256xf32>
    %tanh3A_118 = math.tanh %add3A_117 : vector<2500x256xf32>
    %dot_general3A_119 = arith.constant dense<0.000000e+00> : vector<2500x256xf32>
    %dot_general3A_120 = tpu.matmul %tanh3A_118, %get3A_43, %dot_general3A_119 {dimension_numbers = #tpu.dot_dimension_numbers<[1], [0], [0], [1], [0, 0, 1, 1], [], []>, transpose_lhs_hint = false} : vector<2500x256xf32>, vector<256x256xf32>, vector<2500x256xf32> -> vector<2500x256xf32>
    %add3A_121 = vector.broadcast %get3A_46 : vector<1x256xf32> to vector<2500x256xf32>
    %add3A_122 = arith.addf %dot_general3A_120, %add3A_121 : vector<2500x256xf32>
    %tanh3A_123 = math.tanh %add3A_122 : vector<2500x256xf32>
    %add3A_124 = arith.addf %tanh3A_123, %concatenate3A : vector<2500x256xf32>
    %dot_general3A_125 = arith.constant dense<0.000000e+00> : vector<2500x128xf32>
    %dot_general3A_126 = tpu.matmul %add3A_124, %get3A_49, %dot_general3A_125 {dimension_numbers = #tpu.dot_dimension_numbers<[1], [0], [0], [1], [0, 0, 1, 1], [], []>, transpose_lhs_hint = false} : vector<2500x256xf32>, vector<256x128xf32>, vector<2500x128xf32> -> vector<2500x128xf32>
    %add3A_127 = vector.broadcast %get3A_52 : vector<1x128xf32> to vector<2500x128xf32>
    %add3A_128 = arith.addf %dot_general3A_126, %add3A_127 : vector<2500x128xf32>
    %tanh3A_129 = math.tanh %add3A_128 : vector<2500x128xf32>
    %dot_general3A_130 = arith.constant dense<0.000000e+00> : vector<2500x128xf32>
    %dot_general3A_131 = tpu.matmul %tanh3A_129, %get3A_55, %dot_general3A_130 {dimension_numbers = #tpu.dot_dimension_numbers<[1], [0], [0], [1], [0, 0, 1, 1], [], []>, transpose_lhs_hint = false} : vector<2500x128xf32>, vector<128x128xf32>, vector<2500x128xf32> -> vector<2500x128xf32>
    %add3A_132 = vector.broadcast %get3A_58 : vector<1x128xf32> to vector<2500x128xf32>
    %add3A_133 = arith.addf %dot_general3A_131, %add3A_132 : vector<2500x128xf32>
    %tanh3A_134 = math.tanh %add3A_133 : vector<2500x128xf32>
    %dot_general3A_135 = arith.constant dense<0.000000e+00> : vector<2500x128xf32>
    %dot_general3A_136 = tpu.matmul %tanh3A_134, %get3A_61, %dot_general3A_135 {dimension_numbers = #tpu.dot_dimension_numbers<[1], [0], [0], [1], [0, 0, 1, 1], [], []>, transpose_lhs_hint = false} : vector<2500x128xf32>, vector<128x128xf32>, vector<2500x128xf32> -> vector<2500x128xf32>
    %add3A_137 = vector.broadcast %get3A_64 : vector<1x128xf32> to vector<2500x128xf32>
    %add3A_138 = arith.addf %dot_general3A_136, %add3A_137 : vector<2500x128xf32>
    %tanh3A_139 = math.tanh %add3A_138 : vector<2500x128xf32>
    %add3A_140 = arith.addf %tanh3A_139, %tanh3A_129 : vector<2500x128xf32>
    %dot_general3A_141 = arith.constant dense<0.000000e+00> : vector<2500x128xf32>
    %dot_general3A_142 = tpu.matmul %add3A_140, %get3A_67, %dot_general3A_141 {dimension_numbers = #tpu.dot_dimension_numbers<[1], [0], [0], [1], [0, 0, 1, 1], [], []>, transpose_lhs_hint = false} : vector<2500x128xf32>, vector<128x128xf32>, vector<2500x128xf32> -> vector<2500x128xf32>
    %add3A_143 = vector.broadcast %get3A_70 : vector<1x128xf32> to vector<2500x128xf32>
    %add3A_144 = arith.addf %dot_general3A_142, %add3A_143 : vector<2500x128xf32>
    %tanh3A_145 = math.tanh %add3A_144 : vector<2500x128xf32>
    %swap3A = arith.constant 0 : index
    %swap3A_146 = arith.constant 0 : index
    %swap3A_147 = vector.load %arg26[%swap3A, %swap3A_146] : memref<2500x128xf32, #tpu.memory_space<vmem>>, vector<2500x128xf32>
    tpu.vector_store %arg26[%swap3A, %swap3A_146], %tanh3A_145 {strides = array<i32>} : memref<2500x128xf32, #tpu.memory_space<vmem>>, vector<2500x128xf32>,
    return
  }
}

</mosaic_0001>

<sc_bundles>
// kernel: kernel.12.cloned.1.call-start
scs
__scs_entry_jumppad:
0x0: {  	(pc) =	sbr.rel $0x88, $3  }
0x1: {  	(tag) =	ssettag $0x0;
	lr =	simm.s32 $0x1  }
0x2: {  	[smem:$0x3F55] =	sst lr;
	_ =	strace $0xD0000000  }
0x3: {  	_ = 	snop  }
0x4: {  	_ = 	snop  }
0x5: {  	_ = 	snop  }
0x6: {  	_ = 	snop  }
0x7: {  	_ = 	snop  }
__scs_overlays_trampoline_lowered:
0x8: {  	[smem:$0x3F64] =	sst s0  }
0x9: {  	[smem:$0x3F65] =	sst s1  }
0xa: {  	[smem:$0x3F66] =	sst s2  }
0xb: {  	[smem:$0x3F67] =	sst s3  }
0xc: {  	[smem:$0x3F68] =	sst s4  }
0xd: {  	[smem:$0x3F69] =	sst s5  }
0xe: {  	[smem:$0x3F6A] =	sst s6  }
0xf: {  	[smem:$0x3F6B] =	sst s7  }
0x10: {  	[smem:$0x3F6C] =	sst s8  }
0x11: {  	[smem:$0x3F6D] =	sst s9;
	s0 =	simm.s32 @!p0 $0x0  }
0x12: {  	s1 =	sld [smem:$0x3F53];
	s0 =	simm.s32 @p0 $0x1  }
0x13: {  	[smem:$0x3F6E] =	sst s0;
	s0 =	simm.s32 @!p1 $0x0  }
0x14: {  	s2 =	sld [smem:$0x3F52];
	s0 =	simm.s32 @p1 $0x1  }
0x15: {  	[smem:$0x3F6F] =	sst s0;
	s0 =	simm.s32 @!p2 $0x0  }
0x16: {  	s3 =	sld [smem:$0x3FDB];
	s0 =	simm.s32 @p2 $0x1  }
0x17: {  	s4 =	simm.s32 $0x1BF5;
	[smem:$0x3F71] =	sst s0  }
0x18: {  	s0 =	sld [smem:$0x3F54];
	_ =	swait.ge [sflag:s4], $0x0  }
0x19: {  	s7 =	sld [smem:$0x3F55]  }
0x1a: {  	s8 =	sadd.s32 $0xFFFFE003, lr  }
0x1b: {  	s9 =	sadd.s32 $0xFFFFFEF7, lr;
	s5 =	simm.s32 $0xFFFFFFFF;
	p2 =	slt.u32 s8, $0xFFFFF086  }
0x1c: {  	p1 =	slt.u32 s9, $0xF7A;
	s5 =	simm.s32 @!p2 $0x0  }
0x1d: {  	s5 =	simm.s32 @p1 $0x1;
	p0 =	seq.s32 s7, s2  }
0x1e: {  	s7 =	smul.u32 @!p0 $0xF7A, s2;
	p2 =	seq.s32 @!p0 s5, $0x0  }
0x1f: {  	s9 =	smul.u32 $0xF7A, s1;
	s8 =	simm.s32 @!p0 $0x1BF5;
	p2 =	por !p2, p0  }
0x20: {  	[sflag:s8] =	ssyncset.s32 @!p0 $0xFFFFF086;
	s6 =	sadd.s32 @!p0 s3, s7;
	s7 =	simm.s32 @!p0 $0x108  }
0x21: {  	s3 =	sadd.s32 s3, s9;
	s6 =	sadd.s32 @!p0 $0x88, s6;
	s7 =	simm.s32 @p2 $0x1082  }
0x22: {  	[simem:s7], [sflag:s8] =	dma.local @!p0 [hbm:s6], $0xF7A  }
0x23: {  	s9 =	sor.u32 $0xD0000000, s2;
	s6 =	simm.s32 $0x108;
	_ =	swait.ge @!p0 [sflag:s8], $0x0  }
0x24: {  	s3 =	sadd.s32 $0x88, s3;
	s6 =	simm.s32 @!p1 $0x1082;
	[sflag:s4] =	ssyncset.s32 $0xFFFFF086  }
0x25: {  	[simem:s6], [sflag:s4] =	dma.local [hbm:s3], $0xF7A  }
0x26: {  	[smem:$0x3F55] =	sst s1;
	(tag) =	ssettag s2;
	_ =	strace s9  }
0x27: {  	s1 =	sld [smem:$0x3F65]  }
0x28: {  	s2 =	sld [smem:$0x3F66]  }
0x29: {  	s4 =	sld [smem:$0x3F68]  }
0x2a: {  	p0 =	seq.s32 s5, $0x0;
	s5 =	sld [smem:$0x3F69]  }
0x2b: {  	s6 =	sld [smem:$0x3F6A]  }
0x2c: {  	s7 =	sld [smem:$0x3F6B]  }
0x2d: {  	s3 =	simm.s32 $0x108;
	s8 =	sld [smem:$0x3F6C]  }
0x2e: {  	s3 =	simm.s32 @!p0 $0x1082;
	s9 =	sld [smem:$0x3F6D]  }
0x2f: {  	lr =	sadd.s32 s0, s3;
	s0 =	sld [smem:$0x3F64]  }
0x30: {  	s3 =	sld [smem:$0x3F67]  }
0x31: {  	[smem:$0x3F70] =	sst s10  }
0x32: {  	s10 =	sld [smem:$0x3F6E];
	_ =	sdelay $0x3  }
0x33: {  	p0 =	seq.s32 s10, $0x1;
	s10 =	sld [smem:$0x3F70];
	_ =	sdelay $0x3  }
0x34: {  	[smem:$0x3F70] =	sst s10  }
0x35: {  	s10 =	sld [smem:$0x3F6F];
	_ =	sdelay $0x3  }
0x36: {  	p1 =	seq.s32 s10, $0x1;
	s10 =	sld [smem:$0x3F70];
	_ =	sdelay $0x3  }
0x37: {  	[smem:$0x3F70] =	sst s10  }
0x38: {  	s10 =	sld [smem:$0x3F71]  }
0x39: {  	_ = 	snop;
	(pc) =	sbr.ind lr, $3  }
0x3a: {  	_ = 	snop  }
0x3b: {  	_ = 	snop  }
0x3c: {  	p2 =	seq.s32 s10, $0x1;
	s10 =	sld [smem:$0x3F70]  }
0x3d: {  	_ =	shalt  }
0x3e: {  	_ =	shalt  }
0x3f: {  	_ =	shalt  }
0x40: {  	_ =	shalt  }
0x41: {  	_ =	shalt  }
0x42: {  	_ =	shalt  }
0x43: {  	_ =	shalt  }
0x44: {  	_ =	shalt  }
0x45: {  	_ =	shalt  }
0x46: {  	_ =	shalt  }
0x47: {  	_ =	shalt  }
0x48: {  	_ =	shalt  }
0x49: {  	_ =	shalt  }
0x4a: {  	_ =	shalt  }
0x4b: {  	_ =	shalt  }
0x4c: {  	_ =	shalt  }
0x4d: {  	_ =	shalt  }
0x4e: {  	_ =	shalt  }
0x4f: {  	_ =	shalt  }
0x50: {  	_ =	shalt  }
0x51: {  	_ =	shalt  }
0x52: {  	_ =	shalt  }
0x53: {  	_ =	shalt  }
0x54: {  	_ =	shalt  }
0x55: {  	_ =	shalt  }
0x56: {  	_ =	shalt  }
0x57: {  	_ =	shalt  }
0x58: {  	_ =	shalt  }
0x59: {  	_ =	shalt  }
0x5a: {  	_ =	shalt  }
0x5b: {  	_ =	shalt  }
0x5c: {  	_ =	shalt  }
0x5d: {  	_ =	shalt  }
0x5e: {  	_ =	shalt  }
0x5f: {  	_ =	shalt  }
0x60: {  	_ =	shalt  }
0x61: {  	_ =	shalt  }
0x62: {  	_ =	shalt  }
0x63: {  	_ =	shalt  }
0x64: {  	_ =	shalt  }
0x65: {  	_ =	shalt  }
0x66: {  	_ =	shalt  }
0x67: {  	_ =	shalt  }
0x68: {  	_ =	shalt  }
0x69: {  	_ =	shalt  }
0x6a: {  	_ =	shalt  }
0x6b: {  	_ =	shalt  }
0x6c: {  	_ =	shalt  }
0x6d: {  	_ =	shalt  }
0x6e: {  	_ =	shalt  }
0x6f: {  	_ =	shalt  }
0x70: {  	_ =	shalt  }
0x71: {  	_ =	shalt  }
0x72: {  	_ =	shalt  }
0x73: {  	_ =	shalt  }
0x74: {  	_ =	shalt  }
0x75: {  	_ =	shalt  }
0x76: {  	_ =	shalt  }
0x77: {  	_ =	shalt  }
0x78: {  	_ =	shalt  }
0x79: {  	_ =	shalt  }
0x7a: {  	_ =	shalt  }
0x7b: {  	_ =	shalt  }
0x7c: {  	_ =	shalt  }
0x7d: {  	_ =	shalt  }
0x7e: {  	_ =	shalt  }
0x7f: {  	_ =	shalt  }
0x80: {  	_ =	shalt  }
0x81: {  	_ =	shalt  }
0x82: {  	_ =	shalt  }
0x83: {  	_ =	shalt  }
0x84: {  	_ =	shalt  }
0x85: {  	_ =	shalt  }
0x86: {  	_ =	shalt  }
0x87: {  	_ =	shalt  }
.Lfunc_end0:
.L_simem_size_0:
called_computation.1_lowered:
.L_overlay_start_0:
0x88: {  	s2 =	sld [smem:$0x3FD9]  }
0x89: {  	s3 =	sld [smem:$0x3FFE];
	_ =	sdelay $0x1  }
0x8a: {  	s1 =	srdreg.scid  }
0x8b: {  	s0 =	sand.u32 $0x1, s1  }
0x8c: {  	s17 =	sshll.u32 s0, $0xA;
	s2 =	sadd.s32 s3, s2  }
0x8d: {  	s2 =	sadd.s32 s2, s17  }
0x8e: {  	[smem:$0x3F7C] =	sst s2  }
0x8f: {  	_ = 	snop  }
0x90: {  	s2 =	sld [smem:$0x3FD0];
	(tm) =	ssettm $0x1  }
0x91: {  	s18 =	sld [smem:$0x3FFB];
	_ =	sdelay $0x3  }
0x92: {  	_ =	strace s18  }
0x93: {  	s3 =	sld [smem:$0x3FFC];
	_ =	sdelay $0x3  }
0x94: {  	_ =	strace s3  }
0x95: {  	s3 =	sld [smem:$0x3FFD];
	_ =	sdelay $0x3  }
0x96: {  	_ =	strace s3  }
0x97: {  	_ =	strace $0x8FFFFFFF  }
0x98: {  	s19 =	sld [smem:$0x3FDB];
	_ =	sdelay $0x1  }
0x99: {  	s4 =	simm.s32 $_scs_section_size  }
0x9a: {  	s5 =	simm.s32 $_size__tile_overlayer_lowered;
	s6 =	simm.s32 $_tile_overlayer_lowered  }
0x9b: {  	s22 =	simm.s32 $0x1BFF;
	s21 =	sshll.u32 s6, $0x1;
	s3 =	sadd.s32 s4, s19  }
0x9c: {  	s7 =	simm.s32 $0x0;
	s20 =	sshll.u32 s5, $0x1;
	s5 =	sadd.s32 s21, s3  }
0x9d: {  	[timem:s7], [sflag:s22] =	dma.local [hbm:s5], s20  }
0x9e: {  	_ =	swait.ge [sflag:s22], s20  }
0x9f: {  	s4 =	ssub.s32 $0x0, s20;
	[sflag:s22] =	ssyncset.done $0x0  }
0xa0: {  	[sflag:s22] =	ssyncadd.s32 s4;
	_ =	sdelay $0x1  }
0xa1: {  	s23 =	simm.s32 $0x1B8B  }
0xa2: {  	_ =	swait.ge [sflag:s23], $0x1  }
0xa3: {  	[sflag:s23] =	ssyncset.done $0x0  }
0xa4: {  	s25 =	simm.s32 $0x1B8E;
	s24 =	sld [smem:$0x3FFE];
	[sflag:s23] =	ssyncadd.s32 $0xFFFFFFFF  }
0xa5: {  	s26 =	simm.s32 $execute0_lowered;
	[smem:$0x3FD2] =	sst s25  }
0xa6: {  	s5 =	sshll.u32 s26, $0x1;
	_ =	strace $0x80000049;
	[dreg:$0x1] =	wrdreg $0xFFFFFFFF  }
0xa7: {  	s28 =	simm.s32 $_size_execute0_lowered;
	s3 =	sadd.s32 s3, s5;
	[dreg:$0x0] =	wrdreg $0x0  }
0xa8: {  	s5 =	sshll.u32 s28, $0x1;
	[dreg:$0x2] =	wrdreg s3  }
0xa9: {  	[dreg:$0x3] =	wrdreg s5  }
0xaa: {  	[dreg:$0x4] =	wrdreg $0xC0  }
0xab: {  	_ =	task [dreg:s7], $0x5FFFF  }
0xac: {  	[dreg:$0x1] =	wrdreg $0xFFFFFFFF  }
0xad: {  	[dreg:$0x0] =	wrdreg $0x60  }
0xae: {  	[dreg:$0x2] =	wrdreg s24  }
0xaf: {  	[dreg:$0x3] =	wrdreg s2  }
0xb0: {  	[dreg:$0x4] =	wrdreg $0x148000  }
0xb1: {  	[dreg:$0x5] =	wrdreg $0x9  }
0xb2: {  	_ =	task.clear_ibuf [dreg:s7], $0x6FFFF;
	_ =	strace $0x90000049  }
0xb3: {  	s29 =	simm.s32 $0x9;
	_ =	strace $0x8000004B  }
0xb4: {  	_ =	swait.ge [sflag:s29], $0x1  }
0xb5: {  	[sflag:s29] =	ssyncadd.s32 $0xFFFFFFFF  }
0xb6: {  	_ =	strace $0x9000004B  }
0xb7: {  	_ =	sfence  }
0xb8: {  	s30 =	sld [smem:$0x0];
	_ =	sdelay $0x2  }
0xb9: {  	s31 =	sshll.u32 s1, $0xD;
	s1 =	sshrl.u32 s1, $0x2  }
0xba: {  	s3 =	sand.u32 $0x4000, s31;
	s1 =	sadd.s32 s1, s30  }
0xbb: {  	s0 =	sor.u32 s3, s0;
	s1 =	sshll.u32 s1, $0x11  }
0xbc: {  	s0 =	sor.u32 s1, s0  }
0xbd: {  	s0 =	sadd.s32 $0x8F2B, s0  }
0xbe: {  	[sflag:s0] =	ssyncadd.remote.s32 $0x1  }
0xbf: {  	_ =	sfence.sel $0xFFFF  }
0xc0: {  	[dreg:$0x0] =	wrdreg $0xFFFFFFFF;
	(pc) =	sbr.abs _section_cstart, $3  }
0xc1: {  	[dreg:$0x1] =	wrdreg $0xFFFFFFFF  }
0xc2: {  	_ =	task.clear_ibuf [dreg:s7], $0x2FFFF;
	_ =	strace $0x9FFFFFFF  }
0xc3: {  	(tm) =	ssettm $0x7FFFFFFF  }
tec
execute0_lowered:
.L_overlay_start_1:
0x0: {  	(tag) =	ssettag $0x1  }
0x1: {  	s0 =	rddreg [dreg:$0x0]  }
0x2: {  	s1 =	srdreg.scid;
	s5 =	rddreg [dreg:$0x1]  }
0x3: {  	s2 =	rddreg [dreg:$0x2];
	s13 =	stileid.u32;
	s3 =	simm.s32 $0x0  }
0x4: {  	s12 =	simm.s32 $0x2800;
	s14 =	simm.s32 $0x5800;
	s16 =	simm.s32 $0x8800  }
0x5: {  	s22 =	simm.s32 $0x11800;
	s28 =	simm.s32 $0x2;
	s29 =	simm.s32 $0x3  }
0x6: {  	s30 =	simm.s32 $0x4;
	s31 =	simm.s32 $0x5;
	s15 =	simm.s32 $0x9  }
0x7: {  	s17 =	simm.s32 $0xA;
	s1 =	sand.u32 $0x1, s1;
	s7 =	smul.u32 $0x5000, s13  }
0x8: {  	[smem:$0x7FF] =	sst s3;
	s9 =	smul.u32 $0x14000, s13;
	s26 =	sshll.u32 s13, $0x6  }
0x9: {  	s4 =	sshll.u32 s1, $0x4;
	_ =	strace $0x8000004A;
	s8 =	ssub.s32 $0x2, s1  }
0xa: {  	s1 =	smul.u32 $0x50000, s1;
	s23 =	sor.u32 $0x1C0D, s26;
	s26 =	simm.s32 $0x1  }
0xb: {  	s4 =	sor.u32 s13, s4;
	s10 =	sshrl.u32 s7, $0x3;
	s11 =	sshrl.u32 s8, $0x1  }
0xc: {  	s20 =	sshrl.u32 s9, $0x2;
	s13 =	simm.s32 $0x8;
	s6 =	smul.u32 $0x280, s4  }
0xd: {  	s4 =	sadd.s32 $0x9E00, s0;
	s18 =	ssub.s32 s8, s11;
	s1 =	sadd.s32 s7, s1  }
0xe: {  	s21 =	sadd.s32 s20, s2;
	s11 =	simm.s32 $0x60;
	s20 =	simm.s32 $0xE800  }
0xf: {  	s24 =	sshrl.u32 s1, $0x3;
	s9 =	smax.u32 s18, $0x1;
	s6 =	sadd.s32 s6, s0  }
0x10: {  	s18 =	simm.s32 $0xB800;
	s0 =	sadd.s32 s10, s0;
	s19 =	sadd.s32 $0x31E00, s6  }
0x11: {  	s1 =	simm.s32 $0x7;
	s0 =	sadd.s32 $0x13E00, s0;
	[dreg:$0x4] =	wrdreg s19  }
0x12: {  	s10 =	simm.s32 $0xD;
	s25 =	sadd.s32 $0x36E00, s6;
	[dreg:$0x5] =	wrdreg s0  }
0x13: {  	[dreg:$0x6] =	wrdreg s25;
	s0 =	sadd.s32 s5, s24;
	s24 =	sshrl.u32 s21, $0x3  }
0x14: {  	s19 =	simm.s32 $0xB;
	s21 =	simm.s32 $0xC;
	s25 =	simm.s32 $0x1180  }
0x15: {  	s5 =	simm.s32 $0x0;
	[dreg:$0x7] =	wrdreg s0;
	s0 =	simm.s32 $0x6  }
.LBB2_1:
0x16: {  	s6 =	rddreg [dreg:$0x4]  }
0x17: {  	[tilespmem:s3], [sflag:$0xD] =	stream.linear.gather [hbm4b:s6+s3], $0x1200, $0x38;
	[tilespmem:$0x19800] =	vst v63  }
0x18: {  	_ =	swait.ge [sflag:s10], $0x1200  }
0x19: {  	[sflag:s10] =	ssyncset.done $0x0  }
0x1a: {  	[sflag:s10] =	ssyncadd.s32 $0xFFFFEE00  }
0x1b: {  	[tilespmem:s12], [sflag:$0x1] =	stream.indirect.gather [hbm4b:s4+s11], $0x80, s3, s11, $0xb8;
	[tilespmem:$0x19800] =	vst v63  }
0x1c: {  	s8 =	simm.s32 $0x80  }
0x1d: {  	[tilespmem:s14], [sflag:$0x2] =	stream.indirect.gather [hbm4b:s4+s11], $0x80, s8, s11, $0xb8;
	[tilespmem:$0x19800] =	vst v63  }
0x1e: {  	s7 =	simm.s32 $0x100  }
0x1f: {  	[tilespmem:s16], [sflag:$0x3] =	stream.indirect.gather [hbm4b:s4+s11], $0x80, s7, s11, $0xb8;
	[tilespmem:$0x19800] =	vst v63  }
0x20: {  	s8 =	simm.s32 $0x180  }
0x21: {  	[tilespmem:s18], [sflag:$0x4] =	stream.indirect.gather [hbm4b:s4+s11], $0x80, s8, s11, $0xb8;
	[tilespmem:$0x19800] =	vst v63  }
0x22: {  	s7 =	simm.s32 $0x200  }
0x23: {  	[tilespmem:s20], [sflag:$0x5] =	stream.indirect.gather [hbm4b:s4+s11], $0x80, s7, s11, $0xb8;
	[tilespmem:$0x19800] =	vst v63  }
0x24: {  	s8 =	simm.s32 $0x280;
	s7 =	rddreg [dreg:$0x5]  }
0x25: {  	[tilespmem:s22], [sflag:$0x6] =	stream.indirect.gather [hbm4b:s4+s11], $0x80, s8, s11, $0xb8;
	[tilespmem:$0x19800] =	vst v63  }
0x26: {  	[spmem:s24], [sflag:s23] =	dma.local [hbm:s7], $0xA00  }
0x27: {  	_ =	swait.ge [sflag:s10], $0xA00  }
0x28: {  	[sflag:s10] =	ssyncset.done $0x0  }
0x29: {  	s7 =	simm.s32 $0x1400;
	s8 =	rddreg [dreg:$0x6];
	[sflag:s10] =	ssyncadd.s32 $0xFFFFF600  }
0x2a: {  	[tilespmem:s7], [sflag:$0xD] =	stream.linear.gather [hbm4b:s8+s3], $0x1200, $0x38;
	[tilespmem:$0x19800] =	vst v63  }
0x2b: {  	_ =	swait.ge [sflag:s10], $0x1200  }
0x2c: {  	[sflag:s10] =	ssyncset.done $0x0  }
0x2d: {  	[sflag:s10] =	ssyncadd.s32 $0xFFFFEE00  }
0x2e: {  	[bflag:$0x0] =	sbarrier.arrive $0xFFFF  }
0x2f: {  	_ =	swait.ge [sflag:s26], $0x3000  }
0x30: {  	[sflag:s26] =	ssyncset.done $0x0  }
0x31: {  	s8 =	simm.s32 $0x1400;
	[sflag:s26] =	ssyncadd.s32 $0xFFFFD000  }
0x32: {  	[spmem:s2] =	stream.indirect.scatter.add.f32 [tilespmem:s12], [sflag:$0x7], $0x80, s8, s11, $0xb8;
	[tilespmem:$0x19800] =	vst v63  }
0x33: {  	_ =	swait.ge [sflag:s28], $0x3000  }
0x34: {  	[sflag:s28] =	ssyncset.done $0x0  }
0x35: {  	s7 =	simm.s32 $0x1480;
	[sflag:s28] =	ssyncadd.s32 $0xFFFFD000  }
0x36: {  	[spmem:s2] =	stream.indirect.scatter.add.f32 [tilespmem:s14], [sflag:$0x8], $0x80, s7, s11, $0xb8;
	[tilespmem:$0x19800] =	vst v63  }
0x37: {  	_ =	swait.ge [sflag:s29], $0x3000  }
0x38: {  	[sflag:s29] =	ssyncset.done $0x0  }
0x39: {  	s8 =	simm.s32 $0x1500;
	[sflag:s29] =	ssyncadd.s32 $0xFFFFD000  }
0x3a: {  	[spmem:s2] =	stream.indirect.scatter.add.f32 [tilespmem:s16], [sflag:$0x9], $0x80, s8, s11, $0xb8;
	[tilespmem:$0x19800] =	vst v63  }
0x3b: {  	_ =	swait.ge [sflag:s30], $0x3000  }
0x3c: {  	[sflag:s30] =	ssyncset.done $0x0  }
0x3d: {  	s7 =	simm.s32 $0x1580;
	[sflag:s30] =	ssyncadd.s32 $0xFFFFD000  }
0x3e: {  	[spmem:s2] =	stream.indirect.scatter.add.f32 [tilespmem:s18], [sflag:$0xA], $0x80, s7, s11, $0xb8;
	[tilespmem:$0x19800] =	vst v63  }
0x3f: {  	_ =	swait.ge [sflag:s31], $0x3000  }
0x40: {  	[sflag:s31] =	ssyncset.done $0x0  }
0x41: {  	s8 =	simm.s32 $0x1600;
	[sflag:s31] =	ssyncadd.s32 $0xFFFFD000  }
0x42: {  	[spmem:s2] =	stream.indirect.scatter.add.f32 [tilespmem:s20], [sflag:$0xB], $0x80, s8, s11, $0xb8;
	[tilespmem:$0x19800] =	vst v63  }
0x43: {  	_ =	swait.ge [sflag:s0], $0x3000  }
0x44: {  	[sflag:s0] =	ssyncset.done $0x0  }
0x45: {  	s7 =	simm.s32 $0x1680;
	[sflag:s0] =	ssyncadd.s32 $0xFFFFD000  }
0x46: {  	[spmem:s2] =	stream.indirect.scatter.add.f32 [tilespmem:s22], [sflag:$0xC], $0x80, s7, s11, $0xb8;
	[tilespmem:$0x19800] =	vst v63  }
0x47: {  	_ =	swait.ge [sflag:s1], $0x3000  }
0x48: {  	[sflag:s1] =	ssyncset.done $0x0  }
0x49: {  	s8 =	simm.s32 $0x300;
	[sflag:s1] =	ssyncadd.s32 $0xFFFFD000  }
0x4a: {  	[tilespmem:s12], [sflag:$0x1] =	stream.indirect.gather [hbm4b:s4+s11], $0x80, s8, s11, $0xb8;
	[tilespmem:$0x19800] =	vst v63  }
0x4b: {  	_ =	swait.ge [sflag:s13], $0x3000  }
0x4c: {  	[sflag:s13] =	ssyncset.done $0x0  }
0x4d: {  	s7 =	simm.s32 $0x380;
	[sflag:s13] =	ssyncadd.s32 $0xFFFFD000  }
0x4e: {  	[tilespmem:s14], [sflag:$0x2] =	stream.indirect.gather [hbm4b:s4+s11], $0x80, s7, s11, $0xb8;
	[tilespmem:$0x19800] =	vst v63  }
0x4f: {  	_ =	swait.ge [sflag:s15], $0x3000  }
0x50: {  	[sflag:s15] =	ssyncset.done $0x0  }
0x51: {  	s8 =	simm.s32 $0x400;
	[sflag:s15] =	ssyncadd.s32 $0xFFFFD000  }
0x52: {  	[tilespmem:s16], [sflag:$0x3] =	stream.indirect.gather [hbm4b:s4+s11], $0x80, s8, s11, $0xb8;
	[tilespmem:$0x19800] =	vst v63  }
0x53: {  	_ =	swait.ge [sflag:s17], $0x3000  }
0x54: {  	[sflag:s17] =	ssyncset.done $0x0  }
0x55: {  	s7 =	simm.s32 $0x480;
	[sflag:s17] =	ssyncadd.s32 $0xFFFFD000  }
0x56: {  	[tilespmem:s18], [sflag:$0x4] =	stream.indirect.gather [hbm4b:s4+s11], $0x80, s7, s11, $0xb8;
	[tilespmem:$0x19800] =	vst v63  }
0x57: {  	_ =	swait.ge [sflag:s19], $0x3000  }
0x58: {  	[sflag:s19] =	ssyncset.done $0x0  }
0x59: {  	s8 =	simm.s32 $0x500;
	[sflag:s19] =	ssyncadd.s32 $0xFFFFD000  }
0x5a: {  	[tilespmem:s20], [sflag:$0x5] =	stream.indirect.gather [hbm4b:s4+s11], $0x80, s8, s11, $0xb8;
	[tilespmem:$0x19800] =	vst v63  }
0x5b: {  	_ =	swait.ge [sflag:s21], $0x3000  }
0x5c: {  	[sflag:s21] =	ssyncset.done $0x0  }
0x5d: {  	s6 =	simm.s32 $0xC00;
	s7 =	simm.s32 $0x580;
	[sflag:s21] =	ssyncadd.s32 $0xFFFFD000  }
.LBB2_2:
0x5e: {  	[tilespmem:s22], [sflag:$0x6] =	stream.indirect.gather [hbm4b:s4+s11], $0x80, s7, s11, $0xb8;
	[tilespmem:$0x19800] =	vst v63  }
0x5f: {  	s7 =	smov.u32 s6;
	s6 =	sadd.s32 $0xC00, s6;
	_ =	swait.ge [sflag:s26], $0x3000  }
0x60: {  	s7 =	sshra.s32 s7, $0x2;
	p0 =	sne.s32 s6, $0x3000;
	[sflag:s26] =	ssyncset.done $0x0  }
0x61: {  	s8 =	sadd.s32 $0x1400, s7;
	[sflag:s26] =	ssyncadd.s32 $0xFFFFD000  }
0x62: {  	[spmem:s2] =	stream.indirect.scatter.add.f32 [tilespmem:s12], [sflag:$0x7], $0x80, s8, s11, $0xb8;
	[tilespmem:$0x19800] =	vst v63  }
0x63: {  	_ =	swait.ge [sflag:s28], $0x3000  }
0x64: {  	[sflag:s28] =	ssyncset.done $0x0  }
0x65: {  	s8 =	sadd.s32 $0x1480, s7;
	[sflag:s28] =	ssyncadd.s32 $0xFFFFD000  }
0x66: {  	[spmem:s2] =	stream.indirect.scatter.add.f32 [tilespmem:s14], [sflag:$0x8], $0x80, s8, s11, $0xb8;
	[tilespmem:$0x19800] =	vst v63  }
0x67: {  	_ =	swait.ge [sflag:s29], $0x3000  }
0x68: {  	[sflag:s29] =	ssyncset.done $0x0  }
0x69: {  	s8 =	sadd.s32 $0x1500, s7;
	[sflag:s29] =	ssyncadd.s32 $0xFFFFD000  }
0x6a: {  	[spmem:s2] =	stream.indirect.scatter.add.f32 [tilespmem:s16], [sflag:$0x9], $0x80, s8, s11, $0xb8;
	[tilespmem:$0x19800] =	vst v63  }
0x6b: {  	_ =	swait.ge [sflag:s30], $0x3000  }
0x6c: {  	[sflag:s30] =	ssyncset.done $0x0  }
0x6d: {  	s8 =	sadd.s32 $0x1580, s7;
	[sflag:s30] =	ssyncadd.s32 $0xFFFFD000  }
0x6e: {  	[spmem:s2] =	stream.indirect.scatter.add.f32 [tilespmem:s18], [sflag:$0xA], $0x80, s8, s11, $0xb8;
	[tilespmem:$0x19800] =	vst v63  }
0x6f: {  	_ =	swait.ge [sflag:s31], $0x3000  }
0x70: {  	[sflag:s31] =	ssyncset.done $0x0  }
0x71: {  	s8 =	sadd.s32 $0x1600, s7;
	[sflag:s31] =	ssyncadd.s32 $0xFFFFD000  }
0x72: {  	[spmem:s2] =	stream.indirect.scatter.add.f32 [tilespmem:s20], [sflag:$0xB], $0x80, s8, s11, $0xb8;
	[tilespmem:$0x19800] =	vst v63  }
0x73: {  	_ =	swait.ge [sflag:s0], $0x3000  }
0x74: {  	[sflag:s0] =	ssyncset.done $0x0  }
0x75: {  	s8 =	sadd.s32 $0x1680, s7;
	[sflag:s0] =	ssyncadd.s32 $0xFFFFD000  }
0x76: {  	[spmem:s2] =	stream.indirect.scatter.add.f32 [tilespmem:s22], [sflag:$0xC], $0x80, s8, s11, $0xb8;
	[tilespmem:$0x19800] =	vst v63  }
0x77: {  	_ =	swait.ge [sflag:s1], $0x3000  }
0x78: {  	[sflag:s1] =	ssyncset.done $0x0  }
0x79: {  	s8 =	sadd.s32 $0x300, s7;
	[sflag:s1] =	ssyncadd.s32 $0xFFFFD000  }
0x7a: {  	[tilespmem:s12], [sflag:$0x1] =	stream.indirect.gather [hbm4b:s4+s11], $0x80, s8, s11, $0xb8;
	[tilespmem:$0x19800] =	vst v63  }
0x7b: {  	_ =	swait.ge [sflag:s13], $0x3000  }
0x7c: {  	[sflag:s13] =	ssyncset.done $0x0  }
0x7d: {  	s8 =	sadd.s32 $0x380, s7;
	[sflag:s13] =	ssyncadd.s32 $0xFFFFD000  }
0x7e: {  	[tilespmem:s14], [sflag:$0x2] =	stream.indirect.gather [hbm4b:s4+s11], $0x80, s8, s11, $0xb8;
	[tilespmem:$0x19800] =	vst v63  }
0x7f: {  	_ =	swait.ge [sflag:s15], $0x3000  }
0x80: {  	[sflag:s15] =	ssyncset.done $0x0  }
0x81: {  	s8 =	sadd.s32 $0x400, s7;
	[sflag:s15] =	ssyncadd.s32 $0xFFFFD000  }
0x82: {  	[tilespmem:s16], [sflag:$0x3] =	stream.indirect.gather [hbm4b:s4+s11], $0x80, s8, s11, $0xb8;
	[tilespmem:$0x19800] =	vst v63  }
0x83: {  	_ =	swait.ge [sflag:s17], $0x3000  }
0x84: {  	[sflag:s17] =	ssyncset.done $0x0  }
0x85: {  	s8 =	sadd.s32 $0x480, s7;
	[sflag:s17] =	ssyncadd.s32 $0xFFFFD000  }
0x86: {  	[tilespmem:s18], [sflag:$0x4] =	stream.indirect.gather [hbm4b:s4+s11], $0x80, s8, s11, $0xb8;
	[tilespmem:$0x19800] =	vst v63  }
0x87: {  	_ =	swait.ge [sflag:s19], $0x3000  }
0x88: {  	[sflag:s19] =	ssyncset.done $0x0  }
.Ltmp0:
0x89: {  	s8 =	sadd.s32 $0x500, s7;
	[sflag:s19] =	ssyncadd.s32 $0xFFFFD000;
	(pc) =	sbr.rel @p0 .LBB2_2-.Ltmp0, $4  }
0x8a: {  	[tilespmem:s20], [sflag:$0x5] =	stream.indirect.gather [hbm4b:s4+s11], $0x80, s8, s11, $0xb8;
	[tilespmem:$0x19800] =	vst v63  }
0x8b: {  	_ =	swait.ge [sflag:s21], $0x3000  }
0x8c: {  	[sflag:s21] =	ssyncset.done $0x0  }
0x8d: {  	s7 =	sadd.s32 $0x580, s7;
	[sflag:s21] =	ssyncadd.s32 $0xFFFFD000  }
0x8e: {  	[tilespmem:s22], [sflag:$0x6] =	stream.indirect.gather [hbm4b:s4+s11], $0x80, s7, s11, $0xb8;
	[tilespmem:$0x19800] =	vst v63  }
0x8f: {  	_ =	swait.ge [sflag:s26], $0x3000  }
0x90: {  	s6 =	sshra.s32 s6, $0x2;
	[sflag:s26] =	ssyncset.done $0x0  }
0x91: {  	s8 =	sadd.s32 $0x1400, s6;
	[sflag:s26] =	ssyncadd.s32 $0xFFFFD000  }
0x92: {  	[spmem:s2] =	stream.indirect.scatter.add.f32 [tilespmem:s12], [sflag:$0x7], $0x80, s8, s11, $0xb8;
	[tilespmem:$0x19800] =	vst v63  }
0x93: {  	_ =	swait.ge [sflag:s28], $0x3000  }
0x94: {  	[sflag:s28] =	ssyncset.done $0x0  }
0x95: {  	s8 =	sadd.s32 $0x1480, s6;
	[sflag:s28] =	ssyncadd.s32 $0xFFFFD000  }
0x96: {  	[spmem:s2] =	stream.indirect.scatter.add.f32 [tilespmem:s14], [sflag:$0x8], $0x80, s8, s11, $0xb8;
	[tilespmem:$0x19800] =	vst v63  }
0x97: {  	_ =	swait.ge [sflag:s29], $0x3000  }
0x98: {  	[sflag:s29] =	ssyncset.done $0x0  }
0x99: {  	s8 =	sadd.s32 $0x1500, s6;
	[sflag:s29] =	ssyncadd.s32 $0xFFFFD000  }
0x9a: {  	[spmem:s2] =	stream.indirect.scatter.add.f32 [tilespmem:s16], [sflag:$0x9], $0x80, s8, s11, $0xb8;
	[tilespmem:$0x19800] =	vst v63  }
0x9b: {  	_ =	swait.ge [sflag:s30], $0x3000  }
0x9c: {  	[sflag:s30] =	ssyncset.done $0x0  }
0x9d: {  	s8 =	sadd.s32 $0x1580, s6;
	[sflag:s30] =	ssyncadd.s32 $0xFFFFD000  }
0x9e: {  	[spmem:s2] =	stream.indirect.scatter.add.f32 [tilespmem:s18], [sflag:$0xA], $0x80, s8, s11, $0xb8;
	[tilespmem:$0x19800] =	vst v63  }
0x9f: {  	_ =	swait.ge [sflag:s31], $0x3000  }
0xa0: {  	[sflag:s31] =	ssyncset.done $0x0  }
0xa1: {  	s8 =	sadd.s32 $0x1600, s6;
	[sflag:s31] =	ssyncadd.s32 $0xFFFFD000  }
0xa2: {  	[spmem:s2] =	stream.indirect.scatter.add.f32 [tilespmem:s20], [sflag:$0xB], $0x80, s8, s11, $0xb8;
	[tilespmem:$0x19800] =	vst v63  }
0xa3: {  	_ =	swait.ge [sflag:s0], $0x3000  }
0xa4: {  	[sflag:s0] =	ssyncset.done $0x0  }
0xa5: {  	s6 =	sadd.s32 $0x1680, s6;
	[sflag:s0] =	ssyncadd.s32 $0xFFFFD000  }
0xa6: {  	[spmem:s2] =	stream.indirect.scatter.add.f32 [tilespmem:s22], [sflag:$0xC], $0x80, s6, s11, $0xb8;
	[tilespmem:$0x19800] =	vst v63  }
0xa7: {  	_ =	swait.ge [sflag:s1], $0x3000  }
0xa8: {  	[sflag:s1] =	ssyncset.done $0x0  }
0xa9: {  	s7 =	simm.s32 $0xF00;
	[sflag:s1] =	ssyncadd.s32 $0xFFFFD000  }
0xaa: {  	[tilespmem:s12], [sflag:$0x1] =	stream.indirect.gather [hbm4b:s4+s11], $0x80, s7, s11, $0xb8;
	[tilespmem:$0x19800] =	vst v63  }
0xab: {  	_ =	swait.ge [sflag:s13], $0x3000  }
0xac: {  	[sflag:s13] =	ssyncset.done $0x0  }
0xad: {  	s8 =	simm.s32 $0xF80;
	[sflag:s13] =	ssyncadd.s32 $0xFFFFD000  }
0xae: {  	[tilespmem:s14], [sflag:$0x2] =	stream.indirect.gather [hbm4b:s4+s11], $0x80, s8, s11, $0xb8;
	[tilespmem:$0x19800] =	vst v63  }
0xaf: {  	_ =	swait.ge [sflag:s15], $0x3000  }
0xb0: {  	[sflag:s15] =	ssyncset.done $0x0  }
0xb1: {  	s7 =	simm.s32 $0x1000;
	[sflag:s15] =	ssyncadd.s32 $0xFFFFD000  }
0xb2: {  	[tilespmem:s16], [sflag:$0x3] =	stream.indirect.gather [hbm4b:s4+s11], $0x80, s7, s11, $0xb8;
	[tilespmem:$0x19800] =	vst v63  }
0xb3: {  	_ =	swait.ge [sflag:s17], $0x3000  }
0xb4: {  	[sflag:s17] =	ssyncset.done $0x0  }
0xb5: {  	s8 =	simm.s32 $0x1080;
	[sflag:s17] =	ssyncadd.s32 $0xFFFFD000  }
0xb6: {  	[tilespmem:s18], [sflag:$0x4] =	stream.indirect.gather [hbm4b:s4+s11], $0x80, s8, s11, $0xb8;
	[tilespmem:$0x19800] =	vst v63  }
0xb7: {  	_ =	swait.ge [sflag:s19], $0x3000  }
0xb8: {  	[sflag:s19] =	ssyncset.done $0x0  }
0xb9: {  	s7 =	simm.s32 $0x1100;
	[sflag:s19] =	ssyncadd.s32 $0xFFFFD000  }
0xba: {  	[tilespmem:s20], [sflag:$0x5] =	stream.indirect.gather [hbm4b:s4+s11], $0x80, s7, s11, $0xb8;
	[tilespmem:$0x19800] =	vst v63  }
0xbb: {  	_ =	swait.ge [sflag:s21], $0x3000  }
0xbc: {  	[sflag:s21] =	ssyncset.done $0x0  }
0xbd: {  	[sflag:s21] =	ssyncadd.s32 $0xFFFFD000  }
0xbe: {  	[tilespmem:s22], [sflag:$0x6] =	stream.indirect.gather [hbm4b:s4+s11], $0x80, s25, s11, $0xb8;
	[tilespmem:$0x19800] =	vst v63  }
0xbf: {  	_ =	swait.ge [sflag:s26], $0x3000  }
0xc0: {  	[sflag:s26] =	ssyncset.done $0x0  }
0xc1: {  	s8 =	simm.s32 $0x2300;
	[sflag:s26] =	ssyncadd.s32 $0xFFFFD000  }
0xc2: {  	[spmem:s2] =	stream.indirect.scatter.add.f32 [tilespmem:s12], [sflag:$0x7], $0x80, s8, s11, $0xb8;
	[tilespmem:$0x19800] =	vst v63  }
0xc3: {  	_ =	swait.ge [sflag:s28], $0x3000  }
0xc4: {  	[sflag:s28] =	ssyncset.done $0x0  }
0xc5: {  	s7 =	simm.s32 $0x2380;
	[sflag:s28] =	ssyncadd.s32 $0xFFFFD000  }
0xc6: {  	[spmem:s2] =	stream.indirect.scatter.add.f32 [tilespmem:s14], [sflag:$0x8], $0x80, s7, s11, $0xb8;
	[tilespmem:$0x19800] =	vst v63  }
0xc7: {  	_ =	swait.ge [sflag:s29], $0x3000  }
0xc8: {  	[sflag:s29] =	ssyncset.done $0x0  }
0xc9: {  	s8 =	simm.s32 $0x2400;
	[sflag:s29] =	ssyncadd.s32 $0xFFFFD000  }
0xca: {  	[spmem:s2] =	stream.indirect.scatter.add.f32 [tilespmem:s16], [sflag:$0x9], $0x80, s8, s11, $0xb8;
	[tilespmem:$0x19800] =	vst v63  }
0xcb: {  	_ =	swait.ge [sflag:s30], $0x3000  }
0xcc: {  	[sflag:s30] =	ssyncset.done $0x0  }
0xcd: {  	s7 =	simm.s32 $0x2480;
	[sflag:s30] =	ssyncadd.s32 $0xFFFFD000  }
0xce: {  	[spmem:s2] =	stream.indirect.scatter.add.f32 [tilespmem:s18], [sflag:$0xA], $0x80, s7, s11, $0xb8;
	[tilespmem:$0x19800] =	vst v63  }
0xcf: {  	_ =	swait.ge [sflag:s31], $0x3000  }
0xd0: {  	[sflag:s31] =	ssyncset.done $0x0  }
0xd1: {  	s8 =	simm.s32 $0x2500;
	[sflag:s31] =	ssyncadd.s32 $0xFFFFD000  }
0xd2: {  	[spmem:s2] =	stream.indirect.scatter.add.f32 [tilespmem:s20], [sflag:$0xB], $0x80, s8, s11, $0xb8;
	[tilespmem:$0x19800] =	vst v63  }
0xd3: {  	_ =	swait.ge [sflag:s0], $0x3000  }
0xd4: {  	[sflag:s0] =	ssyncset.done $0x0  }
0xd5: {  	s7 =	simm.s32 $0x2580;
	[sflag:s0] =	ssyncadd.s32 $0xFFFFD000  }
0xd6: {  	[spmem:s2] =	stream.indirect.scatter.add.f32 [tilespmem:s22], [sflag:$0xC], $0x80, s7, s11, $0xb8;
	[tilespmem:$0x19800] =	vst v63  }
0xd7: {  	_ =	swait.ge [sflag:s1], $0x3000  }
0xd8: {  	[sflag:s1] =	ssyncset.done $0x0  }
0xd9: {  	[sflag:s1] =	ssyncadd.s32 $0xFFFFD000  }
0xda: {  	[tilespmem:s12], [sflag:$0x1] =	stream.indirect.gather [hbm4b:s4+s11], $0x80, s25, s11, $0xb8;
	[tilespmem:$0x19800] =	vst v63  }
0xdb: {  	_ =	swait.ge [sflag:s13], $0x3000  }
0xdc: {  	[sflag:s13] =	ssyncset.done $0x0  }
0xdd: {  	[sflag:s13] =	ssyncadd.s32 $0xFFFFD000  }
0xde: {  	[tilespmem:s14], [sflag:$0x2] =	stream.indirect.gather [hbm4b:s4+s11], $0x80, s25, s11, $0xb8;
	[tilespmem:$0x19800] =	vst v63  }
0xdf: {  	_ =	swait.ge [sflag:s15], $0x3000  }
0xe0: {  	[sflag:s15] =	ssyncset.done $0x0  }
0xe1: {  	[sflag:s15] =	ssyncadd.s32 $0xFFFFD000  }
0xe2: {  	[tilespmem:s16], [sflag:$0x3] =	stream.indirect.gather [hbm4b:s4+s11], $0x80, s25, s11, $0xb8;
	[tilespmem:$0x19800] =	vst v63  }
0xe3: {  	_ =	swait.ge [sflag:s17], $0x3000  }
0xe4: {  	[sflag:s17] =	ssyncset.done $0x0  }
0xe5: {  	[sflag:s17] =	ssyncadd.s32 $0xFFFFD000  }
0xe6: {  	[tilespmem:s18], [sflag:$0x4] =	stream.indirect.gather [hbm4b:s4+s11], $0x80, s25, s11, $0xb8;
	[tilespmem:$0x19800] =	vst v63  }
0xe7: {  	_ =	swait.ge [sflag:s19], $0x3000  }
0xe8: {  	[sflag:s19] =	ssyncset.done $0x0  }
0xe9: {  	[sflag:s19] =	ssyncadd.s32 $0xFFFFD000  }
0xea: {  	[tilespmem:s20], [sflag:$0x5] =	stream.indirect.gather [hbm4b:s4+s11], $0x80, s25, s11, $0xb8;
	[tilespmem:$0x19800] =	vst v63  }
0xeb: {  	_ =	swait.ge [sflag:s21], $0x3000  }
0xec: {  	[sflag:s21] =	ssyncset.done $0x0  }
0xed: {  	[sflag:s21] =	ssyncadd.s32 $0xFFFFD000  }
0xee: {  	[tilespmem:s22], [sflag:$0x6] =	stream.indirect.gather [hbm4b:s4+s11], $0x80, s25, s11, $0xb8;
	[tilespmem:$0x19800] =	vst v63  }
0xef: {  	_ =	swait.ge [sflag:s26], $0x3000  }
0xf0: {  	[sflag:s26] =	ssyncset.done $0x0  }
0xf1: {  	[sflag:s26] =	ssyncadd.s32 $0xFFFFD000  }
0xf2: {  	_ =	swait.ge [sflag:s28], $0x3000  }
0xf3: {  	[sflag:s28] =	ssyncset.done $0x0  }
0xf4: {  	[sflag:s28] =	ssyncadd.s32 $0xFFFFD000  }
0xf5: {  	_ =	swait.ge [sflag:s29], $0x3000  }
0xf6: {  	[sflag:s29] =	ssyncset.done $0x0  }
0xf7: {  	[sflag:s29] =	ssyncadd.s32 $0xFFFFD000  }
0xf8: {  	_ =	swait.ge [sflag:s30], $0x3000  }
0xf9: {  	[sflag:s30] =	ssyncset.done $0x0  }
0xfa: {  	[sflag:s30] =	ssyncadd.s32 $0xFFFFD000  }
0xfb: {  	_ =	swait.ge [sflag:s31], $0x3000  }
0xfc: {  	[sflag:s31] =	ssyncset.done $0x0  }
0xfd: {  	[sflag:s31] =	ssyncadd.s32 $0xFFFFD000  }
0xfe: {  	_ =	swait.ge [sflag:s0], $0x3000  }
0xff: {  	[sflag:s0] =	ssyncset.done $0x0  }
0x100: {  	s5 =	sadd.s32 $0x1, s5;
	[sflag:s0] =	ssyncadd.s32 $0xFFFFD000  }
0x101: {  	p0 =	sne.s32 s5, s9;
	[bflag:$0x0] =	sbarrier.arrive $0xFFFF  }
.Ltmp1:
0x102: {  	s8 =	rddreg [dreg:$0x7];
	(pc) =	sbr.rel @p0 .LBB2_1-.Ltmp1, $4  }
0x103: {  	[hbm:s8], [sflag:s23] =	dma.local [spmem:s24], $0xA00  }
0x104: {  	_ =	swait.ge [sflag:s10], $0xA00  }
0x105: {  	[sflag:s10] =	ssyncset.done $0x0  }
0x106: {  	[sflag:s10] =	ssyncadd.s32 $0xFFFFF600  }
0x107: {  	_ =	sfence.sel $0x180000  }
0x108: {  	[bflag:$0x0] =	sbarrier.arrive $0xFFFF  }
0x109: {  	_ =	strace $0x9000004A  }
0x10a: {  	s0 =	stileid.u32;
	[bflag:$0x2] =	sbarrier.arrive $0xFFFF  }
0x10b: {  	p0 =	sne.s32 s0, $0x0;
	s0 =	rddreg [dreg:$0x3]  }
0x10c: {  	s0 =	sadd.s32 @!p0 $0x100000, s0  }
0x10d: {  	[sflag:s0] =	ssyncadd.tile.s32 @!p0 $0x1;
	_ =	shalt  }
.Lfunc_end2:
_tile_overlayer_lowered:
.L_overlay_start_2:
0x10e: {  	(tag) =	ssettag $0x2  }
0x10f: {  	s0 =	rddreg [dreg:$0x0];
	s2 =	stileid.u32  }
0x110: {  	s1 =	rddreg [dreg:$0x1];
	p0 =	sne.s32 s2, $0x0  }
0x111: {  	s3 =	rddreg [dreg:$0x2];
	[bflag:$0x3] =	sbarrier.arrive $0xFFFF;
	s2 =	simm.s32 @!p0 $0x1C0D  }
0x112: {  	[timem:s3], [sflag:s2] =	dma.local @!p0 [hbm:s0], s1  }
0x113: {  	s0 =	simm.s32 @!p0 $0xD  }
0x114: {  	_ =	swait.ge @!p0 [sflag:s0], s1  }
0x115: {  	s1 =	ssub.s32 @!p0 $0x0, s1;
	[sflag:s0] =	ssyncset.done @!p0 $0x0  }
0x116: {  	[sflag:s0] =	ssyncadd.s32 @!p0 s1  }
0x117: {  	[bflag:$0x3] =	sbarrier.arrive $0xFFFF  }
0x118: {  	_ =	shalt  }

// kernel: kernel.15.cloned.1.call-start
scs
__scs_entry_jumppad:
0x0: {  	(pc) =	sbr.rel $0x88, $3  }
0x1: {  	(tag) =	ssettag $0x0;
	lr =	simm.s32 $0x1  }
0x2: {  	[smem:$0x3F55] =	sst lr;
	_ =	strace $0xD0000000  }
0x3: {  	_ = 	snop  }
0x4: {  	_ = 	snop  }
0x5: {  	_ = 	snop  }
0x6: {  	_ = 	snop  }
0x7: {  	_ = 	snop  }
__scs_overlays_trampoline_lowered:
0x8: {  	[smem:$0x3F64] =	sst s0  }
0x9: {  	[smem:$0x3F65] =	sst s1  }
0xa: {  	[smem:$0x3F66] =	sst s2  }
0xb: {  	[smem:$0x3F67] =	sst s3  }
0xc: {  	[smem:$0x3F68] =	sst s4  }
0xd: {  	[smem:$0x3F69] =	sst s5  }
0xe: {  	[smem:$0x3F6A] =	sst s6  }
0xf: {  	[smem:$0x3F6B] =	sst s7  }
0x10: {  	[smem:$0x3F6C] =	sst s8  }
0x11: {  	[smem:$0x3F6D] =	sst s9;
	s0 =	simm.s32 @!p0 $0x0  }
0x12: {  	s1 =	sld [smem:$0x3F53];
	s0 =	simm.s32 @p0 $0x1  }
0x13: {  	[smem:$0x3F6E] =	sst s0;
	s0 =	simm.s32 @!p1 $0x0  }
0x14: {  	s2 =	sld [smem:$0x3F52];
	s0 =	simm.s32 @p1 $0x1  }
0x15: {  	[smem:$0x3F6F] =	sst s0;
	s0 =	simm.s32 @!p2 $0x0  }
0x16: {  	s3 =	sld [smem:$0x3FDB];
	s0 =	simm.s32 @p2 $0x1  }
0x17: {  	s4 =	simm.s32 $0x1BF5;
	[smem:$0x3F71] =	sst s0  }
0x18: {  	s0 =	sld [smem:$0x3F54];
	_ =	swait.ge [sflag:s4], $0x0  }
0x19: {  	s7 =	sld [smem:$0x3F55]  }
0x1a: {  	s8 =	sadd.s32 $0xFFFFE003, lr  }
0x1b: {  	s9 =	sadd.s32 $0xFFFFFEF7, lr;
	s5 =	simm.s32 $0xFFFFFFFF;
	p2 =	slt.u32 s8, $0xFFFFF086  }
0x1c: {  	p1 =	slt.u32 s9, $0xF7A;
	s5 =	simm.s32 @!p2 $0x0  }
0x1d: {  	s5 =	simm.s32 @p1 $0x1;
	p0 =	seq.s32 s7, s2  }
0x1e: {  	s7 =	smul.u32 @!p0 $0xF7A, s2;
	p2 =	seq.s32 @!p0 s5, $0x0  }
0x1f: {  	s9 =	smul.u32 $0xF7A, s1;
	s8 =	simm.s32 @!p0 $0x1BF5;
	p2 =	por !p2, p0  }
0x20: {  	[sflag:s8] =	ssyncset.s32 @!p0 $0xFFFFF086;
	s6 =	sadd.s32 @!p0 s3, s7;
	s7 =	simm.s32 @!p0 $0x108  }
0x21: {  	s3 =	sadd.s32 s3, s9;
	s6 =	sadd.s32 @!p0 $0x88, s6;
	s7 =	simm.s32 @p2 $0x1082  }
0x22: {  	[simem:s7], [sflag:s8] =	dma.local @!p0 [hbm:s6], $0xF7A  }
0x23: {  	s9 =	sor.u32 $0xD0000000, s2;
	s6 =	simm.s32 $0x108;
	_ =	swait.ge @!p0 [sflag:s8], $0x0  }
0x24: {  	s3 =	sadd.s32 $0x88, s3;
	s6 =	simm.s32 @!p1 $0x1082;
	[sflag:s4] =	ssyncset.s32 $0xFFFFF086  }
0x25: {  	[simem:s6], [sflag:s4] =	dma.local [hbm:s3], $0xF7A  }
0x26: {  	[smem:$0x3F55] =	sst s1;
	(tag) =	ssettag s2;
	_ =	strace s9  }
0x27: {  	s1 =	sld [smem:$0x3F65]  }
0x28: {  	s2 =	sld [smem:$0x3F66]  }
0x29: {  	s4 =	sld [smem:$0x3F68]  }
0x2a: {  	p0 =	seq.s32 s5, $0x0;
	s5 =	sld [smem:$0x3F69]  }
0x2b: {  	s6 =	sld [smem:$0x3F6A]  }
0x2c: {  	s7 =	sld [smem:$0x3F6B]  }
0x2d: {  	s3 =	simm.s32 $0x108;
	s8 =	sld [smem:$0x3F6C]  }
0x2e: {  	s3 =	simm.s32 @!p0 $0x1082;
	s9 =	sld [smem:$0x3F6D]  }
0x2f: {  	lr =	sadd.s32 s0, s3;
	s0 =	sld [smem:$0x3F64]  }
0x30: {  	s3 =	sld [smem:$0x3F67]  }
0x31: {  	[smem:$0x3F70] =	sst s10  }
0x32: {  	s10 =	sld [smem:$0x3F6E];
	_ =	sdelay $0x3  }
0x33: {  	p0 =	seq.s32 s10, $0x1;
	s10 =	sld [smem:$0x3F70];
	_ =	sdelay $0x3  }
0x34: {  	[smem:$0x3F70] =	sst s10  }
0x35: {  	s10 =	sld [smem:$0x3F6F];
	_ =	sdelay $0x3  }
0x36: {  	p1 =	seq.s32 s10, $0x1;
	s10 =	sld [smem:$0x3F70];
	_ =	sdelay $0x3  }
0x37: {  	[smem:$0x3F70] =	sst s10  }
0x38: {  	s10 =	sld [smem:$0x3F71]  }
0x39: {  	_ = 	snop;
	(pc) =	sbr.ind lr, $3  }
0x3a: {  	_ = 	snop  }
0x3b: {  	_ = 	snop  }
0x3c: {  	p2 =	seq.s32 s10, $0x1;
	s10 =	sld [smem:$0x3F70]  }
0x3d: {  	_ =	shalt  }
0x3e: {  	_ =	shalt  }
0x3f: {  	_ =	shalt  }
0x40: {  	_ =	shalt  }
0x41: {  	_ =	shalt  }
0x42: {  	_ =	shalt  }
0x43: {  	_ =	shalt  }
0x44: {  	_ =	shalt  }
0x45: {  	_ =	shalt  }
0x46: {  	_ =	shalt  }
0x47: {  	_ =	shalt  }
0x48: {  	_ =	shalt  }
0x49: {  	_ =	shalt  }
0x4a: {  	_ =	shalt  }
0x4b: {  	_ =	shalt  }
0x4c: {  	_ =	shalt  }
0x4d: {  	_ =	shalt  }
0x4e: {  	_ =	shalt  }
0x4f: {  	_ =	shalt  }
0x50: {  	_ =	shalt  }
0x51: {  	_ =	shalt  }
0x52: {  	_ =	shalt  }
0x53: {  	_ =	shalt  }
0x54: {  	_ =	shalt  }
0x55: {  	_ =	shalt  }
0x56: {  	_ =	shalt  }
0x57: {  	_ =	shalt  }
0x58: {  	_ =	shalt  }
0x59: {  	_ =	shalt  }
0x5a: {  	_ =	shalt  }
0x5b: {  	_ =	shalt  }
0x5c: {  	_ =	shalt  }
0x5d: {  	_ =	shalt  }
0x5e: {  	_ =	shalt  }
0x5f: {  	_ =	shalt  }
0x60: {  	_ =	shalt  }
0x61: {  	_ =	shalt  }
0x62: {  	_ =	shalt  }
0x63: {  	_ =	shalt  }
0x64: {  	_ =	shalt  }
0x65: {  	_ =	shalt  }
0x66: {  	_ =	shalt  }
0x67: {  	_ =	shalt  }
0x68: {  	_ =	shalt  }
0x69: {  	_ =	shalt  }
0x6a: {  	_ =	shalt  }
0x6b: {  	_ =	shalt  }
0x6c: {  	_ =	shalt  }
0x6d: {  	_ =	shalt  }
0x6e: {  	_ =	shalt  }
0x6f: {  	_ =	shalt  }
0x70: {  	_ =	shalt  }
0x71: {  	_ =	shalt  }
0x72: {  	_ =	shalt  }
0x73: {  	_ =	shalt  }
0x74: {  	_ =	shalt  }
0x75: {  	_ =	shalt  }
0x76: {  	_ =	shalt  }
0x77: {  	_ =	shalt  }
0x78: {  	_ =	shalt  }
0x79: {  	_ =	shalt  }
0x7a: {  	_ =	shalt  }
0x7b: {  	_ =	shalt  }
0x7c: {  	_ =	shalt  }
0x7d: {  	_ =	shalt  }
0x7e: {  	_ =	shalt  }
0x7f: {  	_ =	shalt  }
0x80: {  	_ =	shalt  }
0x81: {  	_ =	shalt  }
0x82: {  	_ =	shalt  }
0x83: {  	_ =	shalt  }
0x84: {  	_ =	shalt  }
0x85: {  	_ =	shalt  }
0x86: {  	_ =	shalt  }
0x87: {  	_ =	shalt  }
.Lfunc_end0:
.L_simem_size_0:
called_computation.2_lowered:
.L_overlay_start_0:
0x88: {  	s2 =	sld [smem:$0x3FD9]  }
0x89: {  	s3 =	sld [smem:$0x3FFE];
	_ =	sdelay $0x1  }
0x8a: {  	s1 =	srdreg.scid  }
0x8b: {  	s0 =	sand.u32 $0x1, s1  }
0x8c: {  	s16 =	sshll.u32 s0, $0xA;
	s2 =	sadd.s32 s3, s2  }
0x8d: {  	s2 =	sadd.s32 s2, s16  }
0x8e: {  	[smem:$0x3F7C] =	sst s2  }
0x8f: {  	_ = 	snop  }
0x90: {  	(tm) =	ssettm $0x1  }
0x91: {  	s17 =	sld [smem:$0x3FFB];
	_ =	sdelay $0x3  }
0x92: {  	_ =	strace s17  }
0x93: {  	s2 =	sld [smem:$0x3FFC];
	_ =	sdelay $0x3  }
0x94: {  	_ =	strace s2  }
0x95: {  	s2 =	sld [smem:$0x3FFD];
	_ =	sdelay $0x3  }
0x96: {  	_ =	strace s2  }
0x97: {  	_ =	strace $0x8FFFFFFF  }
0x98: {  	s18 =	sld [smem:$0x3FDB];
	_ =	sdelay $0x1  }
0x99: {  	s19 =	simm.s32 $_scs_section_size  }
0x9a: {  	s4 =	simm.s32 $_size__tile_overlayer_lowered;
	s5 =	simm.s32 $_tile_overlayer_lowered  }
0x9b: {  	s22 =	simm.s32 $0x1BFF;
	s21 =	sshll.u32 s5, $0x1;
	s2 =	sadd.s32 s19, s18  }
0x9c: {  	s6 =	simm.s32 $0x0;
	s20 =	sshll.u32 s4, $0x1;
	s4 =	sadd.s32 s21, s2  }
0x9d: {  	[timem:s6], [sflag:s22] =	dma.local [hbm:s4], s20  }
0x9e: {  	_ =	swait.ge [sflag:s22], s20  }
0x9f: {  	s3 =	ssub.s32 $0x0, s20;
	[sflag:s22] =	ssyncset.done $0x0  }
0xa0: {  	[sflag:s22] =	ssyncadd.s32 s3;
	_ =	sdelay $0x1  }
0xa1: {  	s23 =	simm.s32 $0x1B8B  }
0xa2: {  	_ =	swait.ge [sflag:s23], $0x1  }
0xa3: {  	[sflag:s23] =	ssyncset.done $0x0  }
0xa4: {  	s25 =	simm.s32 $0x1B8E;
	s24 =	sld [smem:$0x3FFE];
	[sflag:s23] =	ssyncadd.s32 $0xFFFFFFFF  }
0xa5: {  	s26 =	simm.s32 $execute0_lowered;
	[smem:$0x3FD2] =	sst s25  }
0xa6: {  	s4 =	sshll.u32 s26, $0x1;
	_ =	strace $0x8000004C;
	[dreg:$0x1] =	wrdreg $0xFFFFFFFF  }
0xa7: {  	s28 =	simm.s32 $_size_execute0_lowered;
	s2 =	sadd.s32 s2, s4;
	[dreg:$0x0] =	wrdreg $0x0  }
0xa8: {  	s4 =	sshll.u32 s28, $0x1;
	[dreg:$0x2] =	wrdreg s2  }
0xa9: {  	[dreg:$0x3] =	wrdreg s4  }
0xaa: {  	[dreg:$0x4] =	wrdreg $0xC0  }
0xab: {  	_ =	task [dreg:s6], $0x5FFFF  }
0xac: {  	[dreg:$0x1] =	wrdreg $0xFFFFFFFF  }
0xad: {  	[dreg:$0x0] =	wrdreg $0x60  }
0xae: {  	[dreg:$0x2] =	wrdreg s24  }
0xaf: {  	[dreg:$0x3] =	wrdreg $0x148000  }
0xb0: {  	[dreg:$0x4] =	wrdreg $0x9  }
0xb1: {  	_ =	task.clear_ibuf [dreg:s6], $0x5FFFF;
	_ =	strace $0x9000004C  }
0xb2: {  	s29 =	simm.s32 $0x9;
	_ =	strace $0x8000004E  }
0xb3: {  	_ =	swait.ge [sflag:s29], $0x1  }
0xb4: {  	[sflag:s29] =	ssyncadd.s32 $0xFFFFFFFF  }
0xb5: {  	_ =	strace $0x9000004E  }
0xb6: {  	_ =	sfence  }
0xb7: {  	s30 =	sld [smem:$0x0];
	_ =	sdelay $0x2  }
0xb8: {  	s31 =	sshll.u32 s1, $0xD;
	s1 =	sshrl.u32 s1, $0x2  }
0xb9: {  	s3 =	sand.u32 $0x4000, s31;
	s1 =	sadd.s32 s1, s30  }
0xba: {  	s0 =	sor.u32 s3, s0;
	s1 =	sshll.u32 s1, $0x11  }
0xbb: {  	s0 =	sor.u32 s1, s0  }
0xbc: {  	s0 =	sadd.s32 $0x8F2B, s0  }
0xbd: {  	[sflag:s0] =	ssyncadd.remote.s32 $0x1  }
0xbe: {  	_ =	sfence.sel $0xFFFF  }
0xbf: {  	[dreg:$0x0] =	wrdreg $0xFFFFFFFF;
	(pc) =	sbr.abs _section_cstart, $3  }
0xc0: {  	[dreg:$0x1] =	wrdreg $0xFFFFFFFF  }
0xc1: {  	_ =	task.clear_ibuf [dreg:s6], $0x2FFFF;
	_ =	strace $0x9FFFFFFF  }
0xc2: {  	(tm) =	ssettm $0x7FFFFFFF  }
0xc3: {  	_ =	shalt  }
tec
execute0_lowered:
.L_overlay_start_1:
0x0: {  	(tag) =	ssettag $0x1  }
0x1: {  	s0 =	srdreg.scid  }
0x2: {  	s1 =	rddreg [dreg:$0x0];
	s13 =	stileid.u32  }
0x3: {  	s2 =	rddreg [dreg:$0x1];
	s10 =	simm.s32 $0xD;
	s11 =	simm.s32 $0x60  }
0x4: {  	s12 =	simm.s32 $0x2800;
	s14 =	simm.s32 $0x5800;
	s16 =	simm.s32 $0x8800  }
0x5: {  	s18 =	simm.s32 $0xB800;
	s20 =	simm.s32 $0xE800;
	s28 =	simm.s32 $0x2  }
0x6: {  	s29 =	simm.s32 $0x3;
	s30 =	simm.s32 $0x4;
	s31 =	simm.s32 $0x5  }
0x7: {  	s15 =	simm.s32 $0x9;
	s17 =	simm.s32 $0xA;
	s19 =	simm.s32 $0xB  }
0x8: {  	s21 =	simm.s32 $0xC;
	s0 =	sand.u32 $0x1, s0;
	s6 =	smul.u32 $0x5000, s13  }
0x9: {  	s22 =	smul.u32 $0x14000, s13;
	s26 =	sshll.u32 s13, $0x6;
	s3 =	sshll.u32 s0, $0x4  }
0xa: {  	s7 =	smul.u32 $0x50000, s0;
	s0 =	ssub.s32 $0x2, s0;
	s4 =	sor.u32 s13, s3  }
0xb: {  	s3 =	simm.s32 $0x0;
	s8 =	sshrl.u32 s6, $0x3;
	s9 =	sshrl.u32 s0, $0x1  }
0xc: {  	s23 =	sshrl.u32 s22, $0x2;
	s22 =	simm.s32 $0x11800;
	s13 =	simm.s32 $0x8  }
0xd: {  	s5 =	smul.u32 $0x280, s4;
	[smem:$0x7FF] =	sst s3;
	s4 =	sadd.s32 $0x27E00, s1  }
0xe: {  	s6 =	sadd.s32 s6, s7;
	s8 =	sadd.s32 s8, s1;
	s0 =	ssub.s32 s0, s9  }
0xf: {  	_ =	strace $0x8000004D;
	s6 =	sshrl.u32 s6, $0x3;
	s25 =	sadd.s32 $0x13E00, s8  }
0x10: {  	s9 =	smax.u32 s0, $0x1;
	s0 =	simm.s32 $0x7;
	s5 =	sadd.s32 s5, s1  }
0x11: {  	s1 =	sadd.s32 s6, s1;
	[dreg:$0x4] =	wrdreg s25;
	s24 =	sadd.s32 $0x1DE00, s5  }
0x12: {  	s6 =	sadd.s32 s23, s2;
	s5 =	sadd.s32 $0x22E00, s5;
	[dreg:$0x3] =	wrdreg s24  }
0x13: {  	s23 =	sor.u32 $0x1C0D, s26;
	s1 =	sadd.s32 $0x31C00, s1;
	[dreg:$0x5] =	wrdreg s5  }
0x14: {  	s26 =	simm.s32 $0x1;
	s25 =	simm.s32 $0x1180;
	[dreg:$0x6] =	wrdreg s1  }
0x15: {  	s24 =	sshrl.u32 s6, $0x3;
	s1 =	simm.s32 $0x6;
	s5 =	simm.s32 $0x0  }
.LBB2_1:
0x16: {  	s6 =	rddreg [dreg:$0x3]  }
0x17: {  	[tilespmem:s3], [sflag:$0xD] =	stream.linear.gather [hbm4b:s6+s3], $0x1200, $0x38;
	[tilespmem:$0x19800] =	vst v63  }
0x18: {  	_ =	swait.ge [sflag:s10], $0x1200  }
0x19: {  	[sflag:s10] =	ssyncset.done $0x0  }
0x1a: {  	[sflag:s10] =	ssyncadd.s32 $0xFFFFEE00  }
0x1b: {  	[tilespmem:s12], [sflag:$0x1] =	stream.indirect.gather [hbm4b:s4+s11], $0x80, s3, s11, $0xb8;
	[tilespmem:$0x19800] =	vst v63  }
0x1c: {  	s8 =	simm.s32 $0x80  }
0x1d: {  	[tilespmem:s14], [sflag:$0x2] =	stream.indirect.gather [hbm4b:s4+s11], $0x80, s8, s11, $0xb8;
	[tilespmem:$0x19800] =	vst v63  }
0x1e: {  	s7 =	simm.s32 $0x100  }
0x1f: {  	[tilespmem:s16], [sflag:$0x3] =	stream.indirect.gather [hbm4b:s4+s11], $0x80, s7, s11, $0xb8;
	[tilespmem:$0x19800] =	vst v63  }
0x20: {  	s8 =	simm.s32 $0x180  }
0x21: {  	[tilespmem:s18], [sflag:$0x4] =	stream.indirect.gather [hbm4b:s4+s11], $0x80, s8, s11, $0xb8;
	[tilespmem:$0x19800] =	vst v63  }
0x22: {  	s7 =	simm.s32 $0x200  }
0x23: {  	[tilespmem:s20], [sflag:$0x5] =	stream.indirect.gather [hbm4b:s4+s11], $0x80, s7, s11, $0xb8;
	[tilespmem:$0x19800] =	vst v63  }
0x24: {  	s8 =	simm.s32 $0x280;
	s7 =	rddreg [dreg:$0x4]  }
0x25: {  	[tilespmem:s22], [sflag:$0x6] =	stream.indirect.gather [hbm4b:s4+s11], $0x80, s8, s11, $0xb8;
	[tilespmem:$0x19800] =	vst v63  }
0x26: {  	[spmem:s24], [sflag:s23] =	dma.local [hbm:s7], $0xA00  }
0x27: {  	_ =	swait.ge [sflag:s10], $0xA00  }
0x28: {  	[sflag:s10] =	ssyncset.done $0x0  }
0x29: {  	s7 =	simm.s32 $0x1400;
	s8 =	rddreg [dreg:$0x5];
	[sflag:s10] =	ssyncadd.s32 $0xFFFFF600  }
0x2a: {  	[tilespmem:s7], [sflag:$0xD] =	stream.linear.gather [hbm4b:s8+s3], $0x1200, $0x38;
	[tilespmem:$0x19800] =	vst v63  }
0x2b: {  	_ =	swait.ge [sflag:s10], $0x1200  }
0x2c: {  	[sflag:s10] =	ssyncset.done $0x0  }
0x2d: {  	[sflag:s10] =	ssyncadd.s32 $0xFFFFEE00  }
0x2e: {  	[bflag:$0x0] =	sbarrier.arrive $0xFFFF  }
0x2f: {  	_ =	swait.ge [sflag:s26], $0x3000  }
0x30: {  	[sflag:s26] =	ssyncset.done $0x0  }
0x31: {  	s8 =	simm.s32 $0x1400;
	[sflag:s26] =	ssyncadd.s32 $0xFFFFD000  }
0x32: {  	[spmem:s2] =	stream.indirect.scatter.add.f32 [tilespmem:s12], [sflag:$0x7], $0x80, s8, s11, $0xb8;
	[tilespmem:$0x19800] =	vst v63  }
0x33: {  	_ =	swait.ge [sflag:s28], $0x3000  }
0x34: {  	[sflag:s28] =	ssyncset.done $0x0  }
0x35: {  	s7 =	simm.s32 $0x1480;
	[sflag:s28] =	ssyncadd.s32 $0xFFFFD000  }
0x36: {  	[spmem:s2] =	stream.indirect.scatter.add.f32 [tilespmem:s14], [sflag:$0x8], $0x80, s7, s11, $0xb8;
	[tilespmem:$0x19800] =	vst v63  }
0x37: {  	_ =	swait.ge [sflag:s29], $0x3000  }
0x38: {  	[sflag:s29] =	ssyncset.done $0x0  }
0x39: {  	s8 =	simm.s32 $0x1500;
	[sflag:s29] =	ssyncadd.s32 $0xFFFFD000  }
0x3a: {  	[spmem:s2] =	stream.indirect.scatter.add.f32 [tilespmem:s16], [sflag:$0x9], $0x80, s8, s11, $0xb8;
	[tilespmem:$0x19800] =	vst v63  }
0x3b: {  	_ =	swait.ge [sflag:s30], $0x3000  }
0x3c: {  	[sflag:s30] =	ssyncset.done $0x0  }
0x3d: {  	s7 =	simm.s32 $0x1580;
	[sflag:s30] =	ssyncadd.s32 $0xFFFFD000  }
0x3e: {  	[spmem:s2] =	stream.indirect.scatter.add.f32 [tilespmem:s18], [sflag:$0xA], $0x80, s7, s11, $0xb8;
	[tilespmem:$0x19800] =	vst v63  }
0x3f: {  	_ =	swait.ge [sflag:s31], $0x3000  }
0x40: {  	[sflag:s31] =	ssyncset.done $0x0  }
0x41: {  	s8 =	simm.s32 $0x1600;
	[sflag:s31] =	ssyncadd.s32 $0xFFFFD000  }
0x42: {  	[spmem:s2] =	stream.indirect.scatter.add.f32 [tilespmem:s20], [sflag:$0xB], $0x80, s8, s11, $0xb8;
	[tilespmem:$0x19800] =	vst v63  }
0x43: {  	_ =	swait.ge [sflag:s1], $0x3000  }
0x44: {  	[sflag:s1] =	ssyncset.done $0x0  }
0x45: {  	s7 =	simm.s32 $0x1680;
	[sflag:s1] =	ssyncadd.s32 $0xFFFFD000  }
0x46: {  	[spmem:s2] =	stream.indirect.scatter.add.f32 [tilespmem:s22], [sflag:$0xC], $0x80, s7, s11, $0xb8;
	[tilespmem:$0x19800] =	vst v63  }
0x47: {  	_ =	swait.ge [sflag:s0], $0x3000  }
0x48: {  	[sflag:s0] =	ssyncset.done $0x0  }
0x49: {  	s8 =	simm.s32 $0x300;
	[sflag:s0] =	ssyncadd.s32 $0xFFFFD000  }
0x4a: {  	[tilespmem:s12], [sflag:$0x1] =	stream.indirect.gather [hbm4b:s4+s11], $0x80, s8, s11, $0xb8;
	[tilespmem:$0x19800] =	vst v63  }
0x4b: {  	_ =	swait.ge [sflag:s13], $0x3000  }
0x4c: {  	[sflag:s13] =	ssyncset.done $0x0  }
0x4d: {  	s7 =	simm.s32 $0x380;
	[sflag:s13] =	ssyncadd.s32 $0xFFFFD000  }
0x4e: {  	[tilespmem:s14], [sflag:$0x2] =	stream.indirect.gather [hbm4b:s4+s11], $0x80, s7, s11, $0xb8;
	[tilespmem:$0x19800] =	vst v63  }
0x4f: {  	_ =	swait.ge [sflag:s15], $0x3000  }
0x50: {  	[sflag:s15] =	ssyncset.done $0x0  }
0x51: {  	s8 =	simm.s32 $0x400;
	[sflag:s15] =	ssyncadd.s32 $0xFFFFD000  }
0x52: {  	[tilespmem:s16], [sflag:$0x3] =	stream.indirect.gather [hbm4b:s4+s11], $0x80, s8, s11, $0xb8;
	[tilespmem:$0x19800] =	vst v63  }
0x53: {  	_ =	swait.ge [sflag:s17], $0x3000  }
0x54: {  	[sflag:s17] =	ssyncset.done $0x0  }
0x55: {  	s7 =	simm.s32 $0x480;
	[sflag:s17] =	ssyncadd.s32 $0xFFFFD000  }
0x56: {  	[tilespmem:s18], [sflag:$0x4] =	stream.indirect.gather [hbm4b:s4+s11], $0x80, s7, s11, $0xb8;
	[tilespmem:$0x19800] =	vst v63  }
0x57: {  	_ =	swait.ge [sflag:s19], $0x3000  }
0x58: {  	[sflag:s19] =	ssyncset.done $0x0  }
0x59: {  	s8 =	simm.s32 $0x500;
	[sflag:s19] =	ssyncadd.s32 $0xFFFFD000  }
0x5a: {  	[tilespmem:s20], [sflag:$0x5] =	stream.indirect.gather [hbm4b:s4+s11], $0x80, s8, s11, $0xb8;
	[tilespmem:$0x19800] =	vst v63  }
0x5b: {  	_ =	swait.ge [sflag:s21], $0x3000  }
0x5c: {  	[sflag:s21] =	ssyncset.done $0x0  }
0x5d: {  	s6 =	simm.s32 $0xC00;
	s7 =	simm.s32 $0x580;
	[sflag:s21] =	ssyncadd.s32 $0xFFFFD000  }
.LBB2_2:
0x5e: {  	[tilespmem:s22], [sflag:$0x6] =	stream.indirect.gather [hbm4b:s4+s11], $0x80, s7, s11, $0xb8;
	[tilespmem:$0x19800] =	vst v63  }
0x5f: {  	s7 =	smov.u32 s6;
	s6 =	sadd.s32 $0xC00, s6;
	_ =	swait.ge [sflag:s26], $0x3000  }
0x60: {  	s7 =	sshra.s32 s7, $0x2;
	p0 =	sne.s32 s6, $0x3000;
	[sflag:s26] =	ssyncset.done $0x0  }
0x61: {  	s8 =	sadd.s32 $0x1400, s7;
	[sflag:s26] =	ssyncadd.s32 $0xFFFFD000  }
0x62: {  	[spmem:s2] =	stream.indirect.scatter.add.f32 [tilespmem:s12], [sflag:$0x7], $0x80, s8, s11, $0xb8;
	[tilespmem:$0x19800] =	vst v63  }
0x63: {  	_ =	swait.ge [sflag:s28], $0x3000  }
0x64: {  	[sflag:s28] =	ssyncset.done $0x0  }
0x65: {  	s8 =	sadd.s32 $0x1480, s7;
	[sflag:s28] =	ssyncadd.s32 $0xFFFFD000  }
0x66: {  	[spmem:s2] =	stream.indirect.scatter.add.f32 [tilespmem:s14], [sflag:$0x8], $0x80, s8, s11, $0xb8;
	[tilespmem:$0x19800] =	vst v63  }
0x67: {  	_ =	swait.ge [sflag:s29], $0x3000  }
0x68: {  	[sflag:s29] =	ssyncset.done $0x0  }
0x69: {  	s8 =	sadd.s32 $0x1500, s7;
	[sflag:s29] =	ssyncadd.s32 $0xFFFFD000  }
0x6a: {  	[spmem:s2] =	stream.indirect.scatter.add.f32 [tilespmem:s16], [sflag:$0x9], $0x80, s8, s11, $0xb8;
	[tilespmem:$0x19800] =	vst v63  }
0x6b: {  	_ =	swait.ge [sflag:s30], $0x3000  }
0x6c: {  	[sflag:s30] =	ssyncset.done $0x0  }
0x6d: {  	s8 =	sadd.s32 $0x1580, s7;
	[sflag:s30] =	ssyncadd.s32 $0xFFFFD000  }
0x6e: {  	[spmem:s2] =	stream.indirect.scatter.add.f32 [tilespmem:s18], [sflag:$0xA], $0x80, s8, s11, $0xb8;
	[tilespmem:$0x19800] =	vst v63  }
0x6f: {  	_ =	swait.ge [sflag:s31], $0x3000  }
0x70: {  	[sflag:s31] =	ssyncset.done $0x0  }
0x71: {  	s8 =	sadd.s32 $0x1600, s7;
	[sflag:s31] =	ssyncadd.s32 $0xFFFFD000  }
0x72: {  	[spmem:s2] =	stream.indirect.scatter.add.f32 [tilespmem:s20], [sflag:$0xB], $0x80, s8, s11, $0xb8;
	[tilespmem:$0x19800] =	vst v63  }
0x73: {  	_ =	swait.ge [sflag:s1], $0x3000  }
0x74: {  	[sflag:s1] =	ssyncset.done $0x0  }
0x75: {  	s8 =	sadd.s32 $0x1680, s7;
	[sflag:s1] =	ssyncadd.s32 $0xFFFFD000  }
0x76: {  	[spmem:s2] =	stream.indirect.scatter.add.f32 [tilespmem:s22], [sflag:$0xC], $0x80, s8, s11, $0xb8;
	[tilespmem:$0x19800] =	vst v63  }
0x77: {  	_ =	swait.ge [sflag:s0], $0x3000  }
0x78: {  	[sflag:s0] =	ssyncset.done $0x0  }
0x79: {  	s8 =	sadd.s32 $0x300, s7;
	[sflag:s0] =	ssyncadd.s32 $0xFFFFD000  }
0x7a: {  	[tilespmem:s12], [sflag:$0x1] =	stream.indirect.gather [hbm4b:s4+s11], $0x80, s8, s11, $0xb8;
	[tilespmem:$0x19800] =	vst v63  }
0x7b: {  	_ =	swait.ge [sflag:s13], $0x3000  }
0x7c: {  	[sflag:s13] =	ssyncset.done $0x0  }
0x7d: {  	s8 =	sadd.s32 $0x380, s7;
	[sflag:s13] =	ssyncadd.s32 $0xFFFFD000  }
0x7e: {  	[tilespmem:s14], [sflag:$0x2] =	stream.indirect.gather [hbm4b:s4+s11], $0x80, s8, s11, $0xb8;
	[tilespmem:$0x19800] =	vst v63  }
0x7f: {  	_ =	swait.ge [sflag:s15], $0x3000  }
0x80: {  	[sflag:s15] =	ssyncset.done $0x0  }
0x81: {  	s8 =	sadd.s32 $0x400, s7;
	[sflag:s15] =	ssyncadd.s32 $0xFFFFD000  }
0x82: {  	[tilespmem:s16], [sflag:$0x3] =	stream.indirect.gather [hbm4b:s4+s11], $0x80, s8, s11, $0xb8;
	[tilespmem:$0x19800] =	vst v63  }
0x83: {  	_ =	swait.ge [sflag:s17], $0x3000  }
0x84: {  	[sflag:s17] =	ssyncset.done $0x0  }
0x85: {  	s8 =	sadd.s32 $0x480, s7;
	[sflag:s17] =	ssyncadd.s32 $0xFFFFD000  }
0x86: {  	[tilespmem:s18], [sflag:$0x4] =	stream.indirect.gather [hbm4b:s4+s11], $0x80, s8, s11, $0xb8;
	[tilespmem:$0x19800] =	vst v63  }
0x87: {  	_ =	swait.ge [sflag:s19], $0x3000  }
0x88: {  	[sflag:s19] =	ssyncset.done $0x0  }
.Ltmp0:
0x89: {  	s8 =	sadd.s32 $0x500, s7;
	[sflag:s19] =	ssyncadd.s32 $0xFFFFD000;
	(pc) =	sbr.rel @p0 .LBB2_2-.Ltmp0, $4  }
0x8a: {  	[tilespmem:s20], [sflag:$0x5] =	stream.indirect.gather [hbm4b:s4+s11], $0x80, s8, s11, $0xb8;
	[tilespmem:$0x19800] =	vst v63  }
0x8b: {  	_ =	swait.ge [sflag:s21], $0x3000  }
0x8c: {  	[sflag:s21] =	ssyncset.done $0x0  }
0x8d: {  	s7 =	sadd.s32 $0x580, s7;
	[sflag:s21] =	ssyncadd.s32 $0xFFFFD000  }
0x8e: {  	[tilespmem:s22], [sflag:$0x6] =	stream.indirect.gather [hbm4b:s4+s11], $0x80, s7, s11, $0xb8;
	[tilespmem:$0x19800] =	vst v63  }
0x8f: {  	_ =	swait.ge [sflag:s26], $0x3000  }
0x90: {  	s6 =	sshra.s32 s6, $0x2;
	[sflag:s26] =	ssyncset.done $0x0  }
0x91: {  	s8 =	sadd.s32 $0x1400, s6;
	[sflag:s26] =	ssyncadd.s32 $0xFFFFD000  }
0x92: {  	[spmem:s2] =	stream.indirect.scatter.add.f32 [tilespmem:s12], [sflag:$0x7], $0x80, s8, s11, $0xb8;
	[tilespmem:$0x19800] =	vst v63  }
0x93: {  	_ =	swait.ge [sflag:s28], $0x3000  }
0x94: {  	[sflag:s28] =	ssyncset.done $0x0  }
0x95: {  	s8 =	sadd.s32 $0x1480, s6;
	[sflag:s28] =	ssyncadd.s32 $0xFFFFD000  }
0x96: {  	[spmem:s2] =	stream.indirect.scatter.add.f32 [tilespmem:s14], [sflag:$0x8], $0x80, s8, s11, $0xb8;
	[tilespmem:$0x19800] =	vst v63  }
0x97: {  	_ =	swait.ge [sflag:s29], $0x3000  }
0x98: {  	[sflag:s29] =	ssyncset.done $0x0  }
0x99: {  	s8 =	sadd.s32 $0x1500, s6;
	[sflag:s29] =	ssyncadd.s32 $0xFFFFD000  }
0x9a: {  	[spmem:s2] =	stream.indirect.scatter.add.f32 [tilespmem:s16], [sflag:$0x9], $0x80, s8, s11, $0xb8;
	[tilespmem:$0x19800] =	vst v63  }
0x9b: {  	_ =	swait.ge [sflag:s30], $0x3000  }
0x9c: {  	[sflag:s30] =	ssyncset.done $0x0  }
0x9d: {  	s8 =	sadd.s32 $0x1580, s6;
	[sflag:s30] =	ssyncadd.s32 $0xFFFFD000  }
0x9e: {  	[spmem:s2] =	stream.indirect.scatter.add.f32 [tilespmem:s18], [sflag:$0xA], $0x80, s8, s11, $0xb8;
	[tilespmem:$0x19800] =	vst v63  }
0x9f: {  	_ =	swait.ge [sflag:s31], $0x3000  }
0xa0: {  	[sflag:s31] =	ssyncset.done $0x0  }
0xa1: {  	s8 =	sadd.s32 $0x1600, s6;
	[sflag:s31] =	ssyncadd.s32 $0xFFFFD000  }
0xa2: {  	[spmem:s2] =	stream.indirect.scatter.add.f32 [tilespmem:s20], [sflag:$0xB], $0x80, s8, s11, $0xb8;
	[tilespmem:$0x19800] =	vst v63  }
0xa3: {  	_ =	swait.ge [sflag:s1], $0x3000  }
0xa4: {  	[sflag:s1] =	ssyncset.done $0x0  }
0xa5: {  	s6 =	sadd.s32 $0x1680, s6;
	[sflag:s1] =	ssyncadd.s32 $0xFFFFD000  }
0xa6: {  	[spmem:s2] =	stream.indirect.scatter.add.f32 [tilespmem:s22], [sflag:$0xC], $0x80, s6, s11, $0xb8;
	[tilespmem:$0x19800] =	vst v63  }
0xa7: {  	_ =	swait.ge [sflag:s0], $0x3000  }
0xa8: {  	[sflag:s0] =	ssyncset.done $0x0  }
0xa9: {  	s7 =	simm.s32 $0xF00;
	[sflag:s0] =	ssyncadd.s32 $0xFFFFD000  }
0xaa: {  	[tilespmem:s12], [sflag:$0x1] =	stream.indirect.gather [hbm4b:s4+s11], $0x80, s7, s11, $0xb8;
	[tilespmem:$0x19800] =	vst v63  }
0xab: {  	_ =	swait.ge [sflag:s13], $0x3000  }
0xac: {  	[sflag:s13] =	ssyncset.done $0x0  }
0xad: {  	s8 =	simm.s32 $0xF80;
	[sflag:s13] =	ssyncadd.s32 $0xFFFFD000  }
0xae: {  	[tilespmem:s14], [sflag:$0x2] =	stream.indirect.gather [hbm4b:s4+s11], $0x80, s8, s11, $0xb8;
	[tilespmem:$0x19800] =	vst v63  }
0xaf: {  	_ =	swait.ge [sflag:s15], $0x3000  }
0xb0: {  	[sflag:s15] =	ssyncset.done $0x0  }
0xb1: {  	s7 =	simm.s32 $0x1000;
	[sflag:s15] =	ssyncadd.s32 $0xFFFFD000  }
0xb2: {  	[tilespmem:s16], [sflag:$0x3] =	stream.indirect.gather [hbm4b:s4+s11], $0x80, s7, s11, $0xb8;
	[tilespmem:$0x19800] =	vst v63  }
0xb3: {  	_ =	swait.ge [sflag:s17], $0x3000  }
0xb4: {  	[sflag:s17] =	ssyncset.done $0x0  }
0xb5: {  	s8 =	simm.s32 $0x1080;
	[sflag:s17] =	ssyncadd.s32 $0xFFFFD000  }
0xb6: {  	[tilespmem:s18], [sflag:$0x4] =	stream.indirect.gather [hbm4b:s4+s11], $0x80, s8, s11, $0xb8;
	[tilespmem:$0x19800] =	vst v63  }
0xb7: {  	_ =	swait.ge [sflag:s19], $0x3000  }
0xb8: {  	[sflag:s19] =	ssyncset.done $0x0  }
0xb9: {  	s7 =	simm.s32 $0x1100;
	[sflag:s19] =	ssyncadd.s32 $0xFFFFD000  }
0xba: {  	[tilespmem:s20], [sflag:$0x5] =	stream.indirect.gather [hbm4b:s4+s11], $0x80, s7, s11, $0xb8;
	[tilespmem:$0x19800] =	vst v63  }
0xbb: {  	_ =	swait.ge [sflag:s21], $0x3000  }
0xbc: {  	[sflag:s21] =	ssyncset.done $0x0  }
0xbd: {  	[sflag:s21] =	ssyncadd.s32 $0xFFFFD000  }
0xbe: {  	[tilespmem:s22], [sflag:$0x6] =	stream.indirect.gather [hbm4b:s4+s11], $0x80, s25, s11, $0xb8;
	[tilespmem:$0x19800] =	vst v63  }
0xbf: {  	_ =	swait.ge [sflag:s26], $0x3000  }
0xc0: {  	[sflag:s26] =	ssyncset.done $0x0  }
0xc1: {  	s8 =	simm.s32 $0x2300;
	[sflag:s26] =	ssyncadd.s32 $0xFFFFD000  }
0xc2: {  	[spmem:s2] =	stream.indirect.scatter.add.f32 [tilespmem:s12], [sflag:$0x7], $0x80, s8, s11, $0xb8;
	[tilespmem:$0x19800] =	vst v63  }
0xc3: {  	_ =	swait.ge [sflag:s28], $0x3000  }
0xc4: {  	[sflag:s28] =	ssyncset.done $0x0  }
0xc5: {  	s7 =	simm.s32 $0x2380;
	[sflag:s28] =	ssyncadd.s32 $0xFFFFD000  }
0xc6: {  	[spmem:s2] =	stream.indirect.scatter.add.f32 [tilespmem:s14], [sflag:$0x8], $0x80, s7, s11, $0xb8;
	[tilespmem:$0x19800] =	vst v63  }
0xc7: {  	_ =	swait.ge [sflag:s29], $0x3000  }
0xc8: {  	[sflag:s29] =	ssyncset.done $0x0  }
0xc9: {  	s8 =	simm.s32 $0x2400;
	[sflag:s29] =	ssyncadd.s32 $0xFFFFD000  }
0xca: {  	[spmem:s2] =	stream.indirect.scatter.add.f32 [tilespmem:s16], [sflag:$0x9], $0x80, s8, s11, $0xb8;
	[tilespmem:$0x19800] =	vst v63  }
0xcb: {  	_ =	swait.ge [sflag:s30], $0x3000  }
0xcc: {  	[sflag:s30] =	ssyncset.done $0x0  }
0xcd: {  	s7 =	simm.s32 $0x2480;
	[sflag:s30] =	ssyncadd.s32 $0xFFFFD000  }
0xce: {  	[spmem:s2] =	stream.indirect.scatter.add.f32 [tilespmem:s18], [sflag:$0xA], $0x80, s7, s11, $0xb8;
	[tilespmem:$0x19800] =	vst v63  }
0xcf: {  	_ =	swait.ge [sflag:s31], $0x3000  }
0xd0: {  	[sflag:s31] =	ssyncset.done $0x0  }
0xd1: {  	s8 =	simm.s32 $0x2500;
	[sflag:s31] =	ssyncadd.s32 $0xFFFFD000  }
0xd2: {  	[spmem:s2] =	stream.indirect.scatter.add.f32 [tilespmem:s20], [sflag:$0xB], $0x80, s8, s11, $0xb8;
	[tilespmem:$0x19800] =	vst v63  }
0xd3: {  	_ =	swait.ge [sflag:s1], $0x3000  }
0xd4: {  	[sflag:s1] =	ssyncset.done $0x0  }
0xd5: {  	s7 =	simm.s32 $0x2580;
	[sflag:s1] =	ssyncadd.s32 $0xFFFFD000  }
0xd6: {  	[spmem:s2] =	stream.indirect.scatter.add.f32 [tilespmem:s22], [sflag:$0xC], $0x80, s7, s11, $0xb8;
	[tilespmem:$0x19800] =	vst v63  }
0xd7: {  	_ =	swait.ge [sflag:s0], $0x3000  }
0xd8: {  	[sflag:s0] =	ssyncset.done $0x0  }
0xd9: {  	[sflag:s0] =	ssyncadd.s32 $0xFFFFD000  }
0xda: {  	[tilespmem:s12], [sflag:$0x1] =	stream.indirect.gather [hbm4b:s4+s11], $0x80, s25, s11, $0xb8;
	[tilespmem:$0x19800] =	vst v63  }
0xdb: {  	_ =	swait.ge [sflag:s13], $0x3000  }
0xdc: {  	[sflag:s13] =	ssyncset.done $0x0  }
0xdd: {  	[sflag:s13] =	ssyncadd.s32 $0xFFFFD000  }
0xde: {  	[tilespmem:s14], [sflag:$0x2] =	stream.indirect.gather [hbm4b:s4+s11], $0x80, s25, s11, $0xb8;
	[tilespmem:$0x19800] =	vst v63  }
0xdf: {  	_ =	swait.ge [sflag:s15], $0x3000  }
0xe0: {  	[sflag:s15] =	ssyncset.done $0x0  }
0xe1: {  	[sflag:s15] =	ssyncadd.s32 $0xFFFFD000  }
0xe2: {  	[tilespmem:s16], [sflag:$0x3] =	stream.indirect.gather [hbm4b:s4+s11], $0x80, s25, s11, $0xb8;
	[tilespmem:$0x19800] =	vst v63  }
0xe3: {  	_ =	swait.ge [sflag:s17], $0x3000  }
0xe4: {  	[sflag:s17] =	ssyncset.done $0x0  }
0xe5: {  	[sflag:s17] =	ssyncadd.s32 $0xFFFFD000  }
0xe6: {  	[tilespmem:s18], [sflag:$0x4] =	stream.indirect.gather [hbm4b:s4+s11], $0x80, s25, s11, $0xb8;
	[tilespmem:$0x19800] =	vst v63  }
0xe7: {  	_ =	swait.ge [sflag:s19], $0x3000  }
0xe8: {  	[sflag:s19] =	ssyncset.done $0x0  }
0xe9: {  	[sflag:s19] =	ssyncadd.s32 $0xFFFFD000  }
0xea: {  	[tilespmem:s20], [sflag:$0x5] =	stream.indirect.gather [hbm4b:s4+s11], $0x80, s25, s11, $0xb8;
	[tilespmem:$0x19800] =	vst v63  }
0xeb: {  	_ =	swait.ge [sflag:s21], $0x3000  }
0xec: {  	[sflag:s21] =	ssyncset.done $0x0  }
0xed: {  	[sflag:s21] =	ssyncadd.s32 $0xFFFFD000  }
0xee: {  	[tilespmem:s22], [sflag:$0x6] =	stream.indirect.gather [hbm4b:s4+s11], $0x80, s25, s11, $0xb8;
	[tilespmem:$0x19800] =	vst v63  }
0xef: {  	_ =	swait.ge [sflag:s26], $0x3000  }
0xf0: {  	[sflag:s26] =	ssyncset.done $0x0  }
0xf1: {  	[sflag:s26] =	ssyncadd.s32 $0xFFFFD000  }
0xf2: {  	_ =	swait.ge [sflag:s28], $0x3000  }
0xf3: {  	[sflag:s28] =	ssyncset.done $0x0  }
0xf4: {  	[sflag:s28] =	ssyncadd.s32 $0xFFFFD000  }
0xf5: {  	_ =	swait.ge [sflag:s29], $0x3000  }
0xf6: {  	[sflag:s29] =	ssyncset.done $0x0  }
0xf7: {  	[sflag:s29] =	ssyncadd.s32 $0xFFFFD000  }
0xf8: {  	_ =	swait.ge [sflag:s30], $0x3000  }
0xf9: {  	[sflag:s30] =	ssyncset.done $0x0  }
0xfa: {  	[sflag:s30] =	ssyncadd.s32 $0xFFFFD000  }
0xfb: {  	_ =	swait.ge [sflag:s31], $0x3000  }
0xfc: {  	[sflag:s31] =	ssyncset.done $0x0  }
0xfd: {  	[sflag:s31] =	ssyncadd.s32 $0xFFFFD000  }
0xfe: {  	_ =	swait.ge [sflag:s1], $0x3000  }
0xff: {  	[sflag:s1] =	ssyncset.done $0x0  }
0x100: {  	s5 =	sadd.s32 $0x1, s5;
	[sflag:s1] =	ssyncadd.s32 $0xFFFFD000  }
0x101: {  	p0 =	sne.s32 s5, s9;
	[bflag:$0x0] =	sbarrier.arrive $0xFFFF  }
.Ltmp1:
0x102: {  	s8 =	rddreg [dreg:$0x6];
	(pc) =	sbr.rel @p0 .LBB2_1-.Ltmp1, $4  }
0x103: {  	[hbm:s8], [sflag:s23] =	dma.local [spmem:s24], $0xA00  }
0x104: {  	_ =	swait.ge [sflag:s10], $0xA00  }
0x105: {  	[sflag:s10] =	ssyncset.done $0x0  }
0x106: {  	[sflag:s10] =	ssyncadd.s32 $0xFFFFF600  }
0x107: {  	_ =	sfence.sel $0x180000  }
0x108: {  	[bflag:$0x0] =	sbarrier.arrive $0xFFFF  }
0x109: {  	_ =	strace $0x9000004D  }
0x10a: {  	s0 =	stileid.u32;
	[bflag:$0x2] =	sbarrier.arrive $0xFFFF  }
0x10b: {  	p0 =	sne.s32 s0, $0x0;
	s0 =	rddreg [dreg:$0x2]  }
0x10c: {  	s0 =	sadd.s32 @!p0 $0x100000, s0  }
0x10d: {  	[sflag:s0] =	ssyncadd.tile.s32 @!p0 $0x1;
	_ =	shalt  }
.Lfunc_end2:
_tile_overlayer_lowered:
.L_overlay_start_2:
0x10e: {  	(tag) =	ssettag $0x2  }
0x10f: {  	s0 =	rddreg [dreg:$0x0];
	s2 =	stileid.u32  }
0x110: {  	s1 =	rddreg [dreg:$0x1];
	p0 =	sne.s32 s2, $0x0  }
0x111: {  	s3 =	rddreg [dreg:$0x2];
	[bflag:$0x3] =	sbarrier.arrive $0xFFFF;
	s2 =	simm.s32 @!p0 $0x1C0D  }
0x112: {  	[timem:s3], [sflag:s2] =	dma.local @!p0 [hbm:s0], s1  }
0x113: {  	s0 =	simm.s32 @!p0 $0xD  }
0x114: {  	_ =	swait.ge @!p0 [sflag:s0], s1  }
0x115: {  	s1 =	ssub.s32 @!p0 $0x0, s1;
	[sflag:s0] =	ssyncset.done @!p0 $0x0  }
0x116: {  	[sflag:s0] =	ssyncadd.s32 @!p0 s1  }
0x117: {  	[bflag:$0x3] =	sbarrier.arrive $0xFFFF  }
0x118: {  	_ =	shalt  }

// kernel: kernel.9.cloned.1.call-start
scs
__scs_entry_jumppad:
0x0: {  	(pc) =	sbr.rel $0x88, $3  }
0x1: {  	(tag) =	ssettag $0x0;
	lr =	simm.s32 $0x1  }
0x2: {  	[smem:$0x3F55] =	sst lr;
	_ =	strace $0xD0000000  }
0x3: {  	_ = 	snop  }
0x4: {  	_ = 	snop  }
0x5: {  	_ = 	snop  }
0x6: {  	_ = 	snop  }
0x7: {  	_ = 	snop  }
__scs_overlays_trampoline_lowered:
0x8: {  	[smem:$0x3F64] =	sst s0  }
0x9: {  	[smem:$0x3F65] =	sst s1  }
0xa: {  	[smem:$0x3F66] =	sst s2  }
0xb: {  	[smem:$0x3F67] =	sst s3  }
0xc: {  	[smem:$0x3F68] =	sst s4  }
0xd: {  	[smem:$0x3F69] =	sst s5  }
0xe: {  	[smem:$0x3F6A] =	sst s6  }
0xf: {  	[smem:$0x3F6B] =	sst s7  }
0x10: {  	[smem:$0x3F6C] =	sst s8  }
0x11: {  	[smem:$0x3F6D] =	sst s9;
	s0 =	simm.s32 @!p0 $0x0  }
0x12: {  	s1 =	sld [smem:$0x3F53];
	s0 =	simm.s32 @p0 $0x1  }
0x13: {  	[smem:$0x3F6E] =	sst s0;
	s0 =	simm.s32 @!p1 $0x0  }
0x14: {  	s2 =	sld [smem:$0x3F52];
	s0 =	simm.s32 @p1 $0x1  }
0x15: {  	[smem:$0x3F6F] =	sst s0;
	s0 =	simm.s32 @!p2 $0x0  }
0x16: {  	s3 =	sld [smem:$0x3FDB];
	s0 =	simm.s32 @p2 $0x1  }
0x17: {  	s4 =	simm.s32 $0x1BF5;
	[smem:$0x3F71] =	sst s0  }
0x18: {  	s0 =	sld [smem:$0x3F54];
	_ =	swait.ge [sflag:s4], $0x0  }
0x19: {  	s7 =	sld [smem:$0x3F55]  }
0x1a: {  	s8 =	sadd.s32 $0xFFFFE003, lr  }
0x1b: {  	s9 =	sadd.s32 $0xFFFFFEF7, lr;
	s5 =	simm.s32 $0xFFFFFFFF;
	p2 =	slt.u32 s8, $0xFFFFF086  }
0x1c: {  	p1 =	slt.u32 s9, $0xF7A;
	s5 =	simm.s32 @!p2 $0x0  }
0x1d: {  	s5 =	simm.s32 @p1 $0x1;
	p0 =	seq.s32 s7, s2  }
0x1e: {  	s7 =	smul.u32 @!p0 $0xF7A, s2;
	p2 =	seq.s32 @!p0 s5, $0x0  }
0x1f: {  	s9 =	smul.u32 $0xF7A, s1;
	s8 =	simm.s32 @!p0 $0x1BF5;
	p2 =	por !p2, p0  }
0x20: {  	[sflag:s8] =	ssyncset.s32 @!p0 $0xFFFFF086;
	s6 =	sadd.s32 @!p0 s3, s7;
	s7 =	simm.s32 @!p0 $0x108  }
0x21: {  	s3 =	sadd.s32 s3, s9;
	s6 =	sadd.s32 @!p0 $0x88, s6;
	s7 =	simm.s32 @p2 $0x1082  }
0x22: {  	[simem:s7], [sflag:s8] =	dma.local @!p0 [hbm:s6], $0xF7A  }
0x23: {  	s9 =	sor.u32 $0xD0000000, s2;
	s6 =	simm.s32 $0x108;
	_ =	swait.ge @!p0 [sflag:s8], $0x0  }
0x24: {  	s3 =	sadd.s32 $0x88, s3;
	s6 =	simm.s32 @!p1 $0x1082;
	[sflag:s4] =	ssyncset.s32 $0xFFFFF086  }
0x25: {  	[simem:s6], [sflag:s4] =	dma.local [hbm:s3], $0xF7A  }
0x26: {  	[smem:$0x3F55] =	sst s1;
	(tag) =	ssettag s2;
	_ =	strace s9  }
0x27: {  	s1 =	sld [smem:$0x3F65]  }
0x28: {  	s2 =	sld [smem:$0x3F66]  }
0x29: {  	s4 =	sld [smem:$0x3F68]  }
0x2a: {  	p0 =	seq.s32 s5, $0x0;
	s5 =	sld [smem:$0x3F69]  }
0x2b: {  	s6 =	sld [smem:$0x3F6A]  }
0x2c: {  	s7 =	sld [smem:$0x3F6B]  }
0x2d: {  	s3 =	simm.s32 $0x108;
	s8 =	sld [smem:$0x3F6C]  }
0x2e: {  	s3 =	simm.s32 @!p0 $0x1082;
	s9 =	sld [smem:$0x3F6D]  }
0x2f: {  	lr =	sadd.s32 s0, s3;
	s0 =	sld [smem:$0x3F64]  }
0x30: {  	s3 =	sld [smem:$0x3F67]  }
0x31: {  	[smem:$0x3F70] =	sst s10  }
0x32: {  	s10 =	sld [smem:$0x3F6E];
	_ =	sdelay $0x3  }
0x33: {  	p0 =	seq.s32 s10, $0x1;
	s10 =	sld [smem:$0x3F70];
	_ =	sdelay $0x3  }
0x34: {  	[smem:$0x3F70] =	sst s10  }
0x35: {  	s10 =	sld [smem:$0x3F6F];
	_ =	sdelay $0x3  }
0x36: {  	p1 =	seq.s32 s10, $0x1;
	s10 =	sld [smem:$0x3F70];
	_ =	sdelay $0x3  }
0x37: {  	[smem:$0x3F70] =	sst s10  }
0x38: {  	s10 =	sld [smem:$0x3F71]  }
0x39: {  	_ = 	snop;
	(pc) =	sbr.ind lr, $3  }
0x3a: {  	_ = 	snop  }
0x3b: {  	_ = 	snop  }
0x3c: {  	p2 =	seq.s32 s10, $0x1;
	s10 =	sld [smem:$0x3F70]  }
0x3d: {  	_ =	shalt  }
0x3e: {  	_ =	shalt  }
0x3f: {  	_ =	shalt  }
0x40: {  	_ =	shalt  }
0x41: {  	_ =	shalt  }
0x42: {  	_ =	shalt  }
0x43: {  	_ =	shalt  }
0x44: {  	_ =	shalt  }
0x45: {  	_ =	shalt  }
0x46: {  	_ =	shalt  }
0x47: {  	_ =	shalt  }
0x48: {  	_ =	shalt  }
0x49: {  	_ =	shalt  }
0x4a: {  	_ =	shalt  }
0x4b: {  	_ =	shalt  }
0x4c: {  	_ =	shalt  }
0x4d: {  	_ =	shalt  }
0x4e: {  	_ =	shalt  }
0x4f: {  	_ =	shalt  }
0x50: {  	_ =	shalt  }
0x51: {  	_ =	shalt  }
0x52: {  	_ =	shalt  }
0x53: {  	_ =	shalt  }
0x54: {  	_ =	shalt  }
0x55: {  	_ =	shalt  }
0x56: {  	_ =	shalt  }
0x57: {  	_ =	shalt  }
0x58: {  	_ =	shalt  }
0x59: {  	_ =	shalt  }
0x5a: {  	_ =	shalt  }
0x5b: {  	_ =	shalt  }
0x5c: {  	_ =	shalt  }
0x5d: {  	_ =	shalt  }
0x5e: {  	_ =	shalt  }
0x5f: {  	_ =	shalt  }
0x60: {  	_ =	shalt  }
0x61: {  	_ =	shalt  }
0x62: {  	_ =	shalt  }
0x63: {  	_ =	shalt  }
0x64: {  	_ =	shalt  }
0x65: {  	_ =	shalt  }
0x66: {  	_ =	shalt  }
0x67: {  	_ =	shalt  }
0x68: {  	_ =	shalt  }
0x69: {  	_ =	shalt  }
0x6a: {  	_ =	shalt  }
0x6b: {  	_ =	shalt  }
0x6c: {  	_ =	shalt  }
0x6d: {  	_ =	shalt  }
0x6e: {  	_ =	shalt  }
0x6f: {  	_ =	shalt  }
0x70: {  	_ =	shalt  }
0x71: {  	_ =	shalt  }
0x72: {  	_ =	shalt  }
0x73: {  	_ =	shalt  }
0x74: {  	_ =	shalt  }
0x75: {  	_ =	shalt  }
0x76: {  	_ =	shalt  }
0x77: {  	_ =	shalt  }
0x78: {  	_ =	shalt  }
0x79: {  	_ =	shalt  }
0x7a: {  	_ =	shalt  }
0x7b: {  	_ =	shalt  }
0x7c: {  	_ =	shalt  }
0x7d: {  	_ =	shalt  }
0x7e: {  	_ =	shalt  }
0x7f: {  	_ =	shalt  }
0x80: {  	_ =	shalt  }
0x81: {  	_ =	shalt  }
0x82: {  	_ =	shalt  }
0x83: {  	_ =	shalt  }
0x84: {  	_ =	shalt  }
0x85: {  	_ =	shalt  }
0x86: {  	_ =	shalt  }
0x87: {  	_ =	shalt  }
.Lfunc_end0:
.L_simem_size_0:
called_computation_lowered:
.L_overlay_start_0:
0x88: {  	s2 =	sld [smem:$0x3FD9]  }
0x89: {  	s3 =	sld [smem:$0x3FFE];
	_ =	sdelay $0x1  }
0x8a: {  	s1 =	srdreg.scid  }
0x8b: {  	s0 =	sand.u32 $0x1, s1  }
0x8c: {  	s17 =	sshll.u32 s0, $0xA;
	s2 =	sadd.s32 s3, s2  }
0x8d: {  	s2 =	sadd.s32 s2, s17  }
0x8e: {  	[smem:$0x3F7C] =	sst s2  }
0x8f: {  	_ = 	snop  }
0x90: {  	s2 =	sld [smem:$0x3FD0];
	(tm) =	ssettm $0x1  }
0x91: {  	s18 =	sld [smem:$0x3FFB];
	_ =	sdelay $0x3  }
0x92: {  	_ =	strace s18  }
0x93: {  	s3 =	sld [smem:$0x3FFC];
	_ =	sdelay $0x3  }
0x94: {  	_ =	strace s3  }
0x95: {  	s3 =	sld [smem:$0x3FFD];
	_ =	sdelay $0x3  }
0x96: {  	_ =	strace s3  }
0x97: {  	_ =	strace $0x8FFFFFFF  }
0x98: {  	s19 =	sld [smem:$0x3FDB];
	_ =	sdelay $0x1  }
0x99: {  	s4 =	simm.s32 $_scs_section_size  }
0x9a: {  	s5 =	simm.s32 $_size__tile_overlayer_lowered;
	s6 =	simm.s32 $_tile_overlayer_lowered  }
0x9b: {  	s22 =	simm.s32 $0x1BFF;
	s21 =	sshll.u32 s6, $0x1;
	s3 =	sadd.s32 s4, s19  }
0x9c: {  	s7 =	simm.s32 $0x0;
	s20 =	sshll.u32 s5, $0x1;
	s5 =	sadd.s32 s21, s3  }
0x9d: {  	[timem:s7], [sflag:s22] =	dma.local [hbm:s5], s20  }
0x9e: {  	_ =	swait.ge [sflag:s22], s20  }
0x9f: {  	s4 =	ssub.s32 $0x0, s20;
	[sflag:s22] =	ssyncset.done $0x0  }
0xa0: {  	[sflag:s22] =	ssyncadd.s32 s4;
	_ =	sdelay $0x1  }
0xa1: {  	s23 =	simm.s32 $0x1B8B  }
0xa2: {  	_ =	swait.ge [sflag:s23], $0x1  }
0xa3: {  	[sflag:s23] =	ssyncset.done $0x0  }
0xa4: {  	s25 =	simm.s32 $0x1B8E;
	s24 =	sld [smem:$0x3FFE];
	[sflag:s23] =	ssyncadd.s32 $0xFFFFFFFF  }
0xa5: {  	s26 =	simm.s32 $execute0_lowered;
	[smem:$0x3FD2] =	sst s25  }
0xa6: {  	s5 =	sshll.u32 s26, $0x1;
	_ =	strace $0x80000046;
	[dreg:$0x1] =	wrdreg $0xFFFFFFFF  }
0xa7: {  	s28 =	simm.s32 $_size_execute0_lowered;
	s3 =	sadd.s32 s3, s5;
	[dreg:$0x0] =	wrdreg $0x0  }
0xa8: {  	s5 =	sshll.u32 s28, $0x1;
	[dreg:$0x2] =	wrdreg s3  }
0xa9: {  	[dreg:$0x3] =	wrdreg s5  }
0xaa: {  	[dreg:$0x4] =	wrdreg $0xC0  }
0xab: {  	_ =	task [dreg:s7], $0x5FFFF  }
0xac: {  	[dreg:$0x1] =	wrdreg $0xFFFFFFFF  }
0xad: {  	[dreg:$0x0] =	wrdreg $0x60  }
0xae: {  	[dreg:$0x2] =	wrdreg s2  }
0xaf: {  	[dreg:$0x3] =	wrdreg s24  }
0xb0: {  	[dreg:$0x4] =	wrdreg $0x148000  }
0xb1: {  	[dreg:$0x5] =	wrdreg $0x9  }
0xb2: {  	_ =	task.clear_ibuf [dreg:s7], $0x6FFFF;
	_ =	strace $0x90000046  }
0xb3: {  	s29 =	simm.s32 $0x9;
	_ =	strace $0x80000048  }
0xb4: {  	_ =	swait.ge [sflag:s29], $0x1  }
0xb5: {  	[sflag:s29] =	ssyncadd.s32 $0xFFFFFFFF  }
0xb6: {  	_ =	strace $0x90000048  }
0xb7: {  	_ =	sfence  }
0xb8: {  	s30 =	sld [smem:$0x0];
	_ =	sdelay $0x2  }
0xb9: {  	s31 =	sshll.u32 s1, $0xD;
	s1 =	sshrl.u32 s1, $0x2  }
0xba: {  	s3 =	sand.u32 $0x4000, s31;
	s1 =	sadd.s32 s1, s30  }
0xbb: {  	s0 =	sor.u32 s3, s0;
	s1 =	sshll.u32 s1, $0x11  }
0xbc: {  	s0 =	sor.u32 s1, s0  }
0xbd: {  	s0 =	sadd.s32 $0x8F2B, s0  }
0xbe: {  	[sflag:s0] =	ssyncadd.remote.s32 $0x1  }
0xbf: {  	_ =	sfence.sel $0xFFFF  }
0xc0: {  	[dreg:$0x0] =	wrdreg $0xFFFFFFFF;
	(pc) =	sbr.abs _section_cstart, $3  }
0xc1: {  	[dreg:$0x1] =	wrdreg $0xFFFFFFFF  }
0xc2: {  	_ =	task.clear_ibuf [dreg:s7], $0x2FFFF;
	_ =	strace $0x9FFFFFFF  }
0xc3: {  	(tm) =	ssettm $0x7FFFFFFF  }
tec
execute0_lowered:
.L_overlay_start_1:
0x0: {  	(tag) =	ssettag $0x1  }
0x1: {  	s1 =	rddreg [dreg:$0x0]  }
0x2: {  	s0 =	srdreg.scid;
	s5 =	rddreg [dreg:$0x1]  }
0x3: {  	s13 =	stileid.u32;
	s3 =	rddreg [dreg:$0x2];
	s4 =	simm.s32 $0x0  }
0x4: {  	s10 =	simm.s32 $0xD;
	s11 =	simm.s32 $0x60;
	s12 =	simm.s32 $0x2800  }
0x5: {  	s14 =	simm.s32 $0x5800;
	s16 =	simm.s32 $0x8800;
	s18 =	simm.s32 $0xB800  }
0x6: {  	s20 =	simm.s32 $0xE800;
	s28 =	simm.s32 $0x2;
	s29 =	simm.s32 $0x3  }
0x7: {  	s30 =	simm.s32 $0x4;
	s31 =	simm.s32 $0x5;
	s15 =	simm.s32 $0x9  }
0x8: {  	s17 =	simm.s32 $0xA;
	s19 =	simm.s32 $0xB;
	s6 =	smul.u32 $0x5000, s13  }
0x9: {  	s0 =	sand.u32 $0x1, s0;
	[smem:$0x7FF] =	sst s4;
	s21 =	smul.u32 $0x14000, s13  }
0xa: {  	s26 =	sshll.u32 s13, $0x6;
	s2 =	sshll.u32 s0, $0x4;
	s7 =	smul.u32 $0x50000, s0  }
0xb: {  	_ =	strace $0x80000047;
	s0 =	ssub.s32 $0x2, s0;
	s2 =	sor.u32 s13, s2  }
0xc: {  	s8 =	sshrl.u32 s6, $0x3;
	s9 =	sshrl.u32 s0, $0x1;
	s22 =	sshrl.u32 s21, $0x2  }
0xd: {  	s13 =	simm.s32 $0x8;
	s21 =	simm.s32 $0xC;
	s2 =	smul.u32 $0x280, s2  }
0xe: {  	s6 =	sadd.s32 s6, s7;
	s8 =	sadd.s32 s8, s5;
	s0 =	ssub.s32 s0, s9  }
0xf: {  	s6 =	sshrl.u32 s6, $0x3;
	s24 =	sadd.s32 $0x13E00, s8;
	s9 =	smax.u32 s0, $0x1  }
0x10: {  	s0 =	simm.s32 $0x7;
	s2 =	sadd.s32 s2, s5;
	s5 =	sadd.s32 s6, s5  }
0x11: {  	s6 =	sadd.s32 s22, s3;
	[dreg:$0x5] =	wrdreg s24;
	s23 =	sadd.s32 $0x9E00, s2  }
0x12: {  	s22 =	simm.s32 $0x11800;
	s2 =	sadd.s32 $0xEE00, s2;
	[dreg:$0x4] =	wrdreg s23  }
0x13: {  	s25 =	sadd.s32 $0x1DE00, s5;
	s24 =	sshrl.u32 s6, $0x3;
	[dreg:$0x6] =	wrdreg s2  }
0x14: {  	s5 =	simm.s32 $0x0;
	[dreg:$0x7] =	wrdreg s25;
	s23 =	sor.u32 $0x1C0D, s26  }
0x15: {  	s26 =	simm.s32 $0x1;
	s2 =	simm.s32 $0x6;
	s25 =	simm.s32 $0x1180  }
.LBB2_1:
0x16: {  	s6 =	rddreg [dreg:$0x4]  }
0x17: {  	[tilespmem:s4], [sflag:$0xD] =	stream.linear.gather [hbm4b:s6+s4], $0x1200, $0x38;
	[tilespmem:$0x19800] =	vst v63  }
0x18: {  	_ =	swait.ge [sflag:s10], $0x1200  }
0x19: {  	[sflag:s10] =	ssyncset.done $0x0  }
0x1a: {  	[sflag:s10] =	ssyncadd.s32 $0xFFFFEE00  }
0x1b: {  	[tilespmem:s12], [sflag:$0x1] =	stream.indirect.gather [hbm4b:s1+s11], $0x80, s4, s11, $0xb8;
	[tilespmem:$0x19800] =	vst v63  }
0x1c: {  	s8 =	simm.s32 $0x80  }
0x1d: {  	[tilespmem:s14], [sflag:$0x2] =	stream.indirect.gather [hbm4b:s1+s11], $0x80, s8, s11, $0xb8;
	[tilespmem:$0x19800] =	vst v63  }
0x1e: {  	s7 =	simm.s32 $0x100  }
0x1f: {  	[tilespmem:s16], [sflag:$0x3] =	stream.indirect.gather [hbm4b:s1+s11], $0x80, s7, s11, $0xb8;
	[tilespmem:$0x19800] =	vst v63  }
0x20: {  	s8 =	simm.s32 $0x180  }
0x21: {  	[tilespmem:s18], [sflag:$0x4] =	stream.indirect.gather [hbm4b:s1+s11], $0x80, s8, s11, $0xb8;
	[tilespmem:$0x19800] =	vst v63  }
0x22: {  	s7 =	simm.s32 $0x200  }
0x23: {  	[tilespmem:s20], [sflag:$0x5] =	stream.indirect.gather [hbm4b:s1+s11], $0x80, s7, s11, $0xb8;
	[tilespmem:$0x19800] =	vst v63  }
0x24: {  	s8 =	simm.s32 $0x280;
	s7 =	rddreg [dreg:$0x5]  }
0x25: {  	[tilespmem:s22], [sflag:$0x6] =	stream.indirect.gather [hbm4b:s1+s11], $0x80, s8, s11, $0xb8;
	[tilespmem:$0x19800] =	vst v63  }
0x26: {  	[spmem:s24], [sflag:s23] =	dma.local [hbm:s7], $0xA00  }
0x27: {  	_ =	swait.ge [sflag:s10], $0xA00  }
0x28: {  	[sflag:s10] =	ssyncset.done $0x0  }
0x29: {  	s7 =	simm.s32 $0x1400;
	s8 =	rddreg [dreg:$0x6];
	[sflag:s10] =	ssyncadd.s32 $0xFFFFF600  }
0x2a: {  	[tilespmem:s7], [sflag:$0xD] =	stream.linear.gather [hbm4b:s8+s4], $0x1200, $0x38;
	[tilespmem:$0x19800] =	vst v63  }
0x2b: {  	_ =	swait.ge [sflag:s10], $0x1200  }
0x2c: {  	[sflag:s10] =	ssyncset.done $0x0  }
0x2d: {  	[sflag:s10] =	ssyncadd.s32 $0xFFFFEE00  }
0x2e: {  	[bflag:$0x0] =	sbarrier.arrive $0xFFFF  }
0x2f: {  	_ =	swait.ge [sflag:s26], $0x3000  }
0x30: {  	[sflag:s26] =	ssyncset.done $0x0  }
0x31: {  	s8 =	simm.s32 $0x1400;
	[sflag:s26] =	ssyncadd.s32 $0xFFFFD000  }
0x32: {  	[spmem:s3] =	stream.indirect.scatter.add.f32 [tilespmem:s12], [sflag:$0x7], $0x80, s8, s11, $0xb8;
	[tilespmem:$0x19800] =	vst v63  }
0x33: {  	_ =	swait.ge [sflag:s28], $0x3000  }
0x34: {  	[sflag:s28] =	ssyncset.done $0x0  }
0x35: {  	s7 =	simm.s32 $0x1480;
	[sflag:s28] =	ssyncadd.s32 $0xFFFFD000  }
0x36: {  	[spmem:s3] =	stream.indirect.scatter.add.f32 [tilespmem:s14], [sflag:$0x8], $0x80, s7, s11, $0xb8;
	[tilespmem:$0x19800] =	vst v63  }
0x37: {  	_ =	swait.ge [sflag:s29], $0x3000  }
0x38: {  	[sflag:s29] =	ssyncset.done $0x0  }
0x39: {  	s8 =	simm.s32 $0x1500;
	[sflag:s29] =	ssyncadd.s32 $0xFFFFD000  }
0x3a: {  	[spmem:s3] =	stream.indirect.scatter.add.f32 [tilespmem:s16], [sflag:$0x9], $0x80, s8, s11, $0xb8;
	[tilespmem:$0x19800] =	vst v63  }
0x3b: {  	_ =	swait.ge [sflag:s30], $0x3000  }
0x3c: {  	[sflag:s30] =	ssyncset.done $0x0  }
0x3d: {  	s7 =	simm.s32 $0x1580;
	[sflag:s30] =	ssyncadd.s32 $0xFFFFD000  }
0x3e: {  	[spmem:s3] =	stream.indirect.scatter.add.f32 [tilespmem:s18], [sflag:$0xA], $0x80, s7, s11, $0xb8;
	[tilespmem:$0x19800] =	vst v63  }
0x3f: {  	_ =	swait.ge [sflag:s31], $0x3000  }
0x40: {  	[sflag:s31] =	ssyncset.done $0x0  }
0x41: {  	s8 =	simm.s32 $0x1600;
	[sflag:s31] =	ssyncadd.s32 $0xFFFFD000  }
0x42: {  	[spmem:s3] =	stream.indirect.scatter.add.f32 [tilespmem:s20], [sflag:$0xB], $0x80, s8, s11, $0xb8;
	[tilespmem:$0x19800] =	vst v63  }
0x43: {  	_ =	swait.ge [sflag:s2], $0x3000  }
0x44: {  	[sflag:s2] =	ssyncset.done $0x0  }
0x45: {  	s7 =	simm.s32 $0x1680;
	[sflag:s2] =	ssyncadd.s32 $0xFFFFD000  }
0x46: {  	[spmem:s3] =	stream.indirect.scatter.add.f32 [tilespmem:s22], [sflag:$0xC], $0x80, s7, s11, $0xb8;
	[tilespmem:$0x19800] =	vst v63  }
0x47: {  	_ =	swait.ge [sflag:s0], $0x3000  }
0x48: {  	[sflag:s0] =	ssyncset.done $0x0  }
0x49: {  	s8 =	simm.s32 $0x300;
	[sflag:s0] =	ssyncadd.s32 $0xFFFFD000  }
0x4a: {  	[tilespmem:s12], [sflag:$0x1] =	stream.indirect.gather [hbm4b:s1+s11], $0x80, s8, s11, $0xb8;
	[tilespmem:$0x19800] =	vst v63  }
0x4b: {  	_ =	swait.ge [sflag:s13], $0x3000  }
0x4c: {  	[sflag:s13] =	ssyncset.done $0x0  }
0x4d: {  	s7 =	simm.s32 $0x380;
	[sflag:s13] =	ssyncadd.s32 $0xFFFFD000  }
0x4e: {  	[tilespmem:s14], [sflag:$0x2] =	stream.indirect.gather [hbm4b:s1+s11], $0x80, s7, s11, $0xb8;
	[tilespmem:$0x19800] =	vst v63  }
0x4f: {  	_ =	swait.ge [sflag:s15], $0x3000  }
0x50: {  	[sflag:s15] =	ssyncset.done $0x0  }
0x51: {  	s8 =	simm.s32 $0x400;
	[sflag:s15] =	ssyncadd.s32 $0xFFFFD000  }
0x52: {  	[tilespmem:s16], [sflag:$0x3] =	stream.indirect.gather [hbm4b:s1+s11], $0x80, s8, s11, $0xb8;
	[tilespmem:$0x19800] =	vst v63  }
0x53: {  	_ =	swait.ge [sflag:s17], $0x3000  }
0x54: {  	[sflag:s17] =	ssyncset.done $0x0  }
0x55: {  	s7 =	simm.s32 $0x480;
	[sflag:s17] =	ssyncadd.s32 $0xFFFFD000  }
0x56: {  	[tilespmem:s18], [sflag:$0x4] =	stream.indirect.gather [hbm4b:s1+s11], $0x80, s7, s11, $0xb8;
	[tilespmem:$0x19800] =	vst v63  }
0x57: {  	_ =	swait.ge [sflag:s19], $0x3000  }
0x58: {  	[sflag:s19] =	ssyncset.done $0x0  }
0x59: {  	s8 =	simm.s32 $0x500;
	[sflag:s19] =	ssyncadd.s32 $0xFFFFD000  }
0x5a: {  	[tilespmem:s20], [sflag:$0x5] =	stream.indirect.gather [hbm4b:s1+s11], $0x80, s8, s11, $0xb8;
	[tilespmem:$0x19800] =	vst v63  }
0x5b: {  	_ =	swait.ge [sflag:s21], $0x3000  }
0x5c: {  	[sflag:s21] =	ssyncset.done $0x0  }
0x5d: {  	s6 =	simm.s32 $0xC00;
	s7 =	simm.s32 $0x580;
	[sflag:s21] =	ssyncadd.s32 $0xFFFFD000  }
.LBB2_2:
0x5e: {  	[tilespmem:s22], [sflag:$0x6] =	stream.indirect.gather [hbm4b:s1+s11], $0x80, s7, s11, $0xb8;
	[tilespmem:$0x19800] =	vst v63  }
0x5f: {  	s7 =	smov.u32 s6;
	s6 =	sadd.s32 $0xC00, s6;
	_ =	swait.ge [sflag:s26], $0x3000  }
0x60: {  	s7 =	sshra.s32 s7, $0x2;
	p0 =	sne.s32 s6, $0x3000;
	[sflag:s26] =	ssyncset.done $0x0  }
0x61: {  	s8 =	sadd.s32 $0x1400, s7;
	[sflag:s26] =	ssyncadd.s32 $0xFFFFD000  }
0x62: {  	[spmem:s3] =	stream.indirect.scatter.add.f32 [tilespmem:s12], [sflag:$0x7], $0x80, s8, s11, $0xb8;
	[tilespmem:$0x19800] =	vst v63  }
0x63: {  	_ =	swait.ge [sflag:s28], $0x3000  }
0x64: {  	[sflag:s28] =	ssyncset.done $0x0  }
0x65: {  	s8 =	sadd.s32 $0x1480, s7;
	[sflag:s28] =	ssyncadd.s32 $0xFFFFD000  }
0x66: {  	[spmem:s3] =	stream.indirect.scatter.add.f32 [tilespmem:s14], [sflag:$0x8], $0x80, s8, s11, $0xb8;
	[tilespmem:$0x19800] =	vst v63  }
0x67: {  	_ =	swait.ge [sflag:s29], $0x3000  }
0x68: {  	[sflag:s29] =	ssyncset.done $0x0  }
0x69: {  	s8 =	sadd.s32 $0x1500, s7;
	[sflag:s29] =	ssyncadd.s32 $0xFFFFD000  }
0x6a: {  	[spmem:s3] =	stream.indirect.scatter.add.f32 [tilespmem:s16], [sflag:$0x9], $0x80, s8, s11, $0xb8;
	[tilespmem:$0x19800] =	vst v63  }
0x6b: {  	_ =	swait.ge [sflag:s30], $0x3000  }
0x6c: {  	[sflag:s30] =	ssyncset.done $0x0  }
0x6d: {  	s8 =	sadd.s32 $0x1580, s7;
	[sflag:s30] =	ssyncadd.s32 $0xFFFFD000  }
0x6e: {  	[spmem:s3] =	stream.indirect.scatter.add.f32 [tilespmem:s18], [sflag:$0xA], $0x80, s8, s11, $0xb8;
	[tilespmem:$0x19800] =	vst v63  }
0x6f: {  	_ =	swait.ge [sflag:s31], $0x3000  }
0x70: {  	[sflag:s31] =	ssyncset.done $0x0  }
0x71: {  	s8 =	sadd.s32 $0x1600, s7;
	[sflag:s31] =	ssyncadd.s32 $0xFFFFD000  }
0x72: {  	[spmem:s3] =	stream.indirect.scatter.add.f32 [tilespmem:s20], [sflag:$0xB], $0x80, s8, s11, $0xb8;
	[tilespmem:$0x19800] =	vst v63  }
0x73: {  	_ =	swait.ge [sflag:s2], $0x3000  }
0x74: {  	[sflag:s2] =	ssyncset.done $0x0  }
0x75: {  	s8 =	sadd.s32 $0x1680, s7;
	[sflag:s2] =	ssyncadd.s32 $0xFFFFD000  }
0x76: {  	[spmem:s3] =	stream.indirect.scatter.add.f32 [tilespmem:s22], [sflag:$0xC], $0x80, s8, s11, $0xb8;
	[tilespmem:$0x19800] =	vst v63  }
0x77: {  	_ =	swait.ge [sflag:s0], $0x3000  }
0x78: {  	[sflag:s0] =	ssyncset.done $0x0  }
0x79: {  	s8 =	sadd.s32 $0x300, s7;
	[sflag:s0] =	ssyncadd.s32 $0xFFFFD000  }
0x7a: {  	[tilespmem:s12], [sflag:$0x1] =	stream.indirect.gather [hbm4b:s1+s11], $0x80, s8, s11, $0xb8;
	[tilespmem:$0x19800] =	vst v63  }
0x7b: {  	_ =	swait.ge [sflag:s13], $0x3000  }
0x7c: {  	[sflag:s13] =	ssyncset.done $0x0  }
0x7d: {  	s8 =	sadd.s32 $0x380, s7;
	[sflag:s13] =	ssyncadd.s32 $0xFFFFD000  }
0x7e: {  	[tilespmem:s14], [sflag:$0x2] =	stream.indirect.gather [hbm4b:s1+s11], $0x80, s8, s11, $0xb8;
	[tilespmem:$0x19800] =	vst v63  }
0x7f: {  	_ =	swait.ge [sflag:s15], $0x3000  }
0x80: {  	[sflag:s15] =	ssyncset.done $0x0  }
0x81: {  	s8 =	sadd.s32 $0x400, s7;
	[sflag:s15] =	ssyncadd.s32 $0xFFFFD000  }
0x82: {  	[tilespmem:s16], [sflag:$0x3] =	stream.indirect.gather [hbm4b:s1+s11], $0x80, s8, s11, $0xb8;
	[tilespmem:$0x19800] =	vst v63  }
0x83: {  	_ =	swait.ge [sflag:s17], $0x3000  }
0x84: {  	[sflag:s17] =	ssyncset.done $0x0  }
0x85: {  	s8 =	sadd.s32 $0x480, s7;
	[sflag:s17] =	ssyncadd.s32 $0xFFFFD000  }
0x86: {  	[tilespmem:s18], [sflag:$0x4] =	stream.indirect.gather [hbm4b:s1+s11], $0x80, s8, s11, $0xb8;
	[tilespmem:$0x19800] =	vst v63  }
0x87: {  	_ =	swait.ge [sflag:s19], $0x3000  }
0x88: {  	[sflag:s19] =	ssyncset.done $0x0  }
.Ltmp0:
0x89: {  	s8 =	sadd.s32 $0x500, s7;
	[sflag:s19] =	ssyncadd.s32 $0xFFFFD000;
	(pc) =	sbr.rel @p0 .LBB2_2-.Ltmp0, $4  }
0x8a: {  	[tilespmem:s20], [sflag:$0x5] =	stream.indirect.gather [hbm4b:s1+s11], $0x80, s8, s11, $0xb8;
	[tilespmem:$0x19800] =	vst v63  }
0x8b: {  	_ =	swait.ge [sflag:s21], $0x3000  }
0x8c: {  	[sflag:s21] =	ssyncset.done $0x0  }
0x8d: {  	s7 =	sadd.s32 $0x580, s7;
	[sflag:s21] =	ssyncadd.s32 $0xFFFFD000  }
0x8e: {  	[tilespmem:s22], [sflag:$0x6] =	stream.indirect.gather [hbm4b:s1+s11], $0x80, s7, s11, $0xb8;
	[tilespmem:$0x19800] =	vst v63  }
0x8f: {  	_ =	swait.ge [sflag:s26], $0x3000  }
0x90: {  	s6 =	sshra.s32 s6, $0x2;
	[sflag:s26] =	ssyncset.done $0x0  }
0x91: {  	s8 =	sadd.s32 $0x1400, s6;
	[sflag:s26] =	ssyncadd.s32 $0xFFFFD000  }
0x92: {  	[spmem:s3] =	stream.indirect.scatter.add.f32 [tilespmem:s12], [sflag:$0x7], $0x80, s8, s11, $0xb8;
	[tilespmem:$0x19800] =	vst v63  }
0x93: {  	_ =	swait.ge [sflag:s28], $0x3000  }
0x94: {  	[sflag:s28] =	ssyncset.done $0x0  }
0x95: {  	s8 =	sadd.s32 $0x1480, s6;
	[sflag:s28] =	ssyncadd.s32 $0xFFFFD000  }
0x96: {  	[spmem:s3] =	stream.indirect.scatter.add.f32 [tilespmem:s14], [sflag:$0x8], $0x80, s8, s11, $0xb8;
	[tilespmem:$0x19800] =	vst v63  }
0x97: {  	_ =	swait.ge [sflag:s29], $0x3000  }
0x98: {  	[sflag:s29] =	ssyncset.done $0x0  }
0x99: {  	s8 =	sadd.s32 $0x1500, s6;
	[sflag:s29] =	ssyncadd.s32 $0xFFFFD000  }
0x9a: {  	[spmem:s3] =	stream.indirect.scatter.add.f32 [tilespmem:s16], [sflag:$0x9], $0x80, s8, s11, $0xb8;
	[tilespmem:$0x19800] =	vst v63  }
0x9b: {  	_ =	swait.ge [sflag:s30], $0x3000  }
0x9c: {  	[sflag:s30] =	ssyncset.done $0x0  }
0x9d: {  	s8 =	sadd.s32 $0x1580, s6;
	[sflag:s30] =	ssyncadd.s32 $0xFFFFD000  }
0x9e: {  	[spmem:s3] =	stream.indirect.scatter.add.f32 [tilespmem:s18], [sflag:$0xA], $0x80, s8, s11, $0xb8;
	[tilespmem:$0x19800] =	vst v63  }
0x9f: {  	_ =	swait.ge [sflag:s31], $0x3000  }
0xa0: {  	[sflag:s31] =	ssyncset.done $0x0  }
0xa1: {  	s8 =	sadd.s32 $0x1600, s6;
	[sflag:s31] =	ssyncadd.s32 $0xFFFFD000  }
0xa2: {  	[spmem:s3] =	stream.indirect.scatter.add.f32 [tilespmem:s20], [sflag:$0xB], $0x80, s8, s11, $0xb8;
	[tilespmem:$0x19800] =	vst v63  }
0xa3: {  	_ =	swait.ge [sflag:s2], $0x3000  }
0xa4: {  	[sflag:s2] =	ssyncset.done $0x0  }
0xa5: {  	s6 =	sadd.s32 $0x1680, s6;
	[sflag:s2] =	ssyncadd.s32 $0xFFFFD000  }
0xa6: {  	[spmem:s3] =	stream.indirect.scatter.add.f32 [tilespmem:s22], [sflag:$0xC], $0x80, s6, s11, $0xb8;
	[tilespmem:$0x19800] =	vst v63  }
0xa7: {  	_ =	swait.ge [sflag:s0], $0x3000  }
0xa8: {  	[sflag:s0] =	ssyncset.done $0x0  }
0xa9: {  	s7 =	simm.s32 $0xF00;
	[sflag:s0] =	ssyncadd.s32 $0xFFFFD000  }
0xaa: {  	[tilespmem:s12], [sflag:$0x1] =	stream.indirect.gather [hbm4b:s1+s11], $0x80, s7, s11, $0xb8;
	[tilespmem:$0x19800] =	vst v63  }
0xab: {  	_ =	swait.ge [sflag:s13], $0x3000  }
0xac: {  	[sflag:s13] =	ssyncset.done $0x0  }
0xad: {  	s8 =	simm.s32 $0xF80;
	[sflag:s13] =	ssyncadd.s32 $0xFFFFD000  }
0xae: {  	[tilespmem:s14], [sflag:$0x2] =	stream.indirect.gather [hbm4b:s1+s11], $0x80, s8, s11, $0xb8;
	[tilespmem:$0x19800] =	vst v63  }
0xaf: {  	_ =	swait.ge [sflag:s15], $0x3000  }
0xb0: {  	[sflag:s15] =	ssyncset.done $0x0  }
0xb1: {  	s7 =	simm.s32 $0x1000;
	[sflag:s15] =	ssyncadd.s32 $0xFFFFD000  }
0xb2: {  	[tilespmem:s16], [sflag:$0x3] =	stream.indirect.gather [hbm4b:s1+s11], $0x80, s7, s11, $0xb8;
	[tilespmem:$0x19800] =	vst v63  }
0xb3: {  	_ =	swait.ge [sflag:s17], $0x3000  }
0xb4: {  	[sflag:s17] =	ssyncset.done $0x0  }
0xb5: {  	s8 =	simm.s32 $0x1080;
	[sflag:s17] =	ssyncadd.s32 $0xFFFFD000  }
0xb6: {  	[tilespmem:s18], [sflag:$0x4] =	stream.indirect.gather [hbm4b:s1+s11], $0x80, s8, s11, $0xb8;
	[tilespmem:$0x19800] =	vst v63  }
0xb7: {  	_ =	swait.ge [sflag:s19], $0x3000  }
0xb8: {  	[sflag:s19] =	ssyncset.done $0x0  }
0xb9: {  	s7 =	simm.s32 $0x1100;
	[sflag:s19] =	ssyncadd.s32 $0xFFFFD000  }
0xba: {  	[tilespmem:s20], [sflag:$0x5] =	stream.indirect.gather [hbm4b:s1+s11], $0x80, s7, s11, $0xb8;
	[tilespmem:$0x19800] =	vst v63  }
0xbb: {  	_ =	swait.ge [sflag:s21], $0x3000  }
0xbc: {  	[sflag:s21] =	ssyncset.done $0x0  }
0xbd: {  	[sflag:s21] =	ssyncadd.s32 $0xFFFFD000  }
0xbe: {  	[tilespmem:s22], [sflag:$0x6] =	stream.indirect.gather [hbm4b:s1+s11], $0x80, s25, s11, $0xb8;
	[tilespmem:$0x19800] =	vst v63  }
0xbf: {  	_ =	swait.ge [sflag:s26], $0x3000  }
0xc0: {  	[sflag:s26] =	ssyncset.done $0x0  }
0xc1: {  	s8 =	simm.s32 $0x2300;
	[sflag:s26] =	ssyncadd.s32 $0xFFFFD000  }
0xc2: {  	[spmem:s3] =	stream.indirect.scatter.add.f32 [tilespmem:s12], [sflag:$0x7], $0x80, s8, s11, $0xb8;
	[tilespmem:$0x19800] =	vst v63  }
0xc3: {  	_ =	swait.ge [sflag:s28], $0x3000  }
0xc4: {  	[sflag:s28] =	ssyncset.done $0x0  }
0xc5: {  	s7 =	simm.s32 $0x2380;
	[sflag:s28] =	ssyncadd.s32 $0xFFFFD000  }
0xc6: {  	[spmem:s3] =	stream.indirect.scatter.add.f32 [tilespmem:s14], [sflag:$0x8], $0x80, s7, s11, $0xb8;
	[tilespmem:$0x19800] =	vst v63  }
0xc7: {  	_ =	swait.ge [sflag:s29], $0x3000  }
0xc8: {  	[sflag:s29] =	ssyncset.done $0x0  }
0xc9: {  	s8 =	simm.s32 $0x2400;
	[sflag:s29] =	ssyncadd.s32 $0xFFFFD000  }
0xca: {  	[spmem:s3] =	stream.indirect.scatter.add.f32 [tilespmem:s16], [sflag:$0x9], $0x80, s8, s11, $0xb8;
	[tilespmem:$0x19800] =	vst v63  }
0xcb: {  	_ =	swait.ge [sflag:s30], $0x3000  }
0xcc: {  	[sflag:s30] =	ssyncset.done $0x0  }
0xcd: {  	s7 =	simm.s32 $0x2480;
	[sflag:s30] =	ssyncadd.s32 $0xFFFFD000  }
0xce: {  	[spmem:s3] =	stream.indirect.scatter.add.f32 [tilespmem:s18], [sflag:$0xA], $0x80, s7, s11, $0xb8;
	[tilespmem:$0x19800] =	vst v63  }
0xcf: {  	_ =	swait.ge [sflag:s31], $0x3000  }
0xd0: {  	[sflag:s31] =	ssyncset.done $0x0  }
0xd1: {  	s8 =	simm.s32 $0x2500;
	[sflag:s31] =	ssyncadd.s32 $0xFFFFD000  }
0xd2: {  	[spmem:s3] =	stream.indirect.scatter.add.f32 [tilespmem:s20], [sflag:$0xB], $0x80, s8, s11, $0xb8;
	[tilespmem:$0x19800] =	vst v63  }
0xd3: {  	_ =	swait.ge [sflag:s2], $0x3000  }
0xd4: {  	[sflag:s2] =	ssyncset.done $0x0  }
0xd5: {  	s7 =	simm.s32 $0x2580;
	[sflag:s2] =	ssyncadd.s32 $0xFFFFD000  }
0xd6: {  	[spmem:s3] =	stream.indirect.scatter.add.f32 [tilespmem:s22], [sflag:$0xC], $0x80, s7, s11, $0xb8;
	[tilespmem:$0x19800] =	vst v63  }
0xd7: {  	_ =	swait.ge [sflag:s0], $0x3000  }
0xd8: {  	[sflag:s0] =	ssyncset.done $0x0  }
0xd9: {  	[sflag:s0] =	ssyncadd.s32 $0xFFFFD000  }
0xda: {  	[tilespmem:s12], [sflag:$0x1] =	stream.indirect.gather [hbm4b:s1+s11], $0x80, s25, s11, $0xb8;
	[tilespmem:$0x19800] =	vst v63  }
0xdb: {  	_ =	swait.ge [sflag:s13], $0x3000  }
0xdc: {  	[sflag:s13] =	ssyncset.done $0x0  }
0xdd: {  	[sflag:s13] =	ssyncadd.s32 $0xFFFFD000  }
0xde: {  	[tilespmem:s14], [sflag:$0x2] =	stream.indirect.gather [hbm4b:s1+s11], $0x80, s25, s11, $0xb8;
	[tilespmem:$0x19800] =	vst v63  }
0xdf: {  	_ =	swait.ge [sflag:s15], $0x3000  }
0xe0: {  	[sflag:s15] =	ssyncset.done $0x0  }
0xe1: {  	[sflag:s15] =	ssyncadd.s32 $0xFFFFD000  }
0xe2: {  	[tilespmem:s16], [sflag:$0x3] =	stream.indirect.gather [hbm4b:s1+s11], $0x80, s25, s11, $0xb8;
	[tilespmem:$0x19800] =	vst v63  }
0xe3: {  	_ =	swait.ge [sflag:s17], $0x3000  }
0xe4: {  	[sflag:s17] =	ssyncset.done $0x0  }
0xe5: {  	[sflag:s17] =	ssyncadd.s32 $0xFFFFD000  }
0xe6: {  	[tilespmem:s18], [sflag:$0x4] =	stream.indirect.gather [hbm4b:s1+s11], $0x80, s25, s11, $0xb8;
	[tilespmem:$0x19800] =	vst v63  }
0xe7: {  	_ =	swait.ge [sflag:s19], $0x3000  }
0xe8: {  	[sflag:s19] =	ssyncset.done $0x0  }
0xe9: {  	[sflag:s19] =	ssyncadd.s32 $0xFFFFD000  }
0xea: {  	[tilespmem:s20], [sflag:$0x5] =	stream.indirect.gather [hbm4b:s1+s11], $0x80, s25, s11, $0xb8;
	[tilespmem:$0x19800] =	vst v63  }
0xeb: {  	_ =	swait.ge [sflag:s21], $0x3000  }
0xec: {  	[sflag:s21] =	ssyncset.done $0x0  }
0xed: {  	[sflag:s21] =	ssyncadd.s32 $0xFFFFD000  }
0xee: {  	[tilespmem:s22], [sflag:$0x6] =	stream.indirect.gather [hbm4b:s1+s11], $0x80, s25, s11, $0xb8;
	[tilespmem:$0x19800] =	vst v63  }
0xef: {  	_ =	swait.ge [sflag:s26], $0x3000  }
0xf0: {  	[sflag:s26] =	ssyncset.done $0x0  }
0xf1: {  	[sflag:s26] =	ssyncadd.s32 $0xFFFFD000  }
0xf2: {  	_ =	swait.ge [sflag:s28], $0x3000  }
0xf3: {  	[sflag:s28] =	ssyncset.done $0x0  }
0xf4: {  	[sflag:s28] =	ssyncadd.s32 $0xFFFFD000  }
0xf5: {  	_ =	swait.ge [sflag:s29], $0x3000  }
0xf6: {  	[sflag:s29] =	ssyncset.done $0x0  }
0xf7: {  	[sflag:s29] =	ssyncadd.s32 $0xFFFFD000  }
0xf8: {  	_ =	swait.ge [sflag:s30], $0x3000  }
0xf9: {  	[sflag:s30] =	ssyncset.done $0x0  }
0xfa: {  	[sflag:s30] =	ssyncadd.s32 $0xFFFFD000  }
0xfb: {  	_ =	swait.ge [sflag:s31], $0x3000  }
0xfc: {  	[sflag:s31] =	ssyncset.done $0x0  }
0xfd: {  	[sflag:s31] =	ssyncadd.s32 $0xFFFFD000  }
0xfe: {  	_ =	swait.ge [sflag:s2], $0x3000  }
0xff: {  	[sflag:s2] =	ssyncset.done $0x0  }
0x100: {  	s5 =	sadd.s32 $0x1, s5;
	[sflag:s2] =	ssyncadd.s32 $0xFFFFD000  }
0x101: {  	p0 =	sne.s32 s5, s9;
	[bflag:$0x0] =	sbarrier.arrive $0xFFFF  }
.Ltmp1:
0x102: {  	s8 =	rddreg [dreg:$0x7];
	(pc) =	sbr.rel @p0 .LBB2_1-.Ltmp1, $4  }
0x103: {  	[hbm:s8], [sflag:s23] =	dma.local [spmem:s24], $0xA00  }
0x104: {  	_ =	swait.ge [sflag:s10], $0xA00  }
0x105: {  	[sflag:s10] =	ssyncset.done $0x0  }
0x106: {  	[sflag:s10] =	ssyncadd.s32 $0xFFFFF600  }
0x107: {  	_ =	sfence.sel $0x180000  }
0x108: {  	[bflag:$0x0] =	sbarrier.arrive $0xFFFF  }
0x109: {  	_ =	strace $0x90000047  }
0x10a: {  	s0 =	stileid.u32;
	[bflag:$0x2] =	sbarrier.arrive $0xFFFF  }
0x10b: {  	p0 =	sne.s32 s0, $0x0;
	s0 =	rddreg [dreg:$0x3]  }
0x10c: {  	s0 =	sadd.s32 @!p0 $0x100000, s0  }
0x10d: {  	[sflag:s0] =	ssyncadd.tile.s32 @!p0 $0x1;
	_ =	shalt  }
.Lfunc_end2:
_tile_overlayer_lowered:
.L_overlay_start_2:
0x10e: {  	(tag) =	ssettag $0x2  }
0x10f: {  	s0 =	rddreg [dreg:$0x0];
	s2 =	stileid.u32  }
0x110: {  	s1 =	rddreg [dreg:$0x1];
	p0 =	sne.s32 s2, $0x0  }
0x111: {  	s3 =	rddreg [dreg:$0x2];
	[bflag:$0x3] =	sbarrier.arrive $0xFFFF;
	s2 =	simm.s32 @!p0 $0x1C0D  }
0x112: {  	[timem:s3], [sflag:s2] =	dma.local @!p0 [hbm:s0], s1  }
0x113: {  	s0 =	simm.s32 @!p0 $0xD  }
0x114: {  	_ =	swait.ge @!p0 [sflag:s0], s1  }
0x115: {  	s1 =	ssub.s32 @!p0 $0x0, s1;
	[sflag:s0] =	ssyncset.done @!p0 $0x0  }
0x116: {  	[sflag:s0] =	ssyncadd.s32 @!p0 s1  }
0x117: {  	[bflag:$0x3] =	sbarrier.arrive $0xFFFF  }
0x118: {  	_ =	shalt  }

</sc_bundles>
